<compile_context>
chip_gen: v7x
topology: tpu7x:2x2x1
jax: 0.10.2.dev20260603
libtpu: 0.0.44.dev20260713+nightly
codegen_flags: <defaults>
</compile_context>

<pallas_src>
import functools

import jax
import jax.numpy as jnp
from jax import lax
from jax.experimental import pallas as pl
from jax.experimental.pallas import tpu as pltpu
from jax.experimental.pallas import tpu_sc as plsc

MAX_NORM = 0.175

NUM_ROWS = 150000
NPAD = 150528
NCOL = 1176
NB = 16384
NJ = 200
NT = NB // 128
NW = 32
TB = 8
PJ = NT // TB
PJ_SHIFT = PJ.bit_length() - 1
UNITS = NJ * PJ
UNITS_PER_W = UNITS // NW
D = 8


def _prep_body(x_ref, y_ref, z_ref, o_ref):
    x = x_ref[...]
    y = y_ref[...]
    z = z_ref[...]
    n = jnp.sqrt(x * x + y * y + z * z)
    scale = jnp.where(n > MAX_NORM, MAX_NORM / jnp.maximum(n, 1e-7), 1.0)
    xs = x * scale
    ys = y * scale
    zs = z * scale
    def pair(lo, hi):
        l16 = jax.lax.bitcast_convert_type(lo.astype(jnp.bfloat16),
                                           jnp.uint16).astype(jnp.uint32)
        h16 = jax.lax.bitcast_convert_type(hi.astype(jnp.bfloat16),
                                           jnp.uint16).astype(jnp.uint32)
        return (l16 | (h16 << 16)).astype(jnp.int32)

    o_ref[0] = pair(-zs, ys)
    o_ref[1] = pair(zs, -xs)
    o_ref[2] = pair(-ys, xs)
    zero = jnp.zeros_like(xs, jnp.int32)
    o_ref[3] = zero
    o_ref[4] = zero
    o_ref[5] = zero
    o_ref[6] = zero
    o_ref[7] = zero


_prep = pl.pallas_call(
    _prep_body,
    out_shape=jax.ShapeDtypeStruct((D, NCOL, 128), jnp.int32),
)


def _gather_body(t_hbm, idx_hbm, out_hbm,
                 spmem_t, idx_v0, idx_v1, rows_v0, rows_v1, outbuf_v0,
                 outbuf_v1, sem_i0, sem_i1, sem_g0, sem_g1, sem_o0, sem_o1):
    c = lax.axis_index("c")
    s = lax.axis_index("s")
    wid = s * 2 + c
    base = wid * UNITS_PER_W
    nlast = UNITS_PER_W - 1

    rows_per_sub = NPAD // 16
    pltpu.sync_copy(t_hbm.at[pl.ds(s * rows_per_sub, rows_per_sub)],
                    spmem_t.at[pl.ds(s * rows_per_sub, rows_per_sub)])
    plsc.subcore_barrier()
    slot = ((idx_v0, rows_v0, outbuf_v0, sem_i0, sem_g0, sem_o0),
            (idx_v1, rows_v1, outbuf_v1, sem_i1, sem_g1, sem_o1))

    def ju(n):
        u = base + jnp.minimum(n, nlast)
        return u >> PJ_SHIFT, u & (PJ - 1)

    def start_idx(n, b):
        j, tb = ju(n)
        idx_v, _, _, sem_i, _, _ = slot[b]
        pltpu.async_copy(idx_hbm.at[j, pl.ds(tb * TB * 128, TB * 128)],
                         idx_v, sem_i)

    def start_gathers(n, b):
        idx_v, rows_v, _, sem_i, sem_g, _ = slot[b]
        pltpu.make_async_copy(idx_hbm.at[0, pl.ds(0, TB * 128)], idx_v,
                              sem_i).wait()
        pltpu.async_copy(spmem_t.at[idx_v], rows_v, sem_g)

    def wait_gathers(b):
        idx_v, rows_v, _, _, sem_g, _ = slot[b]
        pltpu.make_async_copy(spmem_t.at[idx_v], rows_v, sem_g).wait()

    def drain_out(b):
        _, _, outbuf_v, _, _, sem_o = slot[b]
        for k in range(3):
            pltpu.make_async_copy(out_hbm.at[0, pl.ds(0, TB)],
                                  outbuf_v.at[k], sem_o).wait()

    def compact(b):
        _, rows_v, outbuf_v, _, _, _ = slot[b]

        def comp(m, carry2):
            i0 = m * 16 + lax.iota(jnp.int32, 16)
            tp = m >> 3
            lb = (m & 7) * 16
            for k in range(3):
                i1 = jnp.full((16,), k, jnp.int32)
                g = plsc.load_gather(rows_v, [i0, i1])
                lo, hi = plsc.unpack(plsc.bitcast(g, jnp.bfloat16),
                                     format=plsc.PackFormat.INTERLEAVED)
                outbuf_v[k, tp, 0, pl.ds(lb, 16)] = lo
                outbuf_v[k, tp, 1, pl.ds(lb, 16)] = hi
            return carry2

        lax.fori_loop(0, TB * 8, comp, 0, unroll=8)

    def start_out(n, b):
        j, tb = ju(n)
        _, _, outbuf_v, _, _, sem_o = slot[b]
        for k in range(3):
            pltpu.async_copy(outbuf_v.at[k],
                             out_hbm.at[j * 3 + k, pl.ds(tb * TB, TB)],
                             sem_o)

    start_idx(0, 0)
    start_gathers(0, 0)
    start_idx(1, 1)

    def pipe(g, carry):
        for b in (0, 1):
            n = g * 2 + b
            nb = 1 - b

            @pl.when(n + 1 <= nlast)
            def _():
                start_gathers(n + 1, nb)

            wait_gathers(b)

            @pl.when(n + 2 <= nlast)
            def _():
                start_idx(n + 2, b)

            @pl.when(n >= 2)
            def _():
                drain_out(b)

            compact(b)
            start_out(n, b)
        return carry

    lax.fori_loop(0, UNITS_PER_W // 2, pipe, 0)
    drain_out(0)
    drain_out(1)


@functools.cache
def _make_gather():
    return pl.kernel(
        _gather_body,
        mesh=plsc.VectorSubcoreMesh(core_axis_name="c", subcore_axis_name="s"),
        compiler_params=pltpu.CompilerParams(
            use_tc_tiling_on_sc=False, needs_layout_passes=False,
            disable_bounds_checks=True),
        out_type=jax.ShapeDtypeStruct((NJ * 3, NT, 2, 128), jnp.float32),
        scratch_types=[
            pltpu.VMEM_SHARED((NPAD, D), jnp.int32),
            pltpu.VMEM((TB * 128,), jnp.int32),
            pltpu.VMEM((TB * 128,), jnp.int32),
            pltpu.VMEM((TB * 128, D), jnp.int32),
            pltpu.VMEM((TB * 128, D), jnp.int32),
            pltpu.VMEM((3, TB, 2, 128), jnp.float32),
            pltpu.VMEM((3, TB, 2, 128), jnp.float32),
            pltpu.SemaphoreType.DMA,
            pltpu.SemaphoreType.DMA,
            pltpu.SemaphoreType.DMA,
            pltpu.SemaphoreType.DMA,
            pltpu.SemaphoreType.DMA,
            pltpu.SemaphoreType.DMA,
        ],
    )


def kernel(idx, table):
    nb, nl = idx.shape
    table_p = jnp.zeros((NPAD, 3), jnp.float32).at[:NUM_ROWS].set(table)
    xc = table_p[:, 0].reshape(NCOL, 128)
    yc = table_p[:, 1].reshape(NCOL, 128)
    zc = table_p[:, 2].reshape(NCOL, 128)
    cols = _prep(xc, yc, zc)
    t8 = jnp.transpose(cols, (1, 2, 0)).reshape(NPAD, D)
    idx_t = jnp.transpose(idx.astype(jnp.int32)).reshape(NJ, NT * 128)
    out = _make_gather()(t8, idx_t)
    a = out.reshape(NJ, 3, NT, 2, 128)
    b = jnp.transpose(a, (2, 4, 0, 1, 3))
    return b.reshape(nb, nl, 3, 2)

# --- scband reference (transcript-rebuilt; emitter-appended) ---
"""Pipeline reference for scband-my-model-61933428414995 (READ-ONLY COPY).

The authoritative reference and input builder live on the scoring server;
editing this copy changes nothing except your own understanding.
"""

import jax, jax.numpy as jnp
import numpy as np

NUM_VIEWS = 150000
MAX_NORM = 0.175


def get_matrix(r):
    x = r[..., 0]
    y = r[..., 1]
    z = r[..., 2]
    R = jnp.stack([-z, y, z, -x, -y, x], axis=-1)
    return R.reshape(*x.shape, 3, 2)


def setup_inputs(seed: int = 0) -> dict:
    key = jax.random.key(seed)
    k1, k2 = jax.random.split(key)
    idx = jax.random.randint(k1, (16384, 200), 0, NUM_VIEWS)
    # Learned parameter: pose_update_r table [150000, 3].
    # (Original init is zeros; use small random values so the max_norm
    #  renorm path is actually exercised in the reference.)
    table = jax.random.normal(k2, (NUM_VIEWS, 3), dtype=jnp.float32) * 0.1
    return {"idx": idx, "table": table}


def reference(idx, table):
    # F.embedding with max_norm: rows whose L2 norm exceeds max_norm are
    # renormalized to max_norm before lookup. Functionally equivalent to
    # scaling each gathered vector.
    emb = jnp.take(table, idx, axis=0)
    norm = jnp.linalg.norm(emb, axis=-1, keepdims=True)
    scale = jnp.where(norm > MAX_NORM, MAX_NORM / jnp.maximum(norm, 1e-7), 1.0)
    r = emb * scale
    T = get_matrix(r)
    return T

if __name__ == "__main__":
    import jax
    _d = setup_inputs()
    print(jax.jit(kernel)(*tuple(_d.values())))

</pallas_src>

<mosaic_0001>
#map = affine_map<(d0, d1) -> (0, 0)>
#map1 = affine_map<(d0, d1) -> (0, 0, 0, 0)>
module attributes {stable_mosaic.version = 14 : i64} {
  func.func @_gather_body(%arg0: i32, %arg1: i32, %arg2: memref<150528x8xi32, #tpu.memory_space<hbm>>, %arg3: memref<200x16384xi32, #tpu.memory_space<hbm>>, %arg4: memref<600x128x2x128xf32, #tpu.memory_space<hbm>>, %arg5: memref<150528x8xi32, #tpu.memory_space<vmem_shared>>, %arg6: memref<1024xi32, #tpu.memory_space<vmem>>, %arg7: memref<1024xi32, #tpu.memory_space<vmem>>, %arg8: memref<1024x8xi32, #tpu.memory_space<vmem>>, %arg9: memref<1024x8xi32, #tpu.memory_space<vmem>>, %arg10: memref<3x8x2x128xf32, #tpu.memory_space<vmem>>, %arg11: memref<3x8x2x128xf32, #tpu.memory_space<vmem>>, %arg12: memref<!tpu.dma_semaphore, #tpu.memory_space<semaphore_mem>>, %arg13: memref<!tpu.dma_semaphore, #tpu.memory_space<semaphore_mem>>, %arg14: memref<!tpu.dma_semaphore, #tpu.memory_space<semaphore_mem>>, %arg15: memref<!tpu.dma_semaphore, #tpu.memory_space<semaphore_mem>>, %arg16: memref<!tpu.dma_semaphore, #tpu.memory_space<semaphore_mem>>, %arg17: memref<!tpu.dma_semaphore, #tpu.memory_space<semaphore_mem>>) attributes {dimension_semantics = [#tpu.dimension_semantics<core_parallel>, #tpu.dimension_semantics<subcore_parallel>], iteration_bounds = array<i64: 2, 16>, scalar_prefetch = 0 : i64, scratch_operands = 13 : i64, tpu.core_type = #tpu.core_type<sc_vector_subcore>, window_params = [{transform_indices = #map}, {transform_indices = #map}, {transform_indices = #map1}]} {
    %mul3A = arith.constant 2 : i32
    %mul3A_0 = arith.muli %arg1, %mul3A : i32
    %add3A = arith.addi %mul3A_0, %arg0 : i32
    %mul3A_1 = arith.constant 100 : i32
    %mul3A_2 = arith.muli %add3A, %mul3A_1 : i32
    %mul3A_3 = arith.constant 9408 : i32
    %mul3A_4 = arith.muli %arg1, %mul3A_3 : i32
    %mul3A_5 = arith.constant 9408 : i32
    %mul3A_6 = arith.muli %arg1, %mul3A_5 : i32
    "tpu.region"() ({
      %run_scoped3A = tpu.sem_alloc : memref<!tpu.dma_semaphore, #tpu.memory_space<semaphore_mem>>
      %dma_start3A_181 = arith.constant 0 : i32
      %dma_start3A_182 = tpu.memref_slice %arg5[%mul3A_6, %dma_start3A_181] : memref<150528x8xi32, #tpu.memory_space<vmem_shared>> -> memref<9408x8xi32, #tpu.memory_space<vmem_shared>>
      %dma_start3A_183 = arith.constant 0 : i32
      %dma_start3A_184 = tpu.memref_slice %arg2[%mul3A_4, %dma_start3A_183] : memref<150528x8xi32, #tpu.memory_space<hbm>> -> memref<9408x8xi32, #tpu.memory_space<hbm>>
      tpu.enqueue_dma source(%dma_start3A_184 : memref<9408x8xi32, #tpu.memory_space<hbm>>) target(%dma_start3A_182 : memref<9408x8xi32, #tpu.memory_space<vmem_shared>>) target_semaphore(%run_scoped3A : memref<!tpu.dma_semaphore, #tpu.memory_space<semaphore_mem>>)
      %dma_wait3A_185 = arith.constant 0 : i32
      %dma_wait3A_186 = tpu.memref_slice %arg5[%mul3A_6, %dma_wait3A_185] : memref<150528x8xi32, #tpu.memory_space<vmem_shared>> -> memref<9408x8xi32, #tpu.memory_space<vmem_shared>>
      %dma_wait3A_187 = arith.constant 0 : i32
      %dma_wait3A_188 = tpu.memref_slice %arg2[%mul3A_4, %dma_wait3A_187] : memref<150528x8xi32, #tpu.memory_space<hbm>> -> memref<9408x8xi32, #tpu.memory_space<hbm>>
      tpu.wait_dma2 semaphore(%run_scoped3A : memref<!tpu.dma_semaphore, #tpu.memory_space<semaphore_mem>>) src(%dma_wait3A_188 : memref<9408x8xi32, #tpu.memory_space<hbm>>) dst(%dma_wait3A_186 : memref<9408x8xi32, #tpu.memory_space<vmem_shared>>)
      tpu.yield
    }) : () -> ()
    %barrier3A = arith.constant 0 : index
    tpu.barrier barrier_id(%barrier3A)
    %min3A = arith.constant 0 : i32
    %min3A_7 = arith.constant 99 : i32
    %min3A_8 = arith.minsi %min3A, %min3A_7 : i32
    %add3A_9 = arith.addi %mul3A_2, %min3A_8 : i32
    %shift_right_arithmetic3A = arith.constant 4 : i32
    %shift_right_arithmetic3A_10 = arith.shrsi %add3A_9, %shift_right_arithmetic3A : i32
    %and3A = arith.constant 15 : i32
    %and3A_11 = arith.andi %add3A_9, %and3A : i32
    %mul3A_12 = arith.constant 8 : i32
    %mul3A_13 = arith.muli %and3A_11, %mul3A_12 : i32
    %mul3A_14 = arith.constant 128 : i32
    %mul3A_15 = arith.muli %mul3A_13, %mul3A_14 : i32
    %dma_start3A = tpu.memref_slice %arg3[%shift_right_arithmetic3A_10, %mul3A_15] : memref<200x16384xi32, #tpu.memory_space<hbm>> -> memref<1x1024xi32, #tpu.memory_space<hbm>>
    %dma_start3A_16 = tpu.memref_squeeze %dma_start3A : memref<1x1024xi32, #tpu.memory_space<hbm>> -> memref<1024xi32, #tpu.memory_space<hbm>>
    %dma_start3A_17 = tpu.memref_slice %arg3[%shift_right_arithmetic3A_10, %mul3A_15] : memref<200x16384xi32, #tpu.memory_space<hbm>> -> memref<1x1024xi32, #tpu.memory_space<hbm>>
    %dma_start3A_18 = tpu.memref_squeeze %dma_start3A_17 : memref<1x1024xi32, #tpu.memory_space<hbm>> -> memref<1024xi32, #tpu.memory_space<hbm>>
    tpu.enqueue_dma source(%dma_start3A_18 : memref<1024xi32, #tpu.memory_space<hbm>>) target(%arg6 : memref<1024xi32, #tpu.memory_space<vmem>>) target_semaphore(%arg12 : memref<!tpu.dma_semaphore, #tpu.memory_space<semaphore_mem>>)
    %dma_wait3A = arith.constant 0 : i32
    %dma_wait3A_19 = arith.constant 0 : i32
    %dma_wait3A_20 = tpu.memref_slice %arg3[%dma_wait3A, %dma_wait3A_19] : memref<200x16384xi32, #tpu.memory_space<hbm>> -> memref<1x1024xi32, #tpu.memory_space<hbm>>
    %dma_wait3A_21 = tpu.memref_squeeze %dma_wait3A_20 : memref<1x1024xi32, #tpu.memory_space<hbm>> -> memref<1024xi32, #tpu.memory_space<hbm>>
    %dma_wait3A_22 = arith.constant 0 : i32
    %dma_wait3A_23 = tpu.memref_slice %arg3[%dma_wait3A, %dma_wait3A_22] : memref<200x16384xi32, #tpu.memory_space<hbm>> -> memref<1x1024xi32, #tpu.memory_space<hbm>>
    %dma_wait3A_24 = tpu.memref_squeeze %dma_wait3A_23 : memref<1x1024xi32, #tpu.memory_space<hbm>> -> memref<1024xi32, #tpu.memory_space<hbm>>
    tpu.wait_dma2 semaphore(%arg12 : memref<!tpu.dma_semaphore, #tpu.memory_space<semaphore_mem>>) src(%dma_wait3A_24 : memref<1024xi32, #tpu.memory_space<hbm>>) dst(%arg6 : memref<1024xi32, #tpu.memory_space<vmem>>)
    %dma_start3A_25 = arith.constant 0 : i32
    %dma_start3A_26 = arith.constant 0 : i32
    %dma_start3A_27 = tpu.memref_slice %arg5[%dma_start3A_25, %dma_start3A_26] : memref<150528x8xi32, #tpu.memory_space<vmem_shared>> -> memref<150528x8xi32, #tpu.memory_space<vmem_shared>>
    tpu.enqueue_indirect_dma source(%dma_start3A_27 : memref<150528x8xi32, #tpu.memory_space<vmem_shared>>) target(%arg8 : memref<1024x8xi32, #tpu.memory_space<vmem>>) offsets(%arg6 : memref<1024xi32, #tpu.memory_space<vmem>>) semaphore(%arg14 : memref<!tpu.dma_semaphore, #tpu.memory_space<semaphore_mem>>)
    %min3A_28 = arith.constant 1 : i32
    %min3A_29 = arith.constant 99 : i32
    %min3A_30 = arith.minsi %min3A_28, %min3A_29 : i32
    %add3A_31 = arith.addi %mul3A_2, %min3A_30 : i32
    %shift_right_arithmetic3A_32 = arith.constant 4 : i32
    %shift_right_arithmetic3A_33 = arith.shrsi %add3A_31, %shift_right_arithmetic3A_32 : i32
    %and3A_34 = arith.constant 15 : i32
    %and3A_35 = arith.andi %add3A_31, %and3A_34 : i32
    %mul3A_36 = arith.constant 8 : i32
    %mul3A_37 = arith.muli %and3A_35, %mul3A_36 : i32
    %mul3A_38 = arith.constant 128 : i32
    %mul3A_39 = arith.muli %mul3A_37, %mul3A_38 : i32
    %dma_start3A_40 = tpu.memref_slice %arg3[%shift_right_arithmetic3A_33, %mul3A_39] : memref<200x16384xi32, #tpu.memory_space<hbm>> -> memref<1x1024xi32, #tpu.memory_space<hbm>>
    %dma_start3A_41 = tpu.memref_squeeze %dma_start3A_40 : memref<1x1024xi32, #tpu.memory_space<hbm>> -> memref<1024xi32, #tpu.memory_space<hbm>>
    %dma_start3A_42 = tpu.memref_slice %arg3[%shift_right_arithmetic3A_33, %mul3A_39] : memref<200x16384xi32, #tpu.memory_space<hbm>> -> memref<1x1024xi32, #tpu.memory_space<hbm>>
    %dma_start3A_43 = tpu.memref_squeeze %dma_start3A_42 : memref<1x1024xi32, #tpu.memory_space<hbm>> -> memref<1024xi32, #tpu.memory_space<hbm>>
    tpu.enqueue_dma source(%dma_start3A_43 : memref<1024xi32, #tpu.memory_space<hbm>>) target(%arg7 : memref<1024xi32, #tpu.memory_space<vmem>>) target_semaphore(%arg13 : memref<!tpu.dma_semaphore, #tpu.memory_space<semaphore_mem>>)
    %scan3A = arith.constant 0 : i32
    %scan3A_44 = arith.constant 0 : i32
    %scan3A_45 = arith.constant 50 : i32
    %scan3A_46 = arith.addi %scan3A_44, %scan3A_45 : i32
    %scan3A_47 = arith.constant 1 : i32
    scf.for %scan3A_181 = %scan3A_44 to %scan3A_46 step %scan3A_47  : i32 {
      %mul3A_182 = arith.constant 2 : i32
      %mul3A_183 = arith.muli %scan3A_181, %mul3A_182 : i32
      %add3A_184 = arith.constant 0 : i32
      %add3A_185 = arith.addi %mul3A_183, %add3A_184 : i32
      %add3A_186 = arith.constant 1 : i32
      %add3A_187 = arith.addi %add3A_185, %add3A_186 : i32
      %le3A = arith.constant 99 : i32
      %le3A_188 = arith.cmpi sle, %add3A_187, %le3A : i32
      %convert_element_type3A = arith.extui %le3A_188 : i1 to i32
      %cond3A = arith.constant 0 : i32
      %cond3A_189 = arith.cmpi ne, %convert_element_type3A, %cond3A : i32
      scf.if %cond3A_189 {
        %add3A_406 = arith.constant 1 : i32
        %add3A_407 = arith.addi %add3A_185, %add3A_406 : i32
        %dma_wait3A_408 = arith.constant 0 : i32
        %dma_wait3A_409 = arith.constant 0 : i32
        %dma_wait3A_410 = tpu.memref_slice %arg3[%dma_wait3A_408, %dma_wait3A_409] : memref<200x16384xi32, #tpu.memory_space<hbm>> -> memref<1x1024xi32, #tpu.memory_space<hbm>>
        %dma_wait3A_411 = tpu.memref_squeeze %dma_wait3A_410 : memref<1x1024xi32, #tpu.memory_space<hbm>> -> memref<1024xi32, #tpu.memory_space<hbm>>
        %dma_wait3A_412 = arith.constant 0 : i32
        %dma_wait3A_413 = tpu.memref_slice %arg3[%dma_wait3A_408, %dma_wait3A_412] : memref<200x16384xi32, #tpu.memory_space<hbm>> -> memref<1x1024xi32, #tpu.memory_space<hbm>>
        %dma_wait3A_414 = tpu.memref_squeeze %dma_wait3A_413 : memref<1x1024xi32, #tpu.memory_space<hbm>> -> memref<1024xi32, #tpu.memory_space<hbm>>
        tpu.wait_dma2 semaphore(%arg13 : memref<!tpu.dma_semaphore, #tpu.memory_space<semaphore_mem>>) src(%dma_wait3A_414 : memref<1024xi32, #tpu.memory_space<hbm>>) dst(%arg7 : memref<1024xi32, #tpu.memory_space<vmem>>)
        %dma_start3A_415 = arith.constant 0 : i32
        %dma_start3A_416 = arith.constant 0 : i32
        %dma_start3A_417 = tpu.memref_slice %arg5[%dma_start3A_415, %dma_start3A_416] : memref<150528x8xi32, #tpu.memory_space<vmem_shared>> -> memref<150528x8xi32, #tpu.memory_space<vmem_shared>>
        tpu.enqueue_indirect_dma source(%dma_start3A_417 : memref<150528x8xi32, #tpu.memory_space<vmem_shared>>) target(%arg9 : memref<1024x8xi32, #tpu.memory_space<vmem>>) offsets(%arg7 : memref<1024xi32, #tpu.memory_space<vmem>>) semaphore(%arg15 : memref<!tpu.dma_semaphore, #tpu.memory_space<semaphore_mem>>)
      } else {
      }
      %dma_wait3A_190 = arith.constant 0 : i32
      %dma_wait3A_191 = arith.constant 0 : i32
      %dma_wait3A_192 = tpu.memref_slice %arg5[%dma_wait3A_190, %dma_wait3A_191] : memref<150528x8xi32, #tpu.memory_space<vmem_shared>> -> memref<150528x8xi32, #tpu.memory_space<vmem_shared>>
      tpu.wait_indirect_dma semaphore(%arg14 : memref<!tpu.dma_semaphore, #tpu.memory_space<semaphore_mem>>) src(%dma_wait3A_192 : memref<150528x8xi32, #tpu.memory_space<vmem_shared>>) dst(%arg8 : memref<1024x8xi32, #tpu.memory_space<vmem>>)
      %add3A_193 = arith.constant 2 : i32
      %add3A_194 = arith.addi %add3A_185, %add3A_193 : i32
      %le3A_195 = arith.constant 99 : i32
      %le3A_196 = arith.cmpi sle, %add3A_194, %le3A_195 : i32
      %convert_element_type3A_197 = arith.extui %le3A_196 : i1 to i32
      %cond3A_198 = arith.constant 0 : i32
      %cond3A_199 = arith.cmpi ne, %convert_element_type3A_197, %cond3A_198 : i32
      scf.if %cond3A_199 {
        %add3A_406 = arith.constant 2 : i32
        %add3A_407 = arith.addi %add3A_185, %add3A_406 : i32
        %min3A_408 = arith.constant 99 : i32
        %min3A_409 = arith.minsi %add3A_407, %min3A_408 : i32
        %add3A_410 = arith.addi %mul3A_2, %min3A_409 : i32
        %shift_right_arithmetic3A_411 = arith.constant 4 : i32
        %shift_right_arithmetic3A_412 = arith.shrsi %add3A_410, %shift_right_arithmetic3A_411 : i32
        %and3A_413 = arith.constant 15 : i32
        %and3A_414 = arith.andi %add3A_410, %and3A_413 : i32
        %mul3A_415 = arith.constant 8 : i32
        %mul3A_416 = arith.muli %and3A_414, %mul3A_415 : i32
        %mul3A_417 = arith.constant 128 : i32
        %mul3A_418 = arith.muli %mul3A_416, %mul3A_417 : i32
        %dma_start3A_419 = tpu.memref_slice %arg3[%shift_right_arithmetic3A_412, %mul3A_418] : memref<200x16384xi32, #tpu.memory_space<hbm>> -> memref<1x1024xi32, #tpu.memory_space<hbm>>
        %dma_start3A_420 = tpu.memref_squeeze %dma_start3A_419 : memref<1x1024xi32, #tpu.memory_space<hbm>> -> memref<1024xi32, #tpu.memory_space<hbm>>
        %dma_start3A_421 = tpu.memref_slice %arg3[%shift_right_arithmetic3A_412, %mul3A_418] : memref<200x16384xi32, #tpu.memory_space<hbm>> -> memref<1x1024xi32, #tpu.memory_space<hbm>>
        %dma_start3A_422 = tpu.memref_squeeze %dma_start3A_421 : memref<1x1024xi32, #tpu.memory_space<hbm>> -> memref<1024xi32, #tpu.memory_space<hbm>>
        tpu.enqueue_dma source(%dma_start3A_422 : memref<1024xi32, #tpu.memory_space<hbm>>) target(%arg6 : memref<1024xi32, #tpu.memory_space<vmem>>) target_semaphore(%arg12 : memref<!tpu.dma_semaphore, #tpu.memory_space<semaphore_mem>>)
      } else {
      }
      %ge3A = arith.constant 2 : i32
      %ge3A_200 = arith.cmpi sge, %add3A_185, %ge3A : i32
      %convert_element_type3A_201 = arith.extui %ge3A_200 : i1 to i32
      %cond3A_202 = arith.constant 0 : i32
      %cond3A_203 = arith.cmpi ne, %convert_element_type3A_201, %cond3A_202 : i32
      scf.if %cond3A_203 {
        %dma_wait3A_406 = arith.constant 0 : i32
        %dma_wait3A_407 = arith.constant 0 : i32
        %dma_wait3A_408 = arith.constant 0 : i32
        %dma_wait3A_409 = arith.constant 0 : i32
        %dma_wait3A_410 = arith.constant 0 : i32
        %dma_wait3A_411 = tpu.memref_slice %arg10[%dma_wait3A_407, %dma_wait3A_408, %dma_wait3A_409, %dma_wait3A_410] : memref<3x8x2x128xf32, #tpu.memory_space<vmem>> -> memref<1x8x2x128xf32, #tpu.memory_space<vmem>>
        %dma_wait3A_412 = tpu.memref_squeeze %dma_wait3A_411 : memref<1x8x2x128xf32, #tpu.memory_space<vmem>> -> memref<8x2x128xf32, #tpu.memory_space<vmem>>
        %dma_wait3A_413 = arith.constant 0 : i32
        %dma_wait3A_414 = arith.constant 0 : i32
        %dma_wait3A_415 = arith.constant 0 : i32
        %dma_wait3A_416 = tpu.memref_slice %arg4[%dma_wait3A_406, %dma_wait3A_413, %dma_wait3A_414, %dma_wait3A_415] : memref<600x128x2x128xf32, #tpu.memory_space<hbm>> -> memref<1x8x2x128xf32, #tpu.memory_space<hbm>>
        %dma_wait3A_417 = tpu.memref_squeeze %dma_wait3A_416 : memref<1x8x2x128xf32, #tpu.memory_space<hbm>> -> memref<8x2x128xf32, #tpu.memory_space<hbm>>
        %dma_wait3A_418 = arith.constant 0 : i32
        %dma_wait3A_419 = arith.constant 0 : i32
        %dma_wait3A_420 = arith.constant 0 : i32
        %dma_wait3A_421 = tpu.memref_slice %arg10[%dma_wait3A_407, %dma_wait3A_418, %dma_wait3A_419, %dma_wait3A_420] : memref<3x8x2x128xf32, #tpu.memory_space<vmem>> -> memref<1x8x2x128xf32, #tpu.memory_space<vmem>>
        %dma_wait3A_422 = tpu.memref_squeeze %dma_wait3A_421 : memref<1x8x2x128xf32, #tpu.memory_space<vmem>> -> memref<8x2x128xf32, #tpu.memory_space<vmem>>
        %dma_wait3A_423 = arith.constant 0 : i32
        %dma_wait3A_424 = arith.constant 0 : i32
        %dma_wait3A_425 = arith.constant 0 : i32
        %dma_wait3A_426 = tpu.memref_slice %arg4[%dma_wait3A_406, %dma_wait3A_423, %dma_wait3A_424, %dma_wait3A_425] : memref<600x128x2x128xf32, #tpu.memory_space<hbm>> -> memref<1x8x2x128xf32, #tpu.memory_space<hbm>>
        %dma_wait3A_427 = tpu.memref_squeeze %dma_wait3A_426 : memref<1x8x2x128xf32, #tpu.memory_space<hbm>> -> memref<8x2x128xf32, #tpu.memory_space<hbm>>
        tpu.wait_dma2 semaphore(%arg16 : memref<!tpu.dma_semaphore, #tpu.memory_space<semaphore_mem>>) src(%dma_wait3A_427 : memref<8x2x128xf32, #tpu.memory_space<hbm>>) dst(%dma_wait3A_422 : memref<8x2x128xf32, #tpu.memory_space<vmem>>)
        %dma_wait3A_428 = arith.constant 0 : i32
        %dma_wait3A_429 = arith.constant 1 : i32
        %dma_wait3A_430 = arith.constant 0 : i32
        %dma_wait3A_431 = arith.constant 0 : i32
        %dma_wait3A_432 = arith.constant 0 : i32
        %dma_wait3A_433 = tpu.memref_slice %arg10[%dma_wait3A_429, %dma_wait3A_430, %dma_wait3A_431, %dma_wait3A_432] : memref<3x8x2x128xf32, #tpu.memory_space<vmem>> -> memref<1x8x2x128xf32, #tpu.memory_space<vmem>>
        %dma_wait3A_434 = tpu.memref_squeeze %dma_wait3A_433 : memref<1x8x2x128xf32, #tpu.memory_space<vmem>> -> memref<8x2x128xf32, #tpu.memory_space<vmem>>
        %dma_wait3A_435 = arith.constant 0 : i32
        %dma_wait3A_436 = arith.constant 0 : i32
        %dma_wait3A_437 = arith.constant 0 : i32
        %dma_wait3A_438 = tpu.memref_slice %arg4[%dma_wait3A_428, %dma_wait3A_435, %dma_wait3A_436, %dma_wait3A_437] : memref<600x128x2x128xf32, #tpu.memory_space<hbm>> -> memref<1x8x2x128xf32, #tpu.memory_space<hbm>>
        %dma_wait3A_439 = tpu.memref_squeeze %dma_wait3A_438 : memref<1x8x2x128xf32, #tpu.memory_space<hbm>> -> memref<8x2x128xf32, #tpu.memory_space<hbm>>
        %dma_wait3A_440 = arith.constant 0 : i32
        %dma_wait3A_441 = arith.constant 0 : i32
        %dma_wait3A_442 = arith.constant 0 : i32
        %dma_wait3A_443 = tpu.memref_slice %arg10[%dma_wait3A_429, %dma_wait3A_440, %dma_wait3A_441, %dma_wait3A_442] : memref<3x8x2x128xf32, #tpu.memory_space<vmem>> -> memref<1x8x2x128xf32, #tpu.memory_space<vmem>>
        %dma_wait3A_444 = tpu.memref_squeeze %dma_wait3A_443 : memref<1x8x2x128xf32, #tpu.memory_space<vmem>> -> memref<8x2x128xf32, #tpu.memory_space<vmem>>
        %dma_wait3A_445 = arith.constant 0 : i32
        %dma_wait3A_446 = arith.constant 0 : i32
        %dma_wait3A_447 = arith.constant 0 : i32
        %dma_wait3A_448 = tpu.memref_slice %arg4[%dma_wait3A_428, %dma_wait3A_445, %dma_wait3A_446, %dma_wait3A_447] : memref<600x128x2x128xf32, #tpu.memory_space<hbm>> -> memref<1x8x2x128xf32, #tpu.memory_space<hbm>>
        %dma_wait3A_449 = tpu.memref_squeeze %dma_wait3A_448 : memref<1x8x2x128xf32, #tpu.memory_space<hbm>> -> memref<8x2x128xf32, #tpu.memory_space<hbm>>
        tpu.wait_dma2 semaphore(%arg16 : memref<!tpu.dma_semaphore, #tpu.memory_space<semaphore_mem>>) src(%dma_wait3A_449 : memref<8x2x128xf32, #tpu.memory_space<hbm>>) dst(%dma_wait3A_444 : memref<8x2x128xf32, #tpu.memory_space<vmem>>)
        %dma_wait3A_450 = arith.constant 0 : i32
        %dma_wait3A_451 = arith.constant 2 : i32
        %dma_wait3A_452 = arith.constant 0 : i32
        %dma_wait3A_453 = arith.constant 0 : i32
        %dma_wait3A_454 = arith.constant 0 : i32
        %dma_wait3A_455 = tpu.memref_slice %arg10[%dma_wait3A_451, %dma_wait3A_452, %dma_wait3A_453, %dma_wait3A_454] : memref<3x8x2x128xf32, #tpu.memory_space<vmem>> -> memref<1x8x2x128xf32, #tpu.memory_space<vmem>>
        %dma_wait3A_456 = tpu.memref_squeeze %dma_wait3A_455 : memref<1x8x2x128xf32, #tpu.memory_space<vmem>> -> memref<8x2x128xf32, #tpu.memory_space<vmem>>
        %dma_wait3A_457 = arith.constant 0 : i32
        %dma_wait3A_458 = arith.constant 0 : i32
        %dma_wait3A_459 = arith.constant 0 : i32
        %dma_wait3A_460 = tpu.memref_slice %arg4[%dma_wait3A_450, %dma_wait3A_457, %dma_wait3A_458, %dma_wait3A_459] : memref<600x128x2x128xf32, #tpu.memory_space<hbm>> -> memref<1x8x2x128xf32, #tpu.memory_space<hbm>>
        %dma_wait3A_461 = tpu.memref_squeeze %dma_wait3A_460 : memref<1x8x2x128xf32, #tpu.memory_space<hbm>> -> memref<8x2x128xf32, #tpu.memory_space<hbm>>
        %dma_wait3A_462 = arith.constant 0 : i32
        %dma_wait3A_463 = arith.constant 0 : i32
        %dma_wait3A_464 = arith.constant 0 : i32
        %dma_wait3A_465 = tpu.memref_slice %arg10[%dma_wait3A_451, %dma_wait3A_462, %dma_wait3A_463, %dma_wait3A_464] : memref<3x8x2x128xf32, #tpu.memory_space<vmem>> -> memref<1x8x2x128xf32, #tpu.memory_space<vmem>>
        %dma_wait3A_466 = tpu.memref_squeeze %dma_wait3A_465 : memref<1x8x2x128xf32, #tpu.memory_space<vmem>> -> memref<8x2x128xf32, #tpu.memory_space<vmem>>
        %dma_wait3A_467 = arith.constant 0 : i32
        %dma_wait3A_468 = arith.constant 0 : i32
        %dma_wait3A_469 = arith.constant 0 : i32
        %dma_wait3A_470 = tpu.memref_slice %arg4[%dma_wait3A_450, %dma_wait3A_467, %dma_wait3A_468, %dma_wait3A_469] : memref<600x128x2x128xf32, #tpu.memory_space<hbm>> -> memref<1x8x2x128xf32, #tpu.memory_space<hbm>>
        %dma_wait3A_471 = tpu.memref_squeeze %dma_wait3A_470 : memref<1x8x2x128xf32, #tpu.memory_space<hbm>> -> memref<8x2x128xf32, #tpu.memory_space<hbm>>
        tpu.wait_dma2 semaphore(%arg16 : memref<!tpu.dma_semaphore, #tpu.memory_space<semaphore_mem>>) src(%dma_wait3A_471 : memref<8x2x128xf32, #tpu.memory_space<hbm>>) dst(%dma_wait3A_466 : memref<8x2x128xf32, #tpu.memory_space<vmem>>)
      } else {
      }
      %scan3A_204 = arith.constant 0 : i32
      %scan3A_205 = arith.constant 0 : i32
      %scan3A_206 = arith.constant 64 : i32
      %scan3A_207 = arith.addi %scan3A_205, %scan3A_206 : i32
      %scan3A_208 = arith.constant 8 : i32
      scf.for %scan3A_406 = %scan3A_205 to %scan3A_207 step %scan3A_208  : i32 {
        %mul3A_407 = arith.constant 16 : i32
        %mul3A_408 = arith.muli %scan3A_406, %mul3A_407 : i32
        %iota3A = tpu.iota {dimensions = array<i32: 0>} : vector<16xi32>
        %add3A_409 = vector.broadcast %mul3A_408 : i32 to vector<16xi32>
        %add3A_410 = arith.addi %add3A_409, %iota3A : vector<16xi32>
        %shift_right_arithmetic3A_411 = arith.constant 3 : i32
        %shift_right_arithmetic3A_412 = arith.shrsi %scan3A_406, %shift_right_arithmetic3A_411 : i32
        %and3A_413 = arith.constant 7 : i32
        %and3A_414 = arith.andi %scan3A_406, %and3A_413 : i32
        %mul3A_415 = arith.constant 16 : i32
        %mul3A_416 = arith.muli %and3A_414, %mul3A_415 : i32
        %broadcast_in_dim3A = arith.constant 0 : i32
        %broadcast_in_dim3A_417 = vector.broadcast %broadcast_in_dim3A : i32 to vector<16xi32>
        %gather3A = tpu.vector_load_idx %arg8[%add3A_410, %broadcast_in_dim3A_417] : memref<1024x8xi32, #tpu.memory_space<vmem>>[vector<16xi32>, vector<16xi32>], vector<16xi32>,
        %bitcast3A = vector.bitcast %gather3A : vector<16xi32> to vector<32xbf16>
        %unpack3A = tpu.unpack_subelements %bitcast3A, 0 {pack_format = #tpu.pack_format<interleaved>} : vector<32xbf16> -> vector<16xf32>
        %unpack3A_418 = tpu.unpack_subelements %bitcast3A, 1 {pack_format = #tpu.pack_format<interleaved>} : vector<32xbf16> -> vector<16xf32>
        %swap3A = arith.constant 0 : i32
        %swap3A_419 = arith.constant 0 : i32
        %swap3A_420 = arith.index_cast %swap3A : i32 to index
        %swap3A_421 = arith.index_cast %shift_right_arithmetic3A_412 : i32 to index
        %swap3A_422 = arith.index_cast %swap3A_419 : i32 to index
        %swap3A_423 = arith.index_cast %mul3A_416 : i32 to index
        %swap3A_424 = tpu.vector_load %arg10[%swap3A_420, %swap3A_421, %swap3A_422, %swap3A_423] {strides = array<i32>} : memref<3x8x2x128xf32, #tpu.memory_space<vmem>>, vector<16xf32>,
        tpu.vector_store %arg10[%swap3A_420, %swap3A_421, %swap3A_422, %swap3A_423], %unpack3A {strides = array<i32>} : memref<3x8x2x128xf32, #tpu.memory_space<vmem>>, vector<16xf32>,
        %swap3A_425 = arith.constant 0 : i32
        %swap3A_426 = arith.constant 1 : i32
        %swap3A_427 = arith.index_cast %swap3A_425 : i32 to index
        %swap3A_428 = arith.index_cast %shift_right_arithmetic3A_412 : i32 to index
        %swap3A_429 = arith.index_cast %swap3A_426 : i32 to index
        %swap3A_430 = arith.index_cast %mul3A_416 : i32 to index
        %swap3A_431 = tpu.vector_load %arg10[%swap3A_427, %swap3A_428, %swap3A_429, %swap3A_430] {strides = array<i32>} : memref<3x8x2x128xf32, #tpu.memory_space<vmem>>, vector<16xf32>,
        tpu.vector_store %arg10[%swap3A_427, %swap3A_428, %swap3A_429, %swap3A_430], %unpack3A_418 {strides = array<i32>} : memref<3x8x2x128xf32, #tpu.memory_space<vmem>>, vector<16xf32>,
        %broadcast_in_dim3A_432 = arith.constant 1 : i32
        %broadcast_in_dim3A_433 = vector.broadcast %broadcast_in_dim3A_432 : i32 to vector<16xi32>
        %gather3A_434 = tpu.vector_load_idx %arg8[%add3A_410, %broadcast_in_dim3A_433] : memref<1024x8xi32, #tpu.memory_space<vmem>>[vector<16xi32>, vector<16xi32>], vector<16xi32>,
        %bitcast3A_435 = vector.bitcast %gather3A_434 : vector<16xi32> to vector<32xbf16>
        %unpack3A_436 = tpu.unpack_subelements %bitcast3A_435, 0 {pack_format = #tpu.pack_format<interleaved>} : vector<32xbf16> -> vector<16xf32>
        %unpack3A_437 = tpu.unpack_subelements %bitcast3A_435, 1 {pack_format = #tpu.pack_format<interleaved>} : vector<32xbf16> -> vector<16xf32>
        %swap3A_438 = arith.constant 1 : i32
        %swap3A_439 = arith.constant 0 : i32
        %swap3A_440 = arith.index_cast %swap3A_438 : i32 to index
        %swap3A_441 = arith.index_cast %shift_right_arithmetic3A_412 : i32 to index
        %swap3A_442 = arith.index_cast %swap3A_439 : i32 to index
        %swap3A_443 = arith.index_cast %mul3A_416 : i32 to index
        %swap3A_444 = tpu.vector_load %arg10[%swap3A_440, %swap3A_441, %swap3A_442, %swap3A_443] {strides = array<i32>} : memref<3x8x2x128xf32, #tpu.memory_space<vmem>>, vector<16xf32>,
        tpu.vector_store %arg10[%swap3A_440, %swap3A_441, %swap3A_442, %swap3A_443], %unpack3A_436 {strides = array<i32>} : memref<3x8x2x128xf32, #tpu.memory_space<vmem>>, vector<16xf32>,
        %swap3A_445 = arith.constant 1 : i32
        %swap3A_446 = arith.constant 1 : i32
        %swap3A_447 = arith.index_cast %swap3A_445 : i32 to index
        %swap3A_448 = arith.index_cast %shift_right_arithmetic3A_412 : i32 to index
        %swap3A_449 = arith.index_cast %swap3A_446 : i32 to index
        %swap3A_450 = arith.index_cast %mul3A_416 : i32 to index
        %swap3A_451 = tpu.vector_load %arg10[%swap3A_447, %swap3A_448, %swap3A_449, %swap3A_450] {strides = array<i32>} : memref<3x8x2x128xf32, #tpu.memory_space<vmem>>, vector<16xf32>,
        tpu.vector_store %arg10[%swap3A_447, %swap3A_448, %swap3A_449, %swap3A_450], %unpack3A_437 {strides = array<i32>} : memref<3x8x2x128xf32, #tpu.memory_space<vmem>>, vector<16xf32>,
        %broadcast_in_dim3A_452 = arith.constant 2 : i32
        %broadcast_in_dim3A_453 = vector.broadcast %broadcast_in_dim3A_452 : i32 to vector<16xi32>
        %gather3A_454 = tpu.vector_load_idx %arg8[%add3A_410, %broadcast_in_dim3A_453] : memref<1024x8xi32, #tpu.memory_space<vmem>>[vector<16xi32>, vector<16xi32>], vector<16xi32>,
        %bitcast3A_455 = vector.bitcast %gather3A_454 : vector<16xi32> to vector<32xbf16>
        %unpack3A_456 = tpu.unpack_subelements %bitcast3A_455, 0 {pack_format = #tpu.pack_format<interleaved>} : vector<32xbf16> -> vector<16xf32>
        %unpack3A_457 = tpu.unpack_subelements %bitcast3A_455, 1 {pack_format = #tpu.pack_format<interleaved>} : vector<32xbf16> -> vector<16xf32>
        %swap3A_458 = arith.constant 2 : i32
        %swap3A_459 = arith.constant 0 : i32
        %swap3A_460 = arith.index_cast %swap3A_458 : i32 to index
        %swap3A_461 = arith.index_cast %shift_right_arithmetic3A_412 : i32 to index
        %swap3A_462 = arith.index_cast %swap3A_459 : i32 to index
        %swap3A_463 = arith.index_cast %mul3A_416 : i32 to index
        %swap3A_464 = tpu.vector_load %arg10[%swap3A_460, %swap3A_461, %swap3A_462, %swap3A_463] {strides = array<i32>} : memref<3x8x2x128xf32, #tpu.memory_space<vmem>>, vector<16xf32>,
        tpu.vector_store %arg10[%swap3A_460, %swap3A_461, %swap3A_462, %swap3A_463], %unpack3A_456 {strides = array<i32>} : memref<3x8x2x128xf32, #tpu.memory_space<vmem>>, vector<16xf32>,
        %swap3A_465 = arith.constant 2 : i32
        %swap3A_466 = arith.constant 1 : i32
        %swap3A_467 = arith.index_cast %swap3A_465 : i32 to index
        %swap3A_468 = arith.index_cast %shift_right_arithmetic3A_412 : i32 to index
        %swap3A_469 = arith.index_cast %swap3A_466 : i32 to index
        %swap3A_470 = arith.index_cast %mul3A_416 : i32 to index
        %swap3A_471 = tpu.vector_load %arg10[%swap3A_467, %swap3A_468, %swap3A_469, %swap3A_470] {strides = array<i32>} : memref<3x8x2x128xf32, #tpu.memory_space<vmem>>, vector<16xf32>,
        tpu.vector_store %arg10[%swap3A_467, %swap3A_468, %swap3A_469, %swap3A_470], %unpack3A_457 {strides = array<i32>} : memref<3x8x2x128xf32, #tpu.memory_space<vmem>>, vector<16xf32>,
        %scan3A_472 = arith.constant 1 : i32
        %scan3A_473 = arith.addi %scan3A_406, %scan3A_472 : i32
        %mul3A_474 = arith.constant 16 : i32
        %mul3A_475 = arith.muli %scan3A_473, %mul3A_474 : i32
        %iota3A_476 = tpu.iota {dimensions = array<i32: 0>} : vector<16xi32>
        %add3A_477 = vector.broadcast %mul3A_475 : i32 to vector<16xi32>
        %add3A_478 = arith.addi %add3A_477, %iota3A_476 : vector<16xi32>
        %shift_right_arithmetic3A_479 = arith.constant 3 : i32
        %shift_right_arithmetic3A_480 = arith.shrsi %scan3A_473, %shift_right_arithmetic3A_479 : i32
        %and3A_481 = arith.constant 7 : i32
        %and3A_482 = arith.andi %scan3A_473, %and3A_481 : i32
        %mul3A_483 = arith.constant 16 : i32
        %mul3A_484 = arith.muli %and3A_482, %mul3A_483 : i32
        %broadcast_in_dim3A_485 = arith.constant 0 : i32
        %broadcast_in_dim3A_486 = vector.broadcast %broadcast_in_dim3A_485 : i32 to vector<16xi32>
        %gather3A_487 = tpu.vector_load_idx %arg8[%add3A_478, %broadcast_in_dim3A_486] : memref<1024x8xi32, #tpu.memory_space<vmem>>[vector<16xi32>, vector<16xi32>], vector<16xi32>,
        %bitcast3A_488 = vector.bitcast %gather3A_487 : vector<16xi32> to vector<32xbf16>
        %unpack3A_489 = tpu.unpack_subelements %bitcast3A_488, 0 {pack_format = #tpu.pack_format<interleaved>} : vector<32xbf16> -> vector<16xf32>
        %unpack3A_490 = tpu.unpack_subelements %bitcast3A_488, 1 {pack_format = #tpu.pack_format<interleaved>} : vector<32xbf16> -> vector<16xf32>
        %swap3A_491 = arith.constant 0 : i32
        %swap3A_492 = arith.constant 0 : i32
        %swap3A_493 = arith.index_cast %swap3A_491 : i32 to index
        %swap3A_494 = arith.index_cast %shift_right_arithmetic3A_480 : i32 to index
        %swap3A_495 = arith.index_cast %swap3A_492 : i32 to index
        %swap3A_496 = arith.index_cast %mul3A_484 : i32 to index
        %swap3A_497 = tpu.vector_load %arg10[%swap3A_493, %swap3A_494, %swap3A_495, %swap3A_496] {strides = array<i32>} : memref<3x8x2x128xf32, #tpu.memory_space<vmem>>, vector<16xf32>,
        tpu.vector_store %arg10[%swap3A_493, %swap3A_494, %swap3A_495, %swap3A_496], %unpack3A_489 {strides = array<i32>} : memref<3x8x2x128xf32, #tpu.memory_space<vmem>>, vector<16xf32>,
        %swap3A_498 = arith.constant 0 : i32
        %swap3A_499 = arith.constant 1 : i32
        %swap3A_500 = arith.index_cast %swap3A_498 : i32 to index
        %swap3A_501 = arith.index_cast %shift_right_arithmetic3A_480 : i32 to index
        %swap3A_502 = arith.index_cast %swap3A_499 : i32 to index
        %swap3A_503 = arith.index_cast %mul3A_484 : i32 to index
        %swap3A_504 = tpu.vector_load %arg10[%swap3A_500, %swap3A_501, %swap3A_502, %swap3A_503] {strides = array<i32>} : memref<3x8x2x128xf32, #tpu.memory_space<vmem>>, vector<16xf32>,
        tpu.vector_store %arg10[%swap3A_500, %swap3A_501, %swap3A_502, %swap3A_503], %unpack3A_490 {strides = array<i32>} : memref<3x8x2x128xf32, #tpu.memory_space<vmem>>, vector<16xf32>,
        %broadcast_in_dim3A_505 = arith.constant 1 : i32
        %broadcast_in_dim3A_506 = vector.broadcast %broadcast_in_dim3A_505 : i32 to vector<16xi32>
        %gather3A_507 = tpu.vector_load_idx %arg8[%add3A_478, %broadcast_in_dim3A_506] : memref<1024x8xi32, #tpu.memory_space<vmem>>[vector<16xi32>, vector<16xi32>], vector<16xi32>,
        %bitcast3A_508 = vector.bitcast %gather3A_507 : vector<16xi32> to vector<32xbf16>
        %unpack3A_509 = tpu.unpack_subelements %bitcast3A_508, 0 {pack_format = #tpu.pack_format<interleaved>} : vector<32xbf16> -> vector<16xf32>
        %unpack3A_510 = tpu.unpack_subelements %bitcast3A_508, 1 {pack_format = #tpu.pack_format<interleaved>} : vector<32xbf16> -> vector<16xf32>
        %swap3A_511 = arith.constant 1 : i32
        %swap3A_512 = arith.constant 0 : i32
        %swap3A_513 = arith.index_cast %swap3A_511 : i32 to index
        %swap3A_514 = arith.index_cast %shift_right_arithmetic3A_480 : i32 to index
        %swap3A_515 = arith.index_cast %swap3A_512 : i32 to index
        %swap3A_516 = arith.index_cast %mul3A_484 : i32 to index
        %swap3A_517 = tpu.vector_load %arg10[%swap3A_513, %swap3A_514, %swap3A_515, %swap3A_516] {strides = array<i32>} : memref<3x8x2x128xf32, #tpu.memory_space<vmem>>, vector<16xf32>,
        tpu.vector_store %arg10[%swap3A_513, %swap3A_514, %swap3A_515, %swap3A_516], %unpack3A_509 {strides = array<i32>} : memref<3x8x2x128xf32, #tpu.memory_space<vmem>>, vector<16xf32>,
        %swap3A_518 = arith.constant 1 : i32
        %swap3A_519 = arith.constant 1 : i32
        %swap3A_520 = arith.index_cast %swap3A_518 : i32 to index
        %swap3A_521 = arith.index_cast %shift_right_arithmetic3A_480 : i32 to index
        %swap3A_522 = arith.index_cast %swap3A_519 : i32 to index
        %swap3A_523 = arith.index_cast %mul3A_484 : i32 to index
        %swap3A_524 = tpu.vector_load %arg10[%swap3A_520, %swap3A_521, %swap3A_522, %swap3A_523] {strides = array<i32>} : memref<3x8x2x128xf32, #tpu.memory_space<vmem>>, vector<16xf32>,
        tpu.vector_store %arg10[%swap3A_520, %swap3A_521, %swap3A_522, %swap3A_523], %unpack3A_510 {strides = array<i32>} : memref<3x8x2x128xf32, #tpu.memory_space<vmem>>, vector<16xf32>,
        %broadcast_in_dim3A_525 = arith.constant 2 : i32
        %broadcast_in_dim3A_526 = vector.broadcast %broadcast_in_dim3A_525 : i32 to vector<16xi32>
        %gather3A_527 = tpu.vector_load_idx %arg8[%add3A_478, %broadcast_in_dim3A_526] : memref<1024x8xi32, #tpu.memory_space<vmem>>[vector<16xi32>, vector<16xi32>], vector<16xi32>,
        %bitcast3A_528 = vector.bitcast %gather3A_527 : vector<16xi32> to vector<32xbf16>
        %unpack3A_529 = tpu.unpack_subelements %bitcast3A_528, 0 {pack_format = #tpu.pack_format<interleaved>} : vector<32xbf16> -> vector<16xf32>
        %unpack3A_530 = tpu.unpack_subelements %bitcast3A_528, 1 {pack_format = #tpu.pack_format<interleaved>} : vector<32xbf16> -> vector<16xf32>
        %swap3A_531 = arith.constant 2 : i32
        %swap3A_532 = arith.constant 0 : i32
        %swap3A_533 = arith.index_cast %swap3A_531 : i32 to index
        %swap3A_534 = arith.index_cast %shift_right_arithmetic3A_480 : i32 to index
        %swap3A_535 = arith.index_cast %swap3A_532 : i32 to index
        %swap3A_536 = arith.index_cast %mul3A_484 : i32 to index
        %swap3A_537 = tpu.vector_load %arg10[%swap3A_533, %swap3A_534, %swap3A_535, %swap3A_536] {strides = array<i32>} : memref<3x8x2x128xf32, #tpu.memory_space<vmem>>, vector<16xf32>,
        tpu.vector_store %arg10[%swap3A_533, %swap3A_534, %swap3A_535, %swap3A_536], %unpack3A_529 {strides = array<i32>} : memref<3x8x2x128xf32, #tpu.memory_space<vmem>>, vector<16xf32>,
        %swap3A_538 = arith.constant 2 : i32
        %swap3A_539 = arith.constant 1 : i32
        %swap3A_540 = arith.index_cast %swap3A_538 : i32 to index
        %swap3A_541 = arith.index_cast %shift_right_arithmetic3A_480 : i32 to index
        %swap3A_542 = arith.index_cast %swap3A_539 : i32 to index
        %swap3A_543 = arith.index_cast %mul3A_484 : i32 to index
        %swap3A_544 = tpu.vector_load %arg10[%swap3A_540, %swap3A_541, %swap3A_542, %swap3A_543] {strides = array<i32>} : memref<3x8x2x128xf32, #tpu.memory_space<vmem>>, vector<16xf32>,
        tpu.vector_store %arg10[%swap3A_540, %swap3A_541, %swap3A_542, %swap3A_543], %unpack3A_530 {strides = array<i32>} : memref<3x8x2x128xf32, #tpu.memory_space<vmem>>, vector<16xf32>,
        %scan3A_545 = arith.constant 2 : i32
        %scan3A_546 = arith.addi %scan3A_406, %scan3A_545 : i32
        %mul3A_547 = arith.constant 16 : i32
        %mul3A_548 = arith.muli %scan3A_546, %mul3A_547 : i32
        %iota3A_549 = tpu.iota {dimensions = array<i32: 0>} : vector<16xi32>
        %add3A_550 = vector.broadcast %mul3A_548 : i32 to vector<16xi32>
        %add3A_551 = arith.addi %add3A_550, %iota3A_549 : vector<16xi32>
        %shift_right_arithmetic3A_552 = arith.constant 3 : i32
        %shift_right_arithmetic3A_553 = arith.shrsi %scan3A_546, %shift_right_arithmetic3A_552 : i32
        %and3A_554 = arith.constant 7 : i32
        %and3A_555 = arith.andi %scan3A_546, %and3A_554 : i32
        %mul3A_556 = arith.constant 16 : i32
        %mul3A_557 = arith.muli %and3A_555, %mul3A_556 : i32
        %broadcast_in_dim3A_558 = arith.constant 0 : i32
        %broadcast_in_dim3A_559 = vector.broadcast %broadcast_in_dim3A_558 : i32 to vector<16xi32>
        %gather3A_560 = tpu.vector_load_idx %arg8[%add3A_551, %broadcast_in_dim3A_559] : memref<1024x8xi32, #tpu.memory_space<vmem>>[vector<16xi32>, vector<16xi32>], vector<16xi32>,
        %bitcast3A_561 = vector.bitcast %gather3A_560 : vector<16xi32> to vector<32xbf16>
        %unpack3A_562 = tpu.unpack_subelements %bitcast3A_561, 0 {pack_format = #tpu.pack_format<interleaved>} : vector<32xbf16> -> vector<16xf32>
        %unpack3A_563 = tpu.unpack_subelements %bitcast3A_561, 1 {pack_format = #tpu.pack_format<interleaved>} : vector<32xbf16> -> vector<16xf32>
        %swap3A_564 = arith.constant 0 : i32
        %swap3A_565 = arith.constant 0 : i32
        %swap3A_566 = arith.index_cast %swap3A_564 : i32 to index
        %swap3A_567 = arith.index_cast %shift_right_arithmetic3A_553 : i32 to index
        %swap3A_568 = arith.index_cast %swap3A_565 : i32 to index
        %swap3A_569 = arith.index_cast %mul3A_557 : i32 to index
        %swap3A_570 = tpu.vector_load %arg10[%swap3A_566, %swap3A_567, %swap3A_568, %swap3A_569] {strides = array<i32>} : memref<3x8x2x128xf32, #tpu.memory_space<vmem>>, vector<16xf32>,
        tpu.vector_store %arg10[%swap3A_566, %swap3A_567, %swap3A_568, %swap3A_569], %unpack3A_562 {strides = array<i32>} : memref<3x8x2x128xf32, #tpu.memory_space<vmem>>, vector<16xf32>,
        %swap3A_571 = arith.constant 0 : i32
        %swap3A_572 = arith.constant 1 : i32
        %swap3A_573 = arith.index_cast %swap3A_571 : i32 to index
        %swap3A_574 = arith.index_cast %shift_right_arithmetic3A_553 : i32 to index
        %swap3A_575 = arith.index_cast %swap3A_572 : i32 to index
        %swap3A_576 = arith.index_cast %mul3A_557 : i32 to index
        %swap3A_577 = tpu.vector_load %arg10[%swap3A_573, %swap3A_574, %swap3A_575, %swap3A_576] {strides = array<i32>} : memref<3x8x2x128xf32, #tpu.memory_space<vmem>>, vector<16xf32>,
        tpu.vector_store %arg10[%swap3A_573, %swap3A_574, %swap3A_575, %swap3A_576], %unpack3A_563 {strides = array<i32>} : memref<3x8x2x128xf32, #tpu.memory_space<vmem>>, vector<16xf32>,
        %broadcast_in_dim3A_578 = arith.constant 1 : i32
        %broadcast_in_dim3A_579 = vector.broadcast %broadcast_in_dim3A_578 : i32 to vector<16xi32>
        %gather3A_580 = tpu.vector_load_idx %arg8[%add3A_551, %broadcast_in_dim3A_579] : memref<1024x8xi32, #tpu.memory_space<vmem>>[vector<16xi32>, vector<16xi32>], vector<16xi32>,
        %bitcast3A_581 = vector.bitcast %gather3A_580 : vector<16xi32> to vector<32xbf16>
        %unpack3A_582 = tpu.unpack_subelements %bitcast3A_581, 0 {pack_format = #tpu.pack_format<interleaved>} : vector<32xbf16> -> vector<16xf32>
        %unpack3A_583 = tpu.unpack_subelements %bitcast3A_581, 1 {pack_format = #tpu.pack_format<interleaved>} : vector<32xbf16> -> vector<16xf32>
        %swap3A_584 = arith.constant 1 : i32
        %swap3A_585 = arith.constant 0 : i32
        %swap3A_586 = arith.index_cast %swap3A_584 : i32 to index
        %swap3A_587 = arith.index_cast %shift_right_arithmetic3A_553 : i32 to index
        %swap3A_588 = arith.index_cast %swap3A_585 : i32 to index
        %swap3A_589 = arith.index_cast %mul3A_557 : i32 to index
        %swap3A_590 = tpu.vector_load %arg10[%swap3A_586, %swap3A_587, %swap3A_588, %swap3A_589] {strides = array<i32>} : memref<3x8x2x128xf32, #tpu.memory_space<vmem>>, vector<16xf32>,
        tpu.vector_store %arg10[%swap3A_586, %swap3A_587, %swap3A_588, %swap3A_589], %unpack3A_582 {strides = array<i32>} : memref<3x8x2x128xf32, #tpu.memory_space<vmem>>, vector<16xf32>,
        %swap3A_591 = arith.constant 1 : i32
        %swap3A_592 = arith.constant 1 : i32
        %swap3A_593 = arith.index_cast %swap3A_591 : i32 to index
        %swap3A_594 = arith.index_cast %shift_right_arithmetic3A_553 : i32 to index
        %swap3A_595 = arith.index_cast %swap3A_592 : i32 to index
        %swap3A_596 = arith.index_cast %mul3A_557 : i32 to index
        %swap3A_597 = tpu.vector_load %arg10[%swap3A_593, %swap3A_594, %swap3A_595, %swap3A_596] {strides = array<i32>} : memref<3x8x2x128xf32, #tpu.memory_space<vmem>>, vector<16xf32>,
        tpu.vector_store %arg10[%swap3A_593, %swap3A_594, %swap3A_595, %swap3A_596], %unpack3A_583 {strides = array<i32>} : memref<3x8x2x128xf32, #tpu.memory_space<vmem>>, vector<16xf32>,
        %broadcast_in_dim3A_598 = arith.constant 2 : i32
        %broadcast_in_dim3A_599 = vector.broadcast %broadcast_in_dim3A_598 : i32 to vector<16xi32>
        %gather3A_600 = tpu.vector_load_idx %arg8[%add3A_551, %broadcast_in_dim3A_599] : memref<1024x8xi32, #tpu.memory_space<vmem>>[vector<16xi32>, vector<16xi32>], vector<16xi32>,
        %bitcast3A_601 = vector.bitcast %gather3A_600 : vector<16xi32> to vector<32xbf16>
        %unpack3A_602 = tpu.unpack_subelements %bitcast3A_601, 0 {pack_format = #tpu.pack_format<interleaved>} : vector<32xbf16> -> vector<16xf32>
        %unpack3A_603 = tpu.unpack_subelements %bitcast3A_601, 1 {pack_format = #tpu.pack_format<interleaved>} : vector<32xbf16> -> vector<16xf32>
        %swap3A_604 = arith.constant 2 : i32
        %swap3A_605 = arith.constant 0 : i32
        %swap3A_606 = arith.index_cast %swap3A_604 : i32 to index
        %swap3A_607 = arith.index_cast %shift_right_arithmetic3A_553 : i32 to index
        %swap3A_608 = arith.index_cast %swap3A_605 : i32 to index
        %swap3A_609 = arith.index_cast %mul3A_557 : i32 to index
        %swap3A_610 = tpu.vector_load %arg10[%swap3A_606, %swap3A_607, %swap3A_608, %swap3A_609] {strides = array<i32>} : memref<3x8x2x128xf32, #tpu.memory_space<vmem>>, vector<16xf32>,
        tpu.vector_store %arg10[%swap3A_606, %swap3A_607, %swap3A_608, %swap3A_609], %unpack3A_602 {strides = array<i32>} : memref<3x8x2x128xf32, #tpu.memory_space<vmem>>, vector<16xf32>,
        %swap3A_611 = arith.constant 2 : i32
        %swap3A_612 = arith.constant 1 : i32
        %swap3A_613 = arith.index_cast %swap3A_611 : i32 to index
        %swap3A_614 = arith.index_cast %shift_right_arithmetic3A_553 : i32 to index
        %swap3A_615 = arith.index_cast %swap3A_612 : i32 to index
        %swap3A_616 = arith.index_cast %mul3A_557 : i32 to index
        %swap3A_617 = tpu.vector_load %arg10[%swap3A_613, %swap3A_614, %swap3A_615, %swap3A_616] {strides = array<i32>} : memref<3x8x2x128xf32, #tpu.memory_space<vmem>>, vector<16xf32>,
        tpu.vector_store %arg10[%swap3A_613, %swap3A_614, %swap3A_615, %swap3A_616], %unpack3A_603 {strides = array<i32>} : memref<3x8x2x128xf32, #tpu.memory_space<vmem>>, vector<16xf32>,
        %scan3A_618 = arith.constant 3 : i32
        %scan3A_619 = arith.addi %scan3A_406, %scan3A_618 : i32
        %mul3A_620 = arith.constant 16 : i32
        %mul3A_621 = arith.muli %scan3A_619, %mul3A_620 : i32
        %iota3A_622 = tpu.iota {dimensions = array<i32: 0>} : vector<16xi32>
        %add3A_623 = vector.broadcast %mul3A_621 : i32 to vector<16xi32>
        %add3A_624 = arith.addi %add3A_623, %iota3A_622 : vector<16xi32>
        %shift_right_arithmetic3A_625 = arith.constant 3 : i32
        %shift_right_arithmetic3A_626 = arith.shrsi %scan3A_619, %shift_right_arithmetic3A_625 : i32
        %and3A_627 = arith.constant 7 : i32
        %and3A_628 = arith.andi %scan3A_619, %and3A_627 : i32
        %mul3A_629 = arith.constant 16 : i32
        %mul3A_630 = arith.muli %and3A_628, %mul3A_629 : i32
        %broadcast_in_dim3A_631 = arith.constant 0 : i32
        %broadcast_in_dim3A_632 = vector.broadcast %broadcast_in_dim3A_631 : i32 to vector<16xi32>
        %gather3A_633 = tpu.vector_load_idx %arg8[%add3A_624, %broadcast_in_dim3A_632] : memref<1024x8xi32, #tpu.memory_space<vmem>>[vector<16xi32>, vector<16xi32>], vector<16xi32>,
        %bitcast3A_634 = vector.bitcast %gather3A_633 : vector<16xi32> to vector<32xbf16>
        %unpack3A_635 = tpu.unpack_subelements %bitcast3A_634, 0 {pack_format = #tpu.pack_format<interleaved>} : vector<32xbf16> -> vector<16xf32>
        %unpack3A_636 = tpu.unpack_subelements %bitcast3A_634, 1 {pack_format = #tpu.pack_format<interleaved>} : vector<32xbf16> -> vector<16xf32>
        %swap3A_637 = arith.constant 0 : i32
        %swap3A_638 = arith.constant 0 : i32
        %swap3A_639 = arith.index_cast %swap3A_637 : i32 to index
        %swap3A_640 = arith.index_cast %shift_right_arithmetic3A_626 : i32 to index
        %swap3A_641 = arith.index_cast %swap3A_638 : i32 to index
        %swap3A_642 = arith.index_cast %mul3A_630 : i32 to index
        %swap3A_643 = tpu.vector_load %arg10[%swap3A_639, %swap3A_640, %swap3A_641, %swap3A_642] {strides = array<i32>} : memref<3x8x2x128xf32, #tpu.memory_space<vmem>>, vector<16xf32>,
        tpu.vector_store %arg10[%swap3A_639, %swap3A_640, %swap3A_641, %swap3A_642], %unpack3A_635 {strides = array<i32>} : memref<3x8x2x128xf32, #tpu.memory_space<vmem>>, vector<16xf32>,
        %swap3A_644 = arith.constant 0 : i32
        %swap3A_645 = arith.constant 1 : i32
        %swap3A_646 = arith.index_cast %swap3A_644 : i32 to index
        %swap3A_647 = arith.index_cast %shift_right_arithmetic3A_626 : i32 to index
        %swap3A_648 = arith.index_cast %swap3A_645 : i32 to index
        %swap3A_649 = arith.index_cast %mul3A_630 : i32 to index
        %swap3A_650 = tpu.vector_load %arg10[%swap3A_646, %swap3A_647, %swap3A_648, %swap3A_649] {strides = array<i32>} : memref<3x8x2x128xf32, #tpu.memory_space<vmem>>, vector<16xf32>,
        tpu.vector_store %arg10[%swap3A_646, %swap3A_647, %swap3A_648, %swap3A_649], %unpack3A_636 {strides = array<i32>} : memref<3x8x2x128xf32, #tpu.memory_space<vmem>>, vector<16xf32>,
        %broadcast_in_dim3A_651 = arith.constant 1 : i32
        %broadcast_in_dim3A_652 = vector.broadcast %broadcast_in_dim3A_651 : i32 to vector<16xi32>
        %gather3A_653 = tpu.vector_load_idx %arg8[%add3A_624, %broadcast_in_dim3A_652] : memref<1024x8xi32, #tpu.memory_space<vmem>>[vector<16xi32>, vector<16xi32>], vector<16xi32>,
        %bitcast3A_654 = vector.bitcast %gather3A_653 : vector<16xi32> to vector<32xbf16>
        %unpack3A_655 = tpu.unpack_subelements %bitcast3A_654, 0 {pack_format = #tpu.pack_format<interleaved>} : vector<32xbf16> -> vector<16xf32>
        %unpack3A_656 = tpu.unpack_subelements %bitcast3A_654, 1 {pack_format = #tpu.pack_format<interleaved>} : vector<32xbf16> -> vector<16xf32>
        %swap3A_657 = arith.constant 1 : i32
        %swap3A_658 = arith.constant 0 : i32
        %swap3A_659 = arith.index_cast %swap3A_657 : i32 to index
        %swap3A_660 = arith.index_cast %shift_right_arithmetic3A_626 : i32 to index
        %swap3A_661 = arith.index_cast %swap3A_658 : i32 to index
        %swap3A_662 = arith.index_cast %mul3A_630 : i32 to index
        %swap3A_663 = tpu.vector_load %arg10[%swap3A_659, %swap3A_660, %swap3A_661, %swap3A_662] {strides = array<i32>} : memref<3x8x2x128xf32, #tpu.memory_space<vmem>>, vector<16xf32>,
        tpu.vector_store %arg10[%swap3A_659, %swap3A_660, %swap3A_661, %swap3A_662], %unpack3A_655 {strides = array<i32>} : memref<3x8x2x128xf32, #tpu.memory_space<vmem>>, vector<16xf32>,
        %swap3A_664 = arith.constant 1 : i32
        %swap3A_665 = arith.constant 1 : i32
        %swap3A_666 = arith.index_cast %swap3A_664 : i32 to index
        %swap3A_667 = arith.index_cast %shift_right_arithmetic3A_626 : i32 to index
        %swap3A_668 = arith.index_cast %swap3A_665 : i32 to index
        %swap3A_669 = arith.index_cast %mul3A_630 : i32 to index
        %swap3A_670 = tpu.vector_load %arg10[%swap3A_666, %swap3A_667, %swap3A_668, %swap3A_669] {strides = array<i32>} : memref<3x8x2x128xf32, #tpu.memory_space<vmem>>, vector<16xf32>,
        tpu.vector_store %arg10[%swap3A_666, %swap3A_667, %swap3A_668, %swap3A_669], %unpack3A_656 {strides = array<i32>} : memref<3x8x2x128xf32, #tpu.memory_space<vmem>>, vector<16xf32>,
        %broadcast_in_dim3A_671 = arith.constant 2 : i32
        %broadcast_in_dim3A_672 = vector.broadcast %broadcast_in_dim3A_671 : i32 to vector<16xi32>
        %gather3A_673 = tpu.vector_load_idx %arg8[%add3A_624, %broadcast_in_dim3A_672] : memref<1024x8xi32, #tpu.memory_space<vmem>>[vector<16xi32>, vector<16xi32>], vector<16xi32>,
        %bitcast3A_674 = vector.bitcast %gather3A_673 : vector<16xi32> to vector<32xbf16>
        %unpack3A_675 = tpu.unpack_subelements %bitcast3A_674, 0 {pack_format = #tpu.pack_format<interleaved>} : vector<32xbf16> -> vector<16xf32>
        %unpack3A_676 = tpu.unpack_subelements %bitcast3A_674, 1 {pack_format = #tpu.pack_format<interleaved>} : vector<32xbf16> -> vector<16xf32>
        %swap3A_677 = arith.constant 2 : i32
        %swap3A_678 = arith.constant 0 : i32
        %swap3A_679 = arith.index_cast %swap3A_677 : i32 to index
        %swap3A_680 = arith.index_cast %shift_right_arithmetic3A_626 : i32 to index
        %swap3A_681 = arith.index_cast %swap3A_678 : i32 to index
        %swap3A_682 = arith.index_cast %mul3A_630 : i32 to index
        %swap3A_683 = tpu.vector_load %arg10[%swap3A_679, %swap3A_680, %swap3A_681, %swap3A_682] {strides = array<i32>} : memref<3x8x2x128xf32, #tpu.memory_space<vmem>>, vector<16xf32>,
        tpu.vector_store %arg10[%swap3A_679, %swap3A_680, %swap3A_681, %swap3A_682], %unpack3A_675 {strides = array<i32>} : memref<3x8x2x128xf32, #tpu.memory_space<vmem>>, vector<16xf32>,
        %swap3A_684 = arith.constant 2 : i32
        %swap3A_685 = arith.constant 1 : i32
        %swap3A_686 = arith.index_cast %swap3A_684 : i32 to index
        %swap3A_687 = arith.index_cast %shift_right_arithmetic3A_626 : i32 to index
        %swap3A_688 = arith.index_cast %swap3A_685 : i32 to index
        %swap3A_689 = arith.index_cast %mul3A_630 : i32 to index
        %swap3A_690 = tpu.vector_load %arg10[%swap3A_686, %swap3A_687, %swap3A_688, %swap3A_689] {strides = array<i32>} : memref<3x8x2x128xf32, #tpu.memory_space<vmem>>, vector<16xf32>,
        tpu.vector_store %arg10[%swap3A_686, %swap3A_687, %swap3A_688, %swap3A_689], %unpack3A_676 {strides = array<i32>} : memref<3x8x2x128xf32, #tpu.memory_space<vmem>>, vector<16xf32>,
        %scan3A_691 = arith.constant 4 : i32
        %scan3A_692 = arith.addi %scan3A_406, %scan3A_691 : i32
        %mul3A_693 = arith.constant 16 : i32
        %mul3A_694 = arith.muli %scan3A_692, %mul3A_693 : i32
        %iota3A_695 = tpu.iota {dimensions = array<i32: 0>} : vector<16xi32>
        %add3A_696 = vector.broadcast %mul3A_694 : i32 to vector<16xi32>
        %add3A_697 = arith.addi %add3A_696, %iota3A_695 : vector<16xi32>
        %shift_right_arithmetic3A_698 = arith.constant 3 : i32
        %shift_right_arithmetic3A_699 = arith.shrsi %scan3A_692, %shift_right_arithmetic3A_698 : i32
        %and3A_700 = arith.constant 7 : i32
        %and3A_701 = arith.andi %scan3A_692, %and3A_700 : i32
        %mul3A_702 = arith.constant 16 : i32
        %mul3A_703 = arith.muli %and3A_701, %mul3A_702 : i32
        %broadcast_in_dim3A_704 = arith.constant 0 : i32
        %broadcast_in_dim3A_705 = vector.broadcast %broadcast_in_dim3A_704 : i32 to vector<16xi32>
        %gather3A_706 = tpu.vector_load_idx %arg8[%add3A_697, %broadcast_in_dim3A_705] : memref<1024x8xi32, #tpu.memory_space<vmem>>[vector<16xi32>, vector<16xi32>], vector<16xi32>,
        %bitcast3A_707 = vector.bitcast %gather3A_706 : vector<16xi32> to vector<32xbf16>
        %unpack3A_708 = tpu.unpack_subelements %bitcast3A_707, 0 {pack_format = #tpu.pack_format<interleaved>} : vector<32xbf16> -> vector<16xf32>
        %unpack3A_709 = tpu.unpack_subelements %bitcast3A_707, 1 {pack_format = #tpu.pack_format<interleaved>} : vector<32xbf16> -> vector<16xf32>
        %swap3A_710 = arith.constant 0 : i32
        %swap3A_711 = arith.constant 0 : i32
        %swap3A_712 = arith.index_cast %swap3A_710 : i32 to index
        %swap3A_713 = arith.index_cast %shift_right_arithmetic3A_699 : i32 to index
        %swap3A_714 = arith.index_cast %swap3A_711 : i32 to index
        %swap3A_715 = arith.index_cast %mul3A_703 : i32 to index
        %swap3A_716 = tpu.vector_load %arg10[%swap3A_712, %swap3A_713, %swap3A_714, %swap3A_715] {strides = array<i32>} : memref<3x8x2x128xf32, #tpu.memory_space<vmem>>, vector<16xf32>,
        tpu.vector_store %arg10[%swap3A_712, %swap3A_713, %swap3A_714, %swap3A_715], %unpack3A_708 {strides = array<i32>} : memref<3x8x2x128xf32, #tpu.memory_space<vmem>>, vector<16xf32>,
        %swap3A_717 = arith.constant 0 : i32
        %swap3A_718 = arith.constant 1 : i32
        %swap3A_719 = arith.index_cast %swap3A_717 : i32 to index
        %swap3A_720 = arith.index_cast %shift_right_arithmetic3A_699 : i32 to index
        %swap3A_721 = arith.index_cast %swap3A_718 : i32 to index
        %swap3A_722 = arith.index_cast %mul3A_703 : i32 to index
        %swap3A_723 = tpu.vector_load %arg10[%swap3A_719, %swap3A_720, %swap3A_721, %swap3A_722] {strides = array<i32>} : memref<3x8x2x128xf32, #tpu.memory_space<vmem>>, vector<16xf32>,
        tpu.vector_store %arg10[%swap3A_719, %swap3A_720, %swap3A_721, %swap3A_722], %unpack3A_709 {strides = array<i32>} : memref<3x8x2x128xf32, #tpu.memory_space<vmem>>, vector<16xf32>,
        %broadcast_in_dim3A_724 = arith.constant 1 : i32
        %broadcast_in_dim3A_725 = vector.broadcast %broadcast_in_dim3A_724 : i32 to vector<16xi32>
        %gather3A_726 = tpu.vector_load_idx %arg8[%add3A_697, %broadcast_in_dim3A_725] : memref<1024x8xi32, #tpu.memory_space<vmem>>[vector<16xi32>, vector<16xi32>], vector<16xi32>,
        %bitcast3A_727 = vector.bitcast %gather3A_726 : vector<16xi32> to vector<32xbf16>
        %unpack3A_728 = tpu.unpack_subelements %bitcast3A_727, 0 {pack_format = #tpu.pack_format<interleaved>} : vector<32xbf16> -> vector<16xf32>
        %unpack3A_729 = tpu.unpack_subelements %bitcast3A_727, 1 {pack_format = #tpu.pack_format<interleaved>} : vector<32xbf16> -> vector<16xf32>
        %swap3A_730 = arith.constant 1 : i32
        %swap3A_731 = arith.constant 0 : i32
        %swap3A_732 = arith.index_cast %swap3A_730 : i32 to index
        %swap3A_733 = arith.index_cast %shift_right_arithmetic3A_699 : i32 to index
        %swap3A_734 = arith.index_cast %swap3A_731 : i32 to index
        %swap3A_735 = arith.index_cast %mul3A_703 : i32 to index
        %swap3A_736 = tpu.vector_load %arg10[%swap3A_732, %swap3A_733, %swap3A_734, %swap3A_735] {strides = array<i32>} : memref<3x8x2x128xf32, #tpu.memory_space<vmem>>, vector<16xf32>,
        tpu.vector_store %arg10[%swap3A_732, %swap3A_733, %swap3A_734, %swap3A_735], %unpack3A_728 {strides = array<i32>} : memref<3x8x2x128xf32, #tpu.memory_space<vmem>>, vector<16xf32>,
        %swap3A_737 = arith.constant 1 : i32
        %swap3A_738 = arith.constant 1 : i32
        %swap3A_739 = arith.index_cast %swap3A_737 : i32 to index
        %swap3A_740 = arith.index_cast %shift_right_arithmetic3A_699 : i32 to index
        %swap3A_741 = arith.index_cast %swap3A_738 : i32 to index
        %swap3A_742 = arith.index_cast %mul3A_703 : i32 to index
        %swap3A_743 = tpu.vector_load %arg10[%swap3A_739, %swap3A_740, %swap3A_741, %swap3A_742] {strides = array<i32>} : memref<3x8x2x128xf32, #tpu.memory_space<vmem>>, vector<16xf32>,
        tpu.vector_store %arg10[%swap3A_739, %swap3A_740, %swap3A_741, %swap3A_742], %unpack3A_729 {strides = array<i32>} : memref<3x8x2x128xf32, #tpu.memory_space<vmem>>, vector<16xf32>,
        %broadcast_in_dim3A_744 = arith.constant 2 : i32
        %broadcast_in_dim3A_745 = vector.broadcast %broadcast_in_dim3A_744 : i32 to vector<16xi32>
        %gather3A_746 = tpu.vector_load_idx %arg8[%add3A_697, %broadcast_in_dim3A_745] : memref<1024x8xi32, #tpu.memory_space<vmem>>[vector<16xi32>, vector<16xi32>], vector<16xi32>,
        %bitcast3A_747 = vector.bitcast %gather3A_746 : vector<16xi32> to vector<32xbf16>
        %unpack3A_748 = tpu.unpack_subelements %bitcast3A_747, 0 {pack_format = #tpu.pack_format<interleaved>} : vector<32xbf16> -> vector<16xf32>
        %unpack3A_749 = tpu.unpack_subelements %bitcast3A_747, 1 {pack_format = #tpu.pack_format<interleaved>} : vector<32xbf16> -> vector<16xf32>
        %swap3A_750 = arith.constant 2 : i32
        %swap3A_751 = arith.constant 0 : i32
        %swap3A_752 = arith.index_cast %swap3A_750 : i32 to index
        %swap3A_753 = arith.index_cast %shift_right_arithmetic3A_699 : i32 to index
        %swap3A_754 = arith.index_cast %swap3A_751 : i32 to index
        %swap3A_755 = arith.index_cast %mul3A_703 : i32 to index
        %swap3A_756 = tpu.vector_load %arg10[%swap3A_752, %swap3A_753, %swap3A_754, %swap3A_755] {strides = array<i32>} : memref<3x8x2x128xf32, #tpu.memory_space<vmem>>, vector<16xf32>,
        tpu.vector_store %arg10[%swap3A_752, %swap3A_753, %swap3A_754, %swap3A_755], %unpack3A_748 {strides = array<i32>} : memref<3x8x2x128xf32, #tpu.memory_space<vmem>>, vector<16xf32>,
        %swap3A_757 = arith.constant 2 : i32
        %swap3A_758 = arith.constant 1 : i32
        %swap3A_759 = arith.index_cast %swap3A_757 : i32 to index
        %swap3A_760 = arith.index_cast %shift_right_arithmetic3A_699 : i32 to index
        %swap3A_761 = arith.index_cast %swap3A_758 : i32 to index
        %swap3A_762 = arith.index_cast %mul3A_703 : i32 to index
        %swap3A_763 = tpu.vector_load %arg10[%swap3A_759, %swap3A_760, %swap3A_761, %swap3A_762] {strides = array<i32>} : memref<3x8x2x128xf32, #tpu.memory_space<vmem>>, vector<16xf32>,
        tpu.vector_store %arg10[%swap3A_759, %swap3A_760, %swap3A_761, %swap3A_762], %unpack3A_749 {strides = array<i32>} : memref<3x8x2x128xf32, #tpu.memory_space<vmem>>, vector<16xf32>,
        %scan3A_764 = arith.constant 5 : i32
        %scan3A_765 = arith.addi %scan3A_406, %scan3A_764 : i32
        %mul3A_766 = arith.constant 16 : i32
        %mul3A_767 = arith.muli %scan3A_765, %mul3A_766 : i32
        %iota3A_768 = tpu.iota {dimensions = array<i32: 0>} : vector<16xi32>
        %add3A_769 = vector.broadcast %mul3A_767 : i32 to vector<16xi32>
        %add3A_770 = arith.addi %add3A_769, %iota3A_768 : vector<16xi32>
        %shift_right_arithmetic3A_771 = arith.constant 3 : i32
        %shift_right_arithmetic3A_772 = arith.shrsi %scan3A_765, %shift_right_arithmetic3A_771 : i32
        %and3A_773 = arith.constant 7 : i32
        %and3A_774 = arith.andi %scan3A_765, %and3A_773 : i32
        %mul3A_775 = arith.constant 16 : i32
        %mul3A_776 = arith.muli %and3A_774, %mul3A_775 : i32
        %broadcast_in_dim3A_777 = arith.constant 0 : i32
        %broadcast_in_dim3A_778 = vector.broadcast %broadcast_in_dim3A_777 : i32 to vector<16xi32>
        %gather3A_779 = tpu.vector_load_idx %arg8[%add3A_770, %broadcast_in_dim3A_778] : memref<1024x8xi32, #tpu.memory_space<vmem>>[vector<16xi32>, vector<16xi32>], vector<16xi32>,
        %bitcast3A_780 = vector.bitcast %gather3A_779 : vector<16xi32> to vector<32xbf16>
        %unpack3A_781 = tpu.unpack_subelements %bitcast3A_780, 0 {pack_format = #tpu.pack_format<interleaved>} : vector<32xbf16> -> vector<16xf32>
        %unpack3A_782 = tpu.unpack_subelements %bitcast3A_780, 1 {pack_format = #tpu.pack_format<interleaved>} : vector<32xbf16> -> vector<16xf32>
        %swap3A_783 = arith.constant 0 : i32
        %swap3A_784 = arith.constant 0 : i32
        %swap3A_785 = arith.index_cast %swap3A_783 : i32 to index
        %swap3A_786 = arith.index_cast %shift_right_arithmetic3A_772 : i32 to index
        %swap3A_787 = arith.index_cast %swap3A_784 : i32 to index
        %swap3A_788 = arith.index_cast %mul3A_776 : i32 to index
        %swap3A_789 = tpu.vector_load %arg10[%swap3A_785, %swap3A_786, %swap3A_787, %swap3A_788] {strides = array<i32>} : memref<3x8x2x128xf32, #tpu.memory_space<vmem>>, vector<16xf32>,
        tpu.vector_store %arg10[%swap3A_785, %swap3A_786, %swap3A_787, %swap3A_788], %unpack3A_781 {strides = array<i32>} : memref<3x8x2x128xf32, #tpu.memory_space<vmem>>, vector<16xf32>,
        %swap3A_790 = arith.constant 0 : i32
        %swap3A_791 = arith.constant 1 : i32
        %swap3A_792 = arith.index_cast %swap3A_790 : i32 to index
        %swap3A_793 = arith.index_cast %shift_right_arithmetic3A_772 : i32 to index
        %swap3A_794 = arith.index_cast %swap3A_791 : i32 to index
        %swap3A_795 = arith.index_cast %mul3A_776 : i32 to index
        %swap3A_796 = tpu.vector_load %arg10[%swap3A_792, %swap3A_793, %swap3A_794, %swap3A_795] {strides = array<i32>} : memref<3x8x2x128xf32, #tpu.memory_space<vmem>>, vector<16xf32>,
        tpu.vector_store %arg10[%swap3A_792, %swap3A_793, %swap3A_794, %swap3A_795], %unpack3A_782 {strides = array<i32>} : memref<3x8x2x128xf32, #tpu.memory_space<vmem>>, vector<16xf32>,
        %broadcast_in_dim3A_797 = arith.constant 1 : i32
        %broadcast_in_dim3A_798 = vector.broadcast %broadcast_in_dim3A_797 : i32 to vector<16xi32>
        %gather3A_799 = tpu.vector_load_idx %arg8[%add3A_770, %broadcast_in_dim3A_798] : memref<1024x8xi32, #tpu.memory_space<vmem>>[vector<16xi32>, vector<16xi32>], vector<16xi32>,
        %bitcast3A_800 = vector.bitcast %gather3A_799 : vector<16xi32> to vector<32xbf16>
        %unpack3A_801 = tpu.unpack_subelements %bitcast3A_800, 0 {pack_format = #tpu.pack_format<interleaved>} : vector<32xbf16> -> vector<16xf32>
        %unpack3A_802 = tpu.unpack_subelements %bitcast3A_800, 1 {pack_format = #tpu.pack_format<interleaved>} : vector<32xbf16> -> vector<16xf32>
        %swap3A_803 = arith.constant 1 : i32
        %swap3A_804 = arith.constant 0 : i32
        %swap3A_805 = arith.index_cast %swap3A_803 : i32 to index
        %swap3A_806 = arith.index_cast %shift_right_arithmetic3A_772 : i32 to index
        %swap3A_807 = arith.index_cast %swap3A_804 : i32 to index
        %swap3A_808 = arith.index_cast %mul3A_776 : i32 to index
        %swap3A_809 = tpu.vector_load %arg10[%swap3A_805, %swap3A_806, %swap3A_807, %swap3A_808] {strides = array<i32>} : memref<3x8x2x128xf32, #tpu.memory_space<vmem>>, vector<16xf32>,
        tpu.vector_store %arg10[%swap3A_805, %swap3A_806, %swap3A_807, %swap3A_808], %unpack3A_801 {strides = array<i32>} : memref<3x8x2x128xf32, #tpu.memory_space<vmem>>, vector<16xf32>,
        %swap3A_810 = arith.constant 1 : i32
        %swap3A_811 = arith.constant 1 : i32
        %swap3A_812 = arith.index_cast %swap3A_810 : i32 to index
        %swap3A_813 = arith.index_cast %shift_right_arithmetic3A_772 : i32 to index
        %swap3A_814 = arith.index_cast %swap3A_811 : i32 to index
        %swap3A_815 = arith.index_cast %mul3A_776 : i32 to index
        %swap3A_816 = tpu.vector_load %arg10[%swap3A_812, %swap3A_813, %swap3A_814, %swap3A_815] {strides = array<i32>} : memref<3x8x2x128xf32, #tpu.memory_space<vmem>>, vector<16xf32>,
        tpu.vector_store %arg10[%swap3A_812, %swap3A_813, %swap3A_814, %swap3A_815], %unpack3A_802 {strides = array<i32>} : memref<3x8x2x128xf32, #tpu.memory_space<vmem>>, vector<16xf32>,
        %broadcast_in_dim3A_817 = arith.constant 2 : i32
        %broadcast_in_dim3A_818 = vector.broadcast %broadcast_in_dim3A_817 : i32 to vector<16xi32>
        %gather3A_819 = tpu.vector_load_idx %arg8[%add3A_770, %broadcast_in_dim3A_818] : memref<1024x8xi32, #tpu.memory_space<vmem>>[vector<16xi32>, vector<16xi32>], vector<16xi32>,
        %bitcast3A_820 = vector.bitcast %gather3A_819 : vector<16xi32> to vector<32xbf16>
        %unpack3A_821 = tpu.unpack_subelements %bitcast3A_820, 0 {pack_format = #tpu.pack_format<interleaved>} : vector<32xbf16> -> vector<16xf32>
        %unpack3A_822 = tpu.unpack_subelements %bitcast3A_820, 1 {pack_format = #tpu.pack_format<interleaved>} : vector<32xbf16> -> vector<16xf32>
        %swap3A_823 = arith.constant 2 : i32
        %swap3A_824 = arith.constant 0 : i32
        %swap3A_825 = arith.index_cast %swap3A_823 : i32 to index
        %swap3A_826 = arith.index_cast %shift_right_arithmetic3A_772 : i32 to index
        %swap3A_827 = arith.index_cast %swap3A_824 : i32 to index
        %swap3A_828 = arith.index_cast %mul3A_776 : i32 to index
        %swap3A_829 = tpu.vector_load %arg10[%swap3A_825, %swap3A_826, %swap3A_827, %swap3A_828] {strides = array<i32>} : memref<3x8x2x128xf32, #tpu.memory_space<vmem>>, vector<16xf32>,
        tpu.vector_store %arg10[%swap3A_825, %swap3A_826, %swap3A_827, %swap3A_828], %unpack3A_821 {strides = array<i32>} : memref<3x8x2x128xf32, #tpu.memory_space<vmem>>, vector<16xf32>,
        %swap3A_830 = arith.constant 2 : i32
        %swap3A_831 = arith.constant 1 : i32
        %swap3A_832 = arith.index_cast %swap3A_830 : i32 to index
        %swap3A_833 = arith.index_cast %shift_right_arithmetic3A_772 : i32 to index
        %swap3A_834 = arith.index_cast %swap3A_831 : i32 to index
        %swap3A_835 = arith.index_cast %mul3A_776 : i32 to index
        %swap3A_836 = tpu.vector_load %arg10[%swap3A_832, %swap3A_833, %swap3A_834, %swap3A_835] {strides = array<i32>} : memref<3x8x2x128xf32, #tpu.memory_space<vmem>>, vector<16xf32>,
        tpu.vector_store %arg10[%swap3A_832, %swap3A_833, %swap3A_834, %swap3A_835], %unpack3A_822 {strides = array<i32>} : memref<3x8x2x128xf32, #tpu.memory_space<vmem>>, vector<16xf32>,
        %scan3A_837 = arith.constant 6 : i32
        %scan3A_838 = arith.addi %scan3A_406, %scan3A_837 : i32
        %mul3A_839 = arith.constant 16 : i32
        %mul3A_840 = arith.muli %scan3A_838, %mul3A_839 : i32
        %iota3A_841 = tpu.iota {dimensions = array<i32: 0>} : vector<16xi32>
        %add3A_842 = vector.broadcast %mul3A_840 : i32 to vector<16xi32>
        %add3A_843 = arith.addi %add3A_842, %iota3A_841 : vector<16xi32>
        %shift_right_arithmetic3A_844 = arith.constant 3 : i32
        %shift_right_arithmetic3A_845 = arith.shrsi %scan3A_838, %shift_right_arithmetic3A_844 : i32
        %and3A_846 = arith.constant 7 : i32
        %and3A_847 = arith.andi %scan3A_838, %and3A_846 : i32
        %mul3A_848 = arith.constant 16 : i32
        %mul3A_849 = arith.muli %and3A_847, %mul3A_848 : i32
        %broadcast_in_dim3A_850 = arith.constant 0 : i32
        %broadcast_in_dim3A_851 = vector.broadcast %broadcast_in_dim3A_850 : i32 to vector<16xi32>
        %gather3A_852 = tpu.vector_load_idx %arg8[%add3A_843, %broadcast_in_dim3A_851] : memref<1024x8xi32, #tpu.memory_space<vmem>>[vector<16xi32>, vector<16xi32>], vector<16xi32>,
        %bitcast3A_853 = vector.bitcast %gather3A_852 : vector<16xi32> to vector<32xbf16>
        %unpack3A_854 = tpu.unpack_subelements %bitcast3A_853, 0 {pack_format = #tpu.pack_format<interleaved>} : vector<32xbf16> -> vector<16xf32>
        %unpack3A_855 = tpu.unpack_subelements %bitcast3A_853, 1 {pack_format = #tpu.pack_format<interleaved>} : vector<32xbf16> -> vector<16xf32>
        %swap3A_856 = arith.constant 0 : i32
        %swap3A_857 = arith.constant 0 : i32
        %swap3A_858 = arith.index_cast %swap3A_856 : i32 to index
        %swap3A_859 = arith.index_cast %shift_right_arithmetic3A_845 : i32 to index
        %swap3A_860 = arith.index_cast %swap3A_857 : i32 to index
        %swap3A_861 = arith.index_cast %mul3A_849 : i32 to index
        %swap3A_862 = tpu.vector_load %arg10[%swap3A_858, %swap3A_859, %swap3A_860, %swap3A_861] {strides = array<i32>} : memref<3x8x2x128xf32, #tpu.memory_space<vmem>>, vector<16xf32>,
        tpu.vector_store %arg10[%swap3A_858, %swap3A_859, %swap3A_860, %swap3A_861], %unpack3A_854 {strides = array<i32>} : memref<3x8x2x128xf32, #tpu.memory_space<vmem>>, vector<16xf32>,
        %swap3A_863 = arith.constant 0 : i32
        %swap3A_864 = arith.constant 1 : i32
        %swap3A_865 = arith.index_cast %swap3A_863 : i32 to index
        %swap3A_866 = arith.index_cast %shift_right_arithmetic3A_845 : i32 to index
        %swap3A_867 = arith.index_cast %swap3A_864 : i32 to index
        %swap3A_868 = arith.index_cast %mul3A_849 : i32 to index
        %swap3A_869 = tpu.vector_load %arg10[%swap3A_865, %swap3A_866, %swap3A_867, %swap3A_868] {strides = array<i32>} : memref<3x8x2x128xf32, #tpu.memory_space<vmem>>, vector<16xf32>,
        tpu.vector_store %arg10[%swap3A_865, %swap3A_866, %swap3A_867, %swap3A_868], %unpack3A_855 {strides = array<i32>} : memref<3x8x2x128xf32, #tpu.memory_space<vmem>>, vector<16xf32>,
        %broadcast_in_dim3A_870 = arith.constant 1 : i32
        %broadcast_in_dim3A_871 = vector.broadcast %broadcast_in_dim3A_870 : i32 to vector<16xi32>
        %gather3A_872 = tpu.vector_load_idx %arg8[%add3A_843, %broadcast_in_dim3A_871] : memref<1024x8xi32, #tpu.memory_space<vmem>>[vector<16xi32>, vector<16xi32>], vector<16xi32>,
        %bitcast3A_873 = vector.bitcast %gather3A_872 : vector<16xi32> to vector<32xbf16>
        %unpack3A_874 = tpu.unpack_subelements %bitcast3A_873, 0 {pack_format = #tpu.pack_format<interleaved>} : vector<32xbf16> -> vector<16xf32>
        %unpack3A_875 = tpu.unpack_subelements %bitcast3A_873, 1 {pack_format = #tpu.pack_format<interleaved>} : vector<32xbf16> -> vector<16xf32>
        %swap3A_876 = arith.constant 1 : i32
        %swap3A_877 = arith.constant 0 : i32
        %swap3A_878 = arith.index_cast %swap3A_876 : i32 to index
        %swap3A_879 = arith.index_cast %shift_right_arithmetic3A_845 : i32 to index
        %swap3A_880 = arith.index_cast %swap3A_877 : i32 to index
        %swap3A_881 = arith.index_cast %mul3A_849 : i32 to index
        %swap3A_882 = tpu.vector_load %arg10[%swap3A_878, %swap3A_879, %swap3A_880, %swap3A_881] {strides = array<i32>} : memref<3x8x2x128xf32, #tpu.memory_space<vmem>>, vector<16xf32>,
        tpu.vector_store %arg10[%swap3A_878, %swap3A_879, %swap3A_880, %swap3A_881], %unpack3A_874 {strides = array<i32>} : memref<3x8x2x128xf32, #tpu.memory_space<vmem>>, vector<16xf32>,
        %swap3A_883 = arith.constant 1 : i32
        %swap3A_884 = arith.constant 1 : i32
        %swap3A_885 = arith.index_cast %swap3A_883 : i32 to index
        %swap3A_886 = arith.index_cast %shift_right_arithmetic3A_845 : i32 to index
        %swap3A_887 = arith.index_cast %swap3A_884 : i32 to index
        %swap3A_888 = arith.index_cast %mul3A_849 : i32 to index
        %swap3A_889 = tpu.vector_load %arg10[%swap3A_885, %swap3A_886, %swap3A_887, %swap3A_888] {strides = array<i32>} : memref<3x8x2x128xf32, #tpu.memory_space<vmem>>, vector<16xf32>,
        tpu.vector_store %arg10[%swap3A_885, %swap3A_886, %swap3A_887, %swap3A_888], %unpack3A_875 {strides = array<i32>} : memref<3x8x2x128xf32, #tpu.memory_space<vmem>>, vector<16xf32>,
        %broadcast_in_dim3A_890 = arith.constant 2 : i32
        %broadcast_in_dim3A_891 = vector.broadcast %broadcast_in_dim3A_890 : i32 to vector<16xi32>
        %gather3A_892 = tpu.vector_load_idx %arg8[%add3A_843, %broadcast_in_dim3A_891] : memref<1024x8xi32, #tpu.memory_space<vmem>>[vector<16xi32>, vector<16xi32>], vector<16xi32>,
        %bitcast3A_893 = vector.bitcast %gather3A_892 : vector<16xi32> to vector<32xbf16>
        %unpack3A_894 = tpu.unpack_subelements %bitcast3A_893, 0 {pack_format = #tpu.pack_format<interleaved>} : vector<32xbf16> -> vector<16xf32>
        %unpack3A_895 = tpu.unpack_subelements %bitcast3A_893, 1 {pack_format = #tpu.pack_format<interleaved>} : vector<32xbf16> -> vector<16xf32>
        %swap3A_896 = arith.constant 2 : i32
        %swap3A_897 = arith.constant 0 : i32
        %swap3A_898 = arith.index_cast %swap3A_896 : i32 to index
        %swap3A_899 = arith.index_cast %shift_right_arithmetic3A_845 : i32 to index
        %swap3A_900 = arith.index_cast %swap3A_897 : i32 to index
        %swap3A_901 = arith.index_cast %mul3A_849 : i32 to index
        %swap3A_902 = tpu.vector_load %arg10[%swap3A_898, %swap3A_899, %swap3A_900, %swap3A_901] {strides = array<i32>} : memref<3x8x2x128xf32, #tpu.memory_space<vmem>>, vector<16xf32>,
        tpu.vector_store %arg10[%swap3A_898, %swap3A_899, %swap3A_900, %swap3A_901], %unpack3A_894 {strides = array<i32>} : memref<3x8x2x128xf32, #tpu.memory_space<vmem>>, vector<16xf32>,
        %swap3A_903 = arith.constant 2 : i32
        %swap3A_904 = arith.constant 1 : i32
        %swap3A_905 = arith.index_cast %swap3A_903 : i32 to index
        %swap3A_906 = arith.index_cast %shift_right_arithmetic3A_845 : i32 to index
        %swap3A_907 = arith.index_cast %swap3A_904 : i32 to index
        %swap3A_908 = arith.index_cast %mul3A_849 : i32 to index
        %swap3A_909 = tpu.vector_load %arg10[%swap3A_905, %swap3A_906, %swap3A_907, %swap3A_908] {strides = array<i32>} : memref<3x8x2x128xf32, #tpu.memory_space<vmem>>, vector<16xf32>,
        tpu.vector_store %arg10[%swap3A_905, %swap3A_906, %swap3A_907, %swap3A_908], %unpack3A_895 {strides = array<i32>} : memref<3x8x2x128xf32, #tpu.memory_space<vmem>>, vector<16xf32>,
        %scan3A_910 = arith.constant 7 : i32
        %scan3A_911 = arith.addi %scan3A_406, %scan3A_910 : i32
        %mul3A_912 = arith.constant 16 : i32
        %mul3A_913 = arith.muli %scan3A_911, %mul3A_912 : i32
        %iota3A_914 = tpu.iota {dimensions = array<i32: 0>} : vector<16xi32>
        %add3A_915 = vector.broadcast %mul3A_913 : i32 to vector<16xi32>
        %add3A_916 = arith.addi %add3A_915, %iota3A_914 : vector<16xi32>
        %shift_right_arithmetic3A_917 = arith.constant 3 : i32
        %shift_right_arithmetic3A_918 = arith.shrsi %scan3A_911, %shift_right_arithmetic3A_917 : i32
        %and3A_919 = arith.constant 7 : i32
        %and3A_920 = arith.andi %scan3A_911, %and3A_919 : i32
        %mul3A_921 = arith.constant 16 : i32
        %mul3A_922 = arith.muli %and3A_920, %mul3A_921 : i32
        %broadcast_in_dim3A_923 = arith.constant 0 : i32
        %broadcast_in_dim3A_924 = vector.broadcast %broadcast_in_dim3A_923 : i32 to vector<16xi32>
        %gather3A_925 = tpu.vector_load_idx %arg8[%add3A_916, %broadcast_in_dim3A_924] : memref<1024x8xi32, #tpu.memory_space<vmem>>[vector<16xi32>, vector<16xi32>], vector<16xi32>,
        %bitcast3A_926 = vector.bitcast %gather3A_925 : vector<16xi32> to vector<32xbf16>
        %unpack3A_927 = tpu.unpack_subelements %bitcast3A_926, 0 {pack_format = #tpu.pack_format<interleaved>} : vector<32xbf16> -> vector<16xf32>
        %unpack3A_928 = tpu.unpack_subelements %bitcast3A_926, 1 {pack_format = #tpu.pack_format<interleaved>} : vector<32xbf16> -> vector<16xf32>
        %swap3A_929 = arith.constant 0 : i32
        %swap3A_930 = arith.constant 0 : i32
        %swap3A_931 = arith.index_cast %swap3A_929 : i32 to index
        %swap3A_932 = arith.index_cast %shift_right_arithmetic3A_918 : i32 to index
        %swap3A_933 = arith.index_cast %swap3A_930 : i32 to index
        %swap3A_934 = arith.index_cast %mul3A_922 : i32 to index
        %swap3A_935 = tpu.vector_load %arg10[%swap3A_931, %swap3A_932, %swap3A_933, %swap3A_934] {strides = array<i32>} : memref<3x8x2x128xf32, #tpu.memory_space<vmem>>, vector<16xf32>,
        tpu.vector_store %arg10[%swap3A_931, %swap3A_932, %swap3A_933, %swap3A_934], %unpack3A_927 {strides = array<i32>} : memref<3x8x2x128xf32, #tpu.memory_space<vmem>>, vector<16xf32>,
        %swap3A_936 = arith.constant 0 : i32
        %swap3A_937 = arith.constant 1 : i32
        %swap3A_938 = arith.index_cast %swap3A_936 : i32 to index
        %swap3A_939 = arith.index_cast %shift_right_arithmetic3A_918 : i32 to index
        %swap3A_940 = arith.index_cast %swap3A_937 : i32 to index
        %swap3A_941 = arith.index_cast %mul3A_922 : i32 to index
        %swap3A_942 = tpu.vector_load %arg10[%swap3A_938, %swap3A_939, %swap3A_940, %swap3A_941] {strides = array<i32>} : memref<3x8x2x128xf32, #tpu.memory_space<vmem>>, vector<16xf32>,
        tpu.vector_store %arg10[%swap3A_938, %swap3A_939, %swap3A_940, %swap3A_941], %unpack3A_928 {strides = array<i32>} : memref<3x8x2x128xf32, #tpu.memory_space<vmem>>, vector<16xf32>,
        %broadcast_in_dim3A_943 = arith.constant 1 : i32
        %broadcast_in_dim3A_944 = vector.broadcast %broadcast_in_dim3A_943 : i32 to vector<16xi32>
        %gather3A_945 = tpu.vector_load_idx %arg8[%add3A_916, %broadcast_in_dim3A_944] : memref<1024x8xi32, #tpu.memory_space<vmem>>[vector<16xi32>, vector<16xi32>], vector<16xi32>,
        %bitcast3A_946 = vector.bitcast %gather3A_945 : vector<16xi32> to vector<32xbf16>
        %unpack3A_947 = tpu.unpack_subelements %bitcast3A_946, 0 {pack_format = #tpu.pack_format<interleaved>} : vector<32xbf16> -> vector<16xf32>
        %unpack3A_948 = tpu.unpack_subelements %bitcast3A_946, 1 {pack_format = #tpu.pack_format<interleaved>} : vector<32xbf16> -> vector<16xf32>
        %swap3A_949 = arith.constant 1 : i32
        %swap3A_950 = arith.constant 0 : i32
        %swap3A_951 = arith.index_cast %swap3A_949 : i32 to index
        %swap3A_952 = arith.index_cast %shift_right_arithmetic3A_918 : i32 to index
        %swap3A_953 = arith.index_cast %swap3A_950 : i32 to index
        %swap3A_954 = arith.index_cast %mul3A_922 : i32 to index
        %swap3A_955 = tpu.vector_load %arg10[%swap3A_951, %swap3A_952, %swap3A_953, %swap3A_954] {strides = array<i32>} : memref<3x8x2x128xf32, #tpu.memory_space<vmem>>, vector<16xf32>,
        tpu.vector_store %arg10[%swap3A_951, %swap3A_952, %swap3A_953, %swap3A_954], %unpack3A_947 {strides = array<i32>} : memref<3x8x2x128xf32, #tpu.memory_space<vmem>>, vector<16xf32>,
        %swap3A_956 = arith.constant 1 : i32
        %swap3A_957 = arith.constant 1 : i32
        %swap3A_958 = arith.index_cast %swap3A_956 : i32 to index
        %swap3A_959 = arith.index_cast %shift_right_arithmetic3A_918 : i32 to index
        %swap3A_960 = arith.index_cast %swap3A_957 : i32 to index
        %swap3A_961 = arith.index_cast %mul3A_922 : i32 to index
        %swap3A_962 = tpu.vector_load %arg10[%swap3A_958, %swap3A_959, %swap3A_960, %swap3A_961] {strides = array<i32>} : memref<3x8x2x128xf32, #tpu.memory_space<vmem>>, vector<16xf32>,
        tpu.vector_store %arg10[%swap3A_958, %swap3A_959, %swap3A_960, %swap3A_961], %unpack3A_948 {strides = array<i32>} : memref<3x8x2x128xf32, #tpu.memory_space<vmem>>, vector<16xf32>,
        %broadcast_in_dim3A_963 = arith.constant 2 : i32
        %broadcast_in_dim3A_964 = vector.broadcast %broadcast_in_dim3A_963 : i32 to vector<16xi32>
        %gather3A_965 = tpu.vector_load_idx %arg8[%add3A_916, %broadcast_in_dim3A_964] : memref<1024x8xi32, #tpu.memory_space<vmem>>[vector<16xi32>, vector<16xi32>], vector<16xi32>,
        %bitcast3A_966 = vector.bitcast %gather3A_965 : vector<16xi32> to vector<32xbf16>
        %unpack3A_967 = tpu.unpack_subelements %bitcast3A_966, 0 {pack_format = #tpu.pack_format<interleaved>} : vector<32xbf16> -> vector<16xf32>
        %unpack3A_968 = tpu.unpack_subelements %bitcast3A_966, 1 {pack_format = #tpu.pack_format<interleaved>} : vector<32xbf16> -> vector<16xf32>
        %swap3A_969 = arith.constant 2 : i32
        %swap3A_970 = arith.constant 0 : i32
        %swap3A_971 = arith.index_cast %swap3A_969 : i32 to index
        %swap3A_972 = arith.index_cast %shift_right_arithmetic3A_918 : i32 to index
        %swap3A_973 = arith.index_cast %swap3A_970 : i32 to index
        %swap3A_974 = arith.index_cast %mul3A_922 : i32 to index
        %swap3A_975 = tpu.vector_load %arg10[%swap3A_971, %swap3A_972, %swap3A_973, %swap3A_974] {strides = array<i32>} : memref<3x8x2x128xf32, #tpu.memory_space<vmem>>, vector<16xf32>,
        tpu.vector_store %arg10[%swap3A_971, %swap3A_972, %swap3A_973, %swap3A_974], %unpack3A_967 {strides = array<i32>} : memref<3x8x2x128xf32, #tpu.memory_space<vmem>>, vector<16xf32>,
        %swap3A_976 = arith.constant 2 : i32
        %swap3A_977 = arith.constant 1 : i32
        %swap3A_978 = arith.index_cast %swap3A_976 : i32 to index
        %swap3A_979 = arith.index_cast %shift_right_arithmetic3A_918 : i32 to index
        %swap3A_980 = arith.index_cast %swap3A_977 : i32 to index
        %swap3A_981 = arith.index_cast %mul3A_922 : i32 to index
        %swap3A_982 = tpu.vector_load %arg10[%swap3A_978, %swap3A_979, %swap3A_980, %swap3A_981] {strides = array<i32>} : memref<3x8x2x128xf32, #tpu.memory_space<vmem>>, vector<16xf32>,
        tpu.vector_store %arg10[%swap3A_978, %swap3A_979, %swap3A_980, %swap3A_981], %unpack3A_968 {strides = array<i32>} : memref<3x8x2x128xf32, #tpu.memory_space<vmem>>, vector<16xf32>,
      }
      %scan3A_209 = arith.constant 64 : i32
      %min3A_210 = arith.constant 99 : i32
      %min3A_211 = arith.minsi %add3A_185, %min3A_210 : i32
      %add3A_212 = arith.addi %mul3A_2, %min3A_211 : i32
      %shift_right_arithmetic3A_213 = arith.constant 4 : i32
      %shift_right_arithmetic3A_214 = arith.shrsi %add3A_212, %shift_right_arithmetic3A_213 : i32
      %and3A_215 = arith.constant 15 : i32
      %and3A_216 = arith.andi %add3A_212, %and3A_215 : i32
      %mul3A_217 = arith.constant 3 : i32
      %mul3A_218 = arith.muli %shift_right_arithmetic3A_214, %mul3A_217 : i32
      %add3A_219 = arith.constant 0 : i32
      %add3A_220 = arith.addi %mul3A_218, %add3A_219 : i32
      %mul3A_221 = arith.constant 8 : i32
      %mul3A_222 = arith.muli %and3A_216, %mul3A_221 : i32
      %dma_start3A_223 = arith.constant 0 : i32
      %dma_start3A_224 = arith.constant 0 : i32
      %dma_start3A_225 = arith.constant 0 : i32
      %dma_start3A_226 = arith.constant 0 : i32
      %dma_start3A_227 = tpu.memref_slice %arg10[%dma_start3A_223, %dma_start3A_224, %dma_start3A_225, %dma_start3A_226] : memref<3x8x2x128xf32, #tpu.memory_space<vmem>> -> memref<1x8x2x128xf32, #tpu.memory_space<vmem>>
      %dma_start3A_228 = tpu.memref_squeeze %dma_start3A_227 : memref<1x8x2x128xf32, #tpu.memory_space<vmem>> -> memref<8x2x128xf32, #tpu.memory_space<vmem>>
      %dma_start3A_229 = arith.constant 0 : i32
      %dma_start3A_230 = arith.constant 0 : i32
      %dma_start3A_231 = tpu.memref_slice %arg4[%add3A_220, %mul3A_222, %dma_start3A_229, %dma_start3A_230] : memref<600x128x2x128xf32, #tpu.memory_space<hbm>> -> memref<1x8x2x128xf32, #tpu.memory_space<hbm>>
      %dma_start3A_232 = tpu.memref_squeeze %dma_start3A_231 : memref<1x8x2x128xf32, #tpu.memory_space<hbm>> -> memref<8x2x128xf32, #tpu.memory_space<hbm>>
      %dma_start3A_233 = arith.constant 0 : i32
      %dma_start3A_234 = arith.constant 0 : i32
      %dma_start3A_235 = tpu.memref_slice %arg4[%add3A_220, %mul3A_222, %dma_start3A_233, %dma_start3A_234] : memref<600x128x2x128xf32, #tpu.memory_space<hbm>> -> memref<1x8x2x128xf32, #tpu.memory_space<hbm>>
      %dma_start3A_236 = tpu.memref_squeeze %dma_start3A_235 : memref<1x8x2x128xf32, #tpu.memory_space<hbm>> -> memref<8x2x128xf32, #tpu.memory_space<hbm>>
      %dma_start3A_237 = arith.constant 0 : i32
      %dma_start3A_238 = arith.constant 0 : i32
      %dma_start3A_239 = arith.constant 0 : i32
      %dma_start3A_240 = tpu.memref_slice %arg10[%dma_start3A_223, %dma_start3A_237, %dma_start3A_238, %dma_start3A_239] : memref<3x8x2x128xf32, #tpu.memory_space<vmem>> -> memref<1x8x2x128xf32, #tpu.memory_space<vmem>>
      %dma_start3A_241 = tpu.memref_squeeze %dma_start3A_240 : memref<1x8x2x128xf32, #tpu.memory_space<vmem>> -> memref<8x2x128xf32, #tpu.memory_space<vmem>>
      tpu.enqueue_dma source(%dma_start3A_241 : memref<8x2x128xf32, #tpu.memory_space<vmem>>) target(%dma_start3A_236 : memref<8x2x128xf32, #tpu.memory_space<hbm>>) target_semaphore(%arg16 : memref<!tpu.dma_semaphore, #tpu.memory_space<semaphore_mem>>)
      %mul3A_242 = arith.constant 3 : i32
      %mul3A_243 = arith.muli %shift_right_arithmetic3A_214, %mul3A_242 : i32
      %add3A_244 = arith.constant 1 : i32
      %add3A_245 = arith.addi %mul3A_243, %add3A_244 : i32
      %mul3A_246 = arith.constant 8 : i32
      %mul3A_247 = arith.muli %and3A_216, %mul3A_246 : i32
      %dma_start3A_248 = arith.constant 1 : i32
      %dma_start3A_249 = arith.constant 0 : i32
      %dma_start3A_250 = arith.constant 0 : i32
      %dma_start3A_251 = arith.constant 0 : i32
      %dma_start3A_252 = tpu.memref_slice %arg10[%dma_start3A_248, %dma_start3A_249, %dma_start3A_250, %dma_start3A_251] : memref<3x8x2x128xf32, #tpu.memory_space<vmem>> -> memref<1x8x2x128xf32, #tpu.memory_space<vmem>>
      %dma_start3A_253 = tpu.memref_squeeze %dma_start3A_252 : memref<1x8x2x128xf32, #tpu.memory_space<vmem>> -> memref<8x2x128xf32, #tpu.memory_space<vmem>>
      %dma_start3A_254 = arith.constant 0 : i32
      %dma_start3A_255 = arith.constant 0 : i32
      %dma_start3A_256 = tpu.memref_slice %arg4[%add3A_245, %mul3A_247, %dma_start3A_254, %dma_start3A_255] : memref<600x128x2x128xf32, #tpu.memory_space<hbm>> -> memref<1x8x2x128xf32, #tpu.memory_space<hbm>>
      %dma_start3A_257 = tpu.memref_squeeze %dma_start3A_256 : memref<1x8x2x128xf32, #tpu.memory_space<hbm>> -> memref<8x2x128xf32, #tpu.memory_space<hbm>>
      %dma_start3A_258 = arith.constant 0 : i32
      %dma_start3A_259 = arith.constant 0 : i32
      %dma_start3A_260 = tpu.memref_slice %arg4[%add3A_245, %mul3A_247, %dma_start3A_258, %dma_start3A_259] : memref<600x128x2x128xf32, #tpu.memory_space<hbm>> -> memref<1x8x2x128xf32, #tpu.memory_space<hbm>>
      %dma_start3A_261 = tpu.memref_squeeze %dma_start3A_260 : memref<1x8x2x128xf32, #tpu.memory_space<hbm>> -> memref<8x2x128xf32, #tpu.memory_space<hbm>>
      %dma_start3A_262 = arith.constant 0 : i32
      %dma_start3A_263 = arith.constant 0 : i32
      %dma_start3A_264 = arith.constant 0 : i32
      %dma_start3A_265 = tpu.memref_slice %arg10[%dma_start3A_248, %dma_start3A_262, %dma_start3A_263, %dma_start3A_264] : memref<3x8x2x128xf32, #tpu.memory_space<vmem>> -> memref<1x8x2x128xf32, #tpu.memory_space<vmem>>
      %dma_start3A_266 = tpu.memref_squeeze %dma_start3A_265 : memref<1x8x2x128xf32, #tpu.memory_space<vmem>> -> memref<8x2x128xf32, #tpu.memory_space<vmem>>
      tpu.enqueue_dma source(%dma_start3A_266 : memref<8x2x128xf32, #tpu.memory_space<vmem>>) target(%dma_start3A_261 : memref<8x2x128xf32, #tpu.memory_space<hbm>>) target_semaphore(%arg16 : memref<!tpu.dma_semaphore, #tpu.memory_space<semaphore_mem>>)
      %mul3A_267 = arith.constant 3 : i32
      %mul3A_268 = arith.muli %shift_right_arithmetic3A_214, %mul3A_267 : i32
      %add3A_269 = arith.constant 2 : i32
      %add3A_270 = arith.addi %mul3A_268, %add3A_269 : i32
      %mul3A_271 = arith.constant 8 : i32
      %mul3A_272 = arith.muli %and3A_216, %mul3A_271 : i32
      %dma_start3A_273 = arith.constant 2 : i32
      %dma_start3A_274 = arith.constant 0 : i32
      %dma_start3A_275 = arith.constant 0 : i32
      %dma_start3A_276 = arith.constant 0 : i32
      %dma_start3A_277 = tpu.memref_slice %arg10[%dma_start3A_273, %dma_start3A_274, %dma_start3A_275, %dma_start3A_276] : memref<3x8x2x128xf32, #tpu.memory_space<vmem>> -> memref<1x8x2x128xf32, #tpu.memory_space<vmem>>
      %dma_start3A_278 = tpu.memref_squeeze %dma_start3A_277 : memref<1x8x2x128xf32, #tpu.memory_space<vmem>> -> memref<8x2x128xf32, #tpu.memory_space<vmem>>
      %dma_start3A_279 = arith.constant 0 : i32
      %dma_start3A_280 = arith.constant 0 : i32
      %dma_start3A_281 = tpu.memref_slice %arg4[%add3A_270, %mul3A_272, %dma_start3A_279, %dma_start3A_280] : memref<600x128x2x128xf32, #tpu.memory_space<hbm>> -> memref<1x8x2x128xf32, #tpu.memory_space<hbm>>
      %dma_start3A_282 = tpu.memref_squeeze %dma_start3A_281 : memref<1x8x2x128xf32, #tpu.memory_space<hbm>> -> memref<8x2x128xf32, #tpu.memory_space<hbm>>
      %dma_start3A_283 = arith.constant 0 : i32
      %dma_start3A_284 = arith.constant 0 : i32
      %dma_start3A_285 = tpu.memref_slice %arg4[%add3A_270, %mul3A_272, %dma_start3A_283, %dma_start3A_284] : memref<600x128x2x128xf32, #tpu.memory_space<hbm>> -> memref<1x8x2x128xf32, #tpu.memory_space<hbm>>
      %dma_start3A_286 = tpu.memref_squeeze %dma_start3A_285 : memref<1x8x2x128xf32, #tpu.memory_space<hbm>> -> memref<8x2x128xf32, #tpu.memory_space<hbm>>
      %dma_start3A_287 = arith.constant 0 : i32
      %dma_start3A_288 = arith.constant 0 : i32
      %dma_start3A_289 = arith.constant 0 : i32
      %dma_start3A_290 = tpu.memref_slice %arg10[%dma_start3A_273, %dma_start3A_287, %dma_start3A_288, %dma_start3A_289] : memref<3x8x2x128xf32, #tpu.memory_space<vmem>> -> memref<1x8x2x128xf32, #tpu.memory_space<vmem>>
      %dma_start3A_291 = tpu.memref_squeeze %dma_start3A_290 : memref<1x8x2x128xf32, #tpu.memory_space<vmem>> -> memref<8x2x128xf32, #tpu.memory_space<vmem>>
      tpu.enqueue_dma source(%dma_start3A_291 : memref<8x2x128xf32, #tpu.memory_space<vmem>>) target(%dma_start3A_286 : memref<8x2x128xf32, #tpu.memory_space<hbm>>) target_semaphore(%arg16 : memref<!tpu.dma_semaphore, #tpu.memory_space<semaphore_mem>>)
      %mul3A_292 = arith.constant 2 : i32
      %mul3A_293 = arith.muli %scan3A_181, %mul3A_292 : i32
      %add3A_294 = arith.constant 1 : i32
      %add3A_295 = arith.addi %mul3A_293, %add3A_294 : i32
      %add3A_296 = arith.constant 1 : i32
      %add3A_297 = arith.addi %add3A_295, %add3A_296 : i32
      %le3A_298 = arith.constant 99 : i32
      %le3A_299 = arith.cmpi sle, %add3A_297, %le3A_298 : i32
      %convert_element_type3A_300 = arith.extui %le3A_299 : i1 to i32
      %cond3A_301 = arith.constant 0 : i32
      %cond3A_302 = arith.cmpi ne, %convert_element_type3A_300, %cond3A_301 : i32
      scf.if %cond3A_302 {
        %add3A_406 = arith.constant 1 : i32
        %add3A_407 = arith.addi %add3A_295, %add3A_406 : i32
        %dma_wait3A_408 = arith.constant 0 : i32
        %dma_wait3A_409 = arith.constant 0 : i32
        %dma_wait3A_410 = tpu.memref_slice %arg3[%dma_wait3A_408, %dma_wait3A_409] : memref<200x16384xi32, #tpu.memory_space<hbm>> -> memref<1x1024xi32, #tpu.memory_space<hbm>>
        %dma_wait3A_411 = tpu.memref_squeeze %dma_wait3A_410 : memref<1x1024xi32, #tpu.memory_space<hbm>> -> memref<1024xi32, #tpu.memory_space<hbm>>
        %dma_wait3A_412 = arith.constant 0 : i32
        %dma_wait3A_413 = tpu.memref_slice %arg3[%dma_wait3A_408, %dma_wait3A_412] : memref<200x16384xi32, #tpu.memory_space<hbm>> -> memref<1x1024xi32, #tpu.memory_space<hbm>>
        %dma_wait3A_414 = tpu.memref_squeeze %dma_wait3A_413 : memref<1x1024xi32, #tpu.memory_space<hbm>> -> memref<1024xi32, #tpu.memory_space<hbm>>
        tpu.wait_dma2 semaphore(%arg12 : memref<!tpu.dma_semaphore, #tpu.memory_space<semaphore_mem>>) src(%dma_wait3A_414 : memref<1024xi32, #tpu.memory_space<hbm>>) dst(%arg6 : memref<1024xi32, #tpu.memory_space<vmem>>)
        %dma_start3A_415 = arith.constant 0 : i32
        %dma_start3A_416 = arith.constant 0 : i32
        %dma_start3A_417 = tpu.memref_slice %arg5[%dma_start3A_415, %dma_start3A_416] : memref<150528x8xi32, #tpu.memory_space<vmem_shared>> -> memref<150528x8xi32, #tpu.memory_space<vmem_shared>>
        tpu.enqueue_indirect_dma source(%dma_start3A_417 : memref<150528x8xi32, #tpu.memory_space<vmem_shared>>) target(%arg8 : memref<1024x8xi32, #tpu.memory_space<vmem>>) offsets(%arg6 : memref<1024xi32, #tpu.memory_space<vmem>>) semaphore(%arg14 : memref<!tpu.dma_semaphore, #tpu.memory_space<semaphore_mem>>)
      } else {
      }
      %dma_wait3A_303 = arith.constant 0 : i32
      %dma_wait3A_304 = arith.constant 0 : i32
      %dma_wait3A_305 = tpu.memref_slice %arg5[%dma_wait3A_303, %dma_wait3A_304] : memref<150528x8xi32, #tpu.memory_space<vmem_shared>> -> memref<150528x8xi32, #tpu.memory_space<vmem_shared>>
      tpu.wait_indirect_dma semaphore(%arg15 : memref<!tpu.dma_semaphore, #tpu.memory_space<semaphore_mem>>) src(%dma_wait3A_305 : memref<150528x8xi32, #tpu.memory_space<vmem_shared>>) dst(%arg9 : memref<1024x8xi32, #tpu.memory_space<vmem>>)
      %add3A_306 = arith.constant 2 : i32
      %add3A_307 = arith.addi %add3A_295, %add3A_306 : i32
      %le3A_308 = arith.constant 99 : i32
      %le3A_309 = arith.cmpi sle, %add3A_307, %le3A_308 : i32
      %convert_element_type3A_310 = arith.extui %le3A_309 : i1 to i32
      %cond3A_311 = arith.constant 0 : i32
      %cond3A_312 = arith.cmpi ne, %convert_element_type3A_310, %cond3A_311 : i32
      scf.if %cond3A_312 {
        %add3A_406 = arith.constant 2 : i32
        %add3A_407 = arith.addi %add3A_295, %add3A_406 : i32
        %min3A_408 = arith.constant 99 : i32
        %min3A_409 = arith.minsi %add3A_407, %min3A_408 : i32
        %add3A_410 = arith.addi %mul3A_2, %min3A_409 : i32
        %shift_right_arithmetic3A_411 = arith.constant 4 : i32
        %shift_right_arithmetic3A_412 = arith.shrsi %add3A_410, %shift_right_arithmetic3A_411 : i32
        %and3A_413 = arith.constant 15 : i32
        %and3A_414 = arith.andi %add3A_410, %and3A_413 : i32
        %mul3A_415 = arith.constant 8 : i32
        %mul3A_416 = arith.muli %and3A_414, %mul3A_415 : i32
        %mul3A_417 = arith.constant 128 : i32
        %mul3A_418 = arith.muli %mul3A_416, %mul3A_417 : i32
        %dma_start3A_419 = tpu.memref_slice %arg3[%shift_right_arithmetic3A_412, %mul3A_418] : memref<200x16384xi32, #tpu.memory_space<hbm>> -> memref<1x1024xi32, #tpu.memory_space<hbm>>
        %dma_start3A_420 = tpu.memref_squeeze %dma_start3A_419 : memref<1x1024xi32, #tpu.memory_space<hbm>> -> memref<1024xi32, #tpu.memory_space<hbm>>
        %dma_start3A_421 = tpu.memref_slice %arg3[%shift_right_arithmetic3A_412, %mul3A_418] : memref<200x16384xi32, #tpu.memory_space<hbm>> -> memref<1x1024xi32, #tpu.memory_space<hbm>>
        %dma_start3A_422 = tpu.memref_squeeze %dma_start3A_421 : memref<1x1024xi32, #tpu.memory_space<hbm>> -> memref<1024xi32, #tpu.memory_space<hbm>>
        tpu.enqueue_dma source(%dma_start3A_422 : memref<1024xi32, #tpu.memory_space<hbm>>) target(%arg7 : memref<1024xi32, #tpu.memory_space<vmem>>) target_semaphore(%arg13 : memref<!tpu.dma_semaphore, #tpu.memory_space<semaphore_mem>>)
      } else {
      }
      %ge3A_313 = arith.constant 2 : i32
      %ge3A_314 = arith.cmpi sge, %add3A_295, %ge3A_313 : i32
      %convert_element_type3A_315 = arith.extui %ge3A_314 : i1 to i32
      %cond3A_316 = arith.constant 0 : i32
      %cond3A_317 = arith.cmpi ne, %convert_element_type3A_315, %cond3A_316 : i32
      scf.if %cond3A_317 {
        %dma_wait3A_406 = arith.constant 0 : i32
        %dma_wait3A_407 = arith.constant 0 : i32
        %dma_wait3A_408 = arith.constant 0 : i32
        %dma_wait3A_409 = arith.constant 0 : i32
        %dma_wait3A_410 = arith.constant 0 : i32
        %dma_wait3A_411 = tpu.memref_slice %arg11[%dma_wait3A_407, %dma_wait3A_408, %dma_wait3A_409, %dma_wait3A_410] : memref<3x8x2x128xf32, #tpu.memory_space<vmem>> -> memref<1x8x2x128xf32, #tpu.memory_space<vmem>>
        %dma_wait3A_412 = tpu.memref_squeeze %dma_wait3A_411 : memref<1x8x2x128xf32, #tpu.memory_space<vmem>> -> memref<8x2x128xf32, #tpu.memory_space<vmem>>
        %dma_wait3A_413 = arith.constant 0 : i32
        %dma_wait3A_414 = arith.constant 0 : i32
        %dma_wait3A_415 = arith.constant 0 : i32
        %dma_wait3A_416 = tpu.memref_slice %arg4[%dma_wait3A_406, %dma_wait3A_413, %dma_wait3A_414, %dma_wait3A_415] : memref<600x128x2x128xf32, #tpu.memory_space<hbm>> -> memref<1x8x2x128xf32, #tpu.memory_space<hbm>>
        %dma_wait3A_417 = tpu.memref_squeeze %dma_wait3A_416 : memref<1x8x2x128xf32, #tpu.memory_space<hbm>> -> memref<8x2x128xf32, #tpu.memory_space<hbm>>
        %dma_wait3A_418 = arith.constant 0 : i32
        %dma_wait3A_419 = arith.constant 0 : i32
        %dma_wait3A_420 = arith.constant 0 : i32
        %dma_wait3A_421 = tpu.memref_slice %arg11[%dma_wait3A_407, %dma_wait3A_418, %dma_wait3A_419, %dma_wait3A_420] : memref<3x8x2x128xf32, #tpu.memory_space<vmem>> -> memref<1x8x2x128xf32, #tpu.memory_space<vmem>>
        %dma_wait3A_422 = tpu.memref_squeeze %dma_wait3A_421 : memref<1x8x2x128xf32, #tpu.memory_space<vmem>> -> memref<8x2x128xf32, #tpu.memory_space<vmem>>
        %dma_wait3A_423 = arith.constant 0 : i32
        %dma_wait3A_424 = arith.constant 0 : i32
        %dma_wait3A_425 = arith.constant 0 : i32
        %dma_wait3A_426 = tpu.memref_slice %arg4[%dma_wait3A_406, %dma_wait3A_423, %dma_wait3A_424, %dma_wait3A_425] : memref<600x128x2x128xf32, #tpu.memory_space<hbm>> -> memref<1x8x2x128xf32, #tpu.memory_space<hbm>>
        %dma_wait3A_427 = tpu.memref_squeeze %dma_wait3A_426 : memref<1x8x2x128xf32, #tpu.memory_space<hbm>> -> memref<8x2x128xf32, #tpu.memory_space<hbm>>
        tpu.wait_dma2 semaphore(%arg17 : memref<!tpu.dma_semaphore, #tpu.memory_space<semaphore_mem>>) src(%dma_wait3A_427 : memref<8x2x128xf32, #tpu.memory_space<hbm>>) dst(%dma_wait3A_422 : memref<8x2x128xf32, #tpu.memory_space<vmem>>)
        %dma_wait3A_428 = arith.constant 0 : i32
        %dma_wait3A_429 = arith.constant 1 : i32
        %dma_wait3A_430 = arith.constant 0 : i32
        %dma_wait3A_431 = arith.constant 0 : i32
        %dma_wait3A_432 = arith.constant 0 : i32
        %dma_wait3A_433 = tpu.memref_slice %arg11[%dma_wait3A_429, %dma_wait3A_430, %dma_wait3A_431, %dma_wait3A_432] : memref<3x8x2x128xf32, #tpu.memory_space<vmem>> -> memref<1x8x2x128xf32, #tpu.memory_space<vmem>>
        %dma_wait3A_434 = tpu.memref_squeeze %dma_wait3A_433 : memref<1x8x2x128xf32, #tpu.memory_space<vmem>> -> memref<8x2x128xf32, #tpu.memory_space<vmem>>
        %dma_wait3A_435 = arith.constant 0 : i32
        %dma_wait3A_436 = arith.constant 0 : i32
        %dma_wait3A_437 = arith.constant 0 : i32
        %dma_wait3A_438 = tpu.memref_slice %arg4[%dma_wait3A_428, %dma_wait3A_435, %dma_wait3A_436, %dma_wait3A_437] : memref<600x128x2x128xf32, #tpu.memory_space<hbm>> -> memref<1x8x2x128xf32, #tpu.memory_space<hbm>>
        %dma_wait3A_439 = tpu.memref_squeeze %dma_wait3A_438 : memref<1x8x2x128xf32, #tpu.memory_space<hbm>> -> memref<8x2x128xf32, #tpu.memory_space<hbm>>
        %dma_wait3A_440 = arith.constant 0 : i32
        %dma_wait3A_441 = arith.constant 0 : i32
        %dma_wait3A_442 = arith.constant 0 : i32
        %dma_wait3A_443 = tpu.memref_slice %arg11[%dma_wait3A_429, %dma_wait3A_440, %dma_wait3A_441, %dma_wait3A_442] : memref<3x8x2x128xf32, #tpu.memory_space<vmem>> -> memref<1x8x2x128xf32, #tpu.memory_space<vmem>>
        %dma_wait3A_444 = tpu.memref_squeeze %dma_wait3A_443 : memref<1x8x2x128xf32, #tpu.memory_space<vmem>> -> memref<8x2x128xf32, #tpu.memory_space<vmem>>
        %dma_wait3A_445 = arith.constant 0 : i32
        %dma_wait3A_446 = arith.constant 0 : i32
        %dma_wait3A_447 = arith.constant 0 : i32
        %dma_wait3A_448 = tpu.memref_slice %arg4[%dma_wait3A_428, %dma_wait3A_445, %dma_wait3A_446, %dma_wait3A_447] : memref<600x128x2x128xf32, #tpu.memory_space<hbm>> -> memref<1x8x2x128xf32, #tpu.memory_space<hbm>>
        %dma_wait3A_449 = tpu.memref_squeeze %dma_wait3A_448 : memref<1x8x2x128xf32, #tpu.memory_space<hbm>> -> memref<8x2x128xf32, #tpu.memory_space<hbm>>
        tpu.wait_dma2 semaphore(%arg17 : memref<!tpu.dma_semaphore, #tpu.memory_space<semaphore_mem>>) src(%dma_wait3A_449 : memref<8x2x128xf32, #tpu.memory_space<hbm>>) dst(%dma_wait3A_444 : memref<8x2x128xf32, #tpu.memory_space<vmem>>)
        %dma_wait3A_450 = arith.constant 0 : i32
        %dma_wait3A_451 = arith.constant 2 : i32
        %dma_wait3A_452 = arith.constant 0 : i32
        %dma_wait3A_453 = arith.constant 0 : i32
        %dma_wait3A_454 = arith.constant 0 : i32
        %dma_wait3A_455 = tpu.memref_slice %arg11[%dma_wait3A_451, %dma_wait3A_452, %dma_wait3A_453, %dma_wait3A_454] : memref<3x8x2x128xf32, #tpu.memory_space<vmem>> -> memref<1x8x2x128xf32, #tpu.memory_space<vmem>>
        %dma_wait3A_456 = tpu.memref_squeeze %dma_wait3A_455 : memref<1x8x2x128xf32, #tpu.memory_space<vmem>> -> memref<8x2x128xf32, #tpu.memory_space<vmem>>
        %dma_wait3A_457 = arith.constant 0 : i32
        %dma_wait3A_458 = arith.constant 0 : i32
        %dma_wait3A_459 = arith.constant 0 : i32
        %dma_wait3A_460 = tpu.memref_slice %arg4[%dma_wait3A_450, %dma_wait3A_457, %dma_wait3A_458, %dma_wait3A_459] : memref<600x128x2x128xf32, #tpu.memory_space<hbm>> -> memref<1x8x2x128xf32, #tpu.memory_space<hbm>>
        %dma_wait3A_461 = tpu.memref_squeeze %dma_wait3A_460 : memref<1x8x2x128xf32, #tpu.memory_space<hbm>> -> memref<8x2x128xf32, #tpu.memory_space<hbm>>
        %dma_wait3A_462 = arith.constant 0 : i32
        %dma_wait3A_463 = arith.constant 0 : i32
        %dma_wait3A_464 = arith.constant 0 : i32
        %dma_wait3A_465 = tpu.memref_slice %arg11[%dma_wait3A_451, %dma_wait3A_462, %dma_wait3A_463, %dma_wait3A_464] : memref<3x8x2x128xf32, #tpu.memory_space<vmem>> -> memref<1x8x2x128xf32, #tpu.memory_space<vmem>>
        %dma_wait3A_466 = tpu.memref_squeeze %dma_wait3A_465 : memref<1x8x2x128xf32, #tpu.memory_space<vmem>> -> memref<8x2x128xf32, #tpu.memory_space<vmem>>
        %dma_wait3A_467 = arith.constant 0 : i32
        %dma_wait3A_468 = arith.constant 0 : i32
        %dma_wait3A_469 = arith.constant 0 : i32
        %dma_wait3A_470 = tpu.memref_slice %arg4[%dma_wait3A_450, %dma_wait3A_467, %dma_wait3A_468, %dma_wait3A_469] : memref<600x128x2x128xf32, #tpu.memory_space<hbm>> -> memref<1x8x2x128xf32, #tpu.memory_space<hbm>>
        %dma_wait3A_471 = tpu.memref_squeeze %dma_wait3A_470 : memref<1x8x2x128xf32, #tpu.memory_space<hbm>> -> memref<8x2x128xf32, #tpu.memory_space<hbm>>
        tpu.wait_dma2 semaphore(%arg17 : memref<!tpu.dma_semaphore, #tpu.memory_space<semaphore_mem>>) src(%dma_wait3A_471 : memref<8x2x128xf32, #tpu.memory_space<hbm>>) dst(%dma_wait3A_466 : memref<8x2x128xf32, #tpu.memory_space<vmem>>)
      } else {
      }
      %scan3A_318 = arith.constant 0 : i32
      %scan3A_319 = arith.constant 0 : i32
      %scan3A_320 = arith.constant 64 : i32
      %scan3A_321 = arith.addi %scan3A_319, %scan3A_320 : i32
      %scan3A_322 = arith.constant 8 : i32
      scf.for %scan3A_406 = %scan3A_319 to %scan3A_321 step %scan3A_322  : i32 {
        %mul3A_407 = arith.constant 16 : i32
        %mul3A_408 = arith.muli %scan3A_406, %mul3A_407 : i32
        %iota3A = tpu.iota {dimensions = array<i32: 0>} : vector<16xi32>
        %add3A_409 = vector.broadcast %mul3A_408 : i32 to vector<16xi32>
        %add3A_410 = arith.addi %add3A_409, %iota3A : vector<16xi32>
        %shift_right_arithmetic3A_411 = arith.constant 3 : i32
        %shift_right_arithmetic3A_412 = arith.shrsi %scan3A_406, %shift_right_arithmetic3A_411 : i32
        %and3A_413 = arith.constant 7 : i32
        %and3A_414 = arith.andi %scan3A_406, %and3A_413 : i32
        %mul3A_415 = arith.constant 16 : i32
        %mul3A_416 = arith.muli %and3A_414, %mul3A_415 : i32
        %broadcast_in_dim3A = arith.constant 0 : i32
        %broadcast_in_dim3A_417 = vector.broadcast %broadcast_in_dim3A : i32 to vector<16xi32>
        %gather3A = tpu.vector_load_idx %arg9[%add3A_410, %broadcast_in_dim3A_417] : memref<1024x8xi32, #tpu.memory_space<vmem>>[vector<16xi32>, vector<16xi32>], vector<16xi32>,
        %bitcast3A = vector.bitcast %gather3A : vector<16xi32> to vector<32xbf16>
        %unpack3A = tpu.unpack_subelements %bitcast3A, 0 {pack_format = #tpu.pack_format<interleaved>} : vector<32xbf16> -> vector<16xf32>
        %unpack3A_418 = tpu.unpack_subelements %bitcast3A, 1 {pack_format = #tpu.pack_format<interleaved>} : vector<32xbf16> -> vector<16xf32>
        %swap3A = arith.constant 0 : i32
        %swap3A_419 = arith.constant 0 : i32
        %swap3A_420 = arith.index_cast %swap3A : i32 to index
        %swap3A_421 = arith.index_cast %shift_right_arithmetic3A_412 : i32 to index
        %swap3A_422 = arith.index_cast %swap3A_419 : i32 to index
        %swap3A_423 = arith.index_cast %mul3A_416 : i32 to index
        %swap3A_424 = tpu.vector_load %arg11[%swap3A_420, %swap3A_421, %swap3A_422, %swap3A_423] {strides = array<i32>} : memref<3x8x2x128xf32, #tpu.memory_space<vmem>>, vector<16xf32>,
        tpu.vector_store %arg11[%swap3A_420, %swap3A_421, %swap3A_422, %swap3A_423], %unpack3A {strides = array<i32>} : memref<3x8x2x128xf32, #tpu.memory_space<vmem>>, vector<16xf32>,
        %swap3A_425 = arith.constant 0 : i32
        %swap3A_426 = arith.constant 1 : i32
        %swap3A_427 = arith.index_cast %swap3A_425 : i32 to index
        %swap3A_428 = arith.index_cast %shift_right_arithmetic3A_412 : i32 to index
        %swap3A_429 = arith.index_cast %swap3A_426 : i32 to index
        %swap3A_430 = arith.index_cast %mul3A_416 : i32 to index
        %swap3A_431 = tpu.vector_load %arg11[%swap3A_427, %swap3A_428, %swap3A_429, %swap3A_430] {strides = array<i32>} : memref<3x8x2x128xf32, #tpu.memory_space<vmem>>, vector<16xf32>,
        tpu.vector_store %arg11[%swap3A_427, %swap3A_428, %swap3A_429, %swap3A_430], %unpack3A_418 {strides = array<i32>} : memref<3x8x2x128xf32, #tpu.memory_space<vmem>>, vector<16xf32>,
        %broadcast_in_dim3A_432 = arith.constant 1 : i32
        %broadcast_in_dim3A_433 = vector.broadcast %broadcast_in_dim3A_432 : i32 to vector<16xi32>
        %gather3A_434 = tpu.vector_load_idx %arg9[%add3A_410, %broadcast_in_dim3A_433] : memref<1024x8xi32, #tpu.memory_space<vmem>>[vector<16xi32>, vector<16xi32>], vector<16xi32>,
        %bitcast3A_435 = vector.bitcast %gather3A_434 : vector<16xi32> to vector<32xbf16>
        %unpack3A_436 = tpu.unpack_subelements %bitcast3A_435, 0 {pack_format = #tpu.pack_format<interleaved>} : vector<32xbf16> -> vector<16xf32>
        %unpack3A_437 = tpu.unpack_subelements %bitcast3A_435, 1 {pack_format = #tpu.pack_format<interleaved>} : vector<32xbf16> -> vector<16xf32>
        %swap3A_438 = arith.constant 1 : i32
        %swap3A_439 = arith.constant 0 : i32
        %swap3A_440 = arith.index_cast %swap3A_438 : i32 to index
        %swap3A_441 = arith.index_cast %shift_right_arithmetic3A_412 : i32 to index
        %swap3A_442 = arith.index_cast %swap3A_439 : i32 to index
        %swap3A_443 = arith.index_cast %mul3A_416 : i32 to index
        %swap3A_444 = tpu.vector_load %arg11[%swap3A_440, %swap3A_441, %swap3A_442, %swap3A_443] {strides = array<i32>} : memref<3x8x2x128xf32, #tpu.memory_space<vmem>>, vector<16xf32>,
        tpu.vector_store %arg11[%swap3A_440, %swap3A_441, %swap3A_442, %swap3A_443], %unpack3A_436 {strides = array<i32>} : memref<3x8x2x128xf32, #tpu.memory_space<vmem>>, vector<16xf32>,
        %swap3A_445 = arith.constant 1 : i32
        %swap3A_446 = arith.constant 1 : i32
        %swap3A_447 = arith.index_cast %swap3A_445 : i32 to index
        %swap3A_448 = arith.index_cast %shift_right_arithmetic3A_412 : i32 to index
        %swap3A_449 = arith.index_cast %swap3A_446 : i32 to index
        %swap3A_450 = arith.index_cast %mul3A_416 : i32 to index
        %swap3A_451 = tpu.vector_load %arg11[%swap3A_447, %swap3A_448, %swap3A_449, %swap3A_450] {strides = array<i32>} : memref<3x8x2x128xf32, #tpu.memory_space<vmem>>, vector<16xf32>,
        tpu.vector_store %arg11[%swap3A_447, %swap3A_448, %swap3A_449, %swap3A_450], %unpack3A_437 {strides = array<i32>} : memref<3x8x2x128xf32, #tpu.memory_space<vmem>>, vector<16xf32>,
        %broadcast_in_dim3A_452 = arith.constant 2 : i32
        %broadcast_in_dim3A_453 = vector.broadcast %broadcast_in_dim3A_452 : i32 to vector<16xi32>
        %gather3A_454 = tpu.vector_load_idx %arg9[%add3A_410, %broadcast_in_dim3A_453] : memref<1024x8xi32, #tpu.memory_space<vmem>>[vector<16xi32>, vector<16xi32>], vector<16xi32>,
        %bitcast3A_455 = vector.bitcast %gather3A_454 : vector<16xi32> to vector<32xbf16>
        %unpack3A_456 = tpu.unpack_subelements %bitcast3A_455, 0 {pack_format = #tpu.pack_format<interleaved>} : vector<32xbf16> -> vector<16xf32>
        %unpack3A_457 = tpu.unpack_subelements %bitcast3A_455, 1 {pack_format = #tpu.pack_format<interleaved>} : vector<32xbf16> -> vector<16xf32>
        %swap3A_458 = arith.constant 2 : i32
        %swap3A_459 = arith.constant 0 : i32
        %swap3A_460 = arith.index_cast %swap3A_458 : i32 to index
        %swap3A_461 = arith.index_cast %shift_right_arithmetic3A_412 : i32 to index
        %swap3A_462 = arith.index_cast %swap3A_459 : i32 to index
        %swap3A_463 = arith.index_cast %mul3A_416 : i32 to index
        %swap3A_464 = tpu.vector_load %arg11[%swap3A_460, %swap3A_461, %swap3A_462, %swap3A_463] {strides = array<i32>} : memref<3x8x2x128xf32, #tpu.memory_space<vmem>>, vector<16xf32>,
        tpu.vector_store %arg11[%swap3A_460, %swap3A_461, %swap3A_462, %swap3A_463], %unpack3A_456 {strides = array<i32>} : memref<3x8x2x128xf32, #tpu.memory_space<vmem>>, vector<16xf32>,
        %swap3A_465 = arith.constant 2 : i32
        %swap3A_466 = arith.constant 1 : i32
        %swap3A_467 = arith.index_cast %swap3A_465 : i32 to index
        %swap3A_468 = arith.index_cast %shift_right_arithmetic3A_412 : i32 to index
        %swap3A_469 = arith.index_cast %swap3A_466 : i32 to index
        %swap3A_470 = arith.index_cast %mul3A_416 : i32 to index
        %swap3A_471 = tpu.vector_load %arg11[%swap3A_467, %swap3A_468, %swap3A_469, %swap3A_470] {strides = array<i32>} : memref<3x8x2x128xf32, #tpu.memory_space<vmem>>, vector<16xf32>,
        tpu.vector_store %arg11[%swap3A_467, %swap3A_468, %swap3A_469, %swap3A_470], %unpack3A_457 {strides = array<i32>} : memref<3x8x2x128xf32, #tpu.memory_space<vmem>>, vector<16xf32>,
        %scan3A_472 = arith.constant 1 : i32
        %scan3A_473 = arith.addi %scan3A_406, %scan3A_472 : i32
        %mul3A_474 = arith.constant 16 : i32
        %mul3A_475 = arith.muli %scan3A_473, %mul3A_474 : i32
        %iota3A_476 = tpu.iota {dimensions = array<i32: 0>} : vector<16xi32>
        %add3A_477 = vector.broadcast %mul3A_475 : i32 to vector<16xi32>
        %add3A_478 = arith.addi %add3A_477, %iota3A_476 : vector<16xi32>
        %shift_right_arithmetic3A_479 = arith.constant 3 : i32
        %shift_right_arithmetic3A_480 = arith.shrsi %scan3A_473, %shift_right_arithmetic3A_479 : i32
        %and3A_481 = arith.constant 7 : i32
        %and3A_482 = arith.andi %scan3A_473, %and3A_481 : i32
        %mul3A_483 = arith.constant 16 : i32
        %mul3A_484 = arith.muli %and3A_482, %mul3A_483 : i32
        %broadcast_in_dim3A_485 = arith.constant 0 : i32
        %broadcast_in_dim3A_486 = vector.broadcast %broadcast_in_dim3A_485 : i32 to vector<16xi32>
        %gather3A_487 = tpu.vector_load_idx %arg9[%add3A_478, %broadcast_in_dim3A_486] : memref<1024x8xi32, #tpu.memory_space<vmem>>[vector<16xi32>, vector<16xi32>], vector<16xi32>,
        %bitcast3A_488 = vector.bitcast %gather3A_487 : vector<16xi32> to vector<32xbf16>
        %unpack3A_489 = tpu.unpack_subelements %bitcast3A_488, 0 {pack_format = #tpu.pack_format<interleaved>} : vector<32xbf16> -> vector<16xf32>
        %unpack3A_490 = tpu.unpack_subelements %bitcast3A_488, 1 {pack_format = #tpu.pack_format<interleaved>} : vector<32xbf16> -> vector<16xf32>
        %swap3A_491 = arith.constant 0 : i32
        %swap3A_492 = arith.constant 0 : i32
        %swap3A_493 = arith.index_cast %swap3A_491 : i32 to index
        %swap3A_494 = arith.index_cast %shift_right_arithmetic3A_480 : i32 to index
        %swap3A_495 = arith.index_cast %swap3A_492 : i32 to index
        %swap3A_496 = arith.index_cast %mul3A_484 : i32 to index
        %swap3A_497 = tpu.vector_load %arg11[%swap3A_493, %swap3A_494, %swap3A_495, %swap3A_496] {strides = array<i32>} : memref<3x8x2x128xf32, #tpu.memory_space<vmem>>, vector<16xf32>,
        tpu.vector_store %arg11[%swap3A_493, %swap3A_494, %swap3A_495, %swap3A_496], %unpack3A_489 {strides = array<i32>} : memref<3x8x2x128xf32, #tpu.memory_space<vmem>>, vector<16xf32>,
        %swap3A_498 = arith.constant 0 : i32
        %swap3A_499 = arith.constant 1 : i32
        %swap3A_500 = arith.index_cast %swap3A_498 : i32 to index
        %swap3A_501 = arith.index_cast %shift_right_arithmetic3A_480 : i32 to index
        %swap3A_502 = arith.index_cast %swap3A_499 : i32 to index
        %swap3A_503 = arith.index_cast %mul3A_484 : i32 to index
        %swap3A_504 = tpu.vector_load %arg11[%swap3A_500, %swap3A_501, %swap3A_502, %swap3A_503] {strides = array<i32>} : memref<3x8x2x128xf32, #tpu.memory_space<vmem>>, vector<16xf32>,
        tpu.vector_store %arg11[%swap3A_500, %swap3A_501, %swap3A_502, %swap3A_503], %unpack3A_490 {strides = array<i32>} : memref<3x8x2x128xf32, #tpu.memory_space<vmem>>, vector<16xf32>,
        %broadcast_in_dim3A_505 = arith.constant 1 : i32
        %broadcast_in_dim3A_506 = vector.broadcast %broadcast_in_dim3A_505 : i32 to vector<16xi32>
        %gather3A_507 = tpu.vector_load_idx %arg9[%add3A_478, %broadcast_in_dim3A_506] : memref<1024x8xi32, #tpu.memory_space<vmem>>[vector<16xi32>, vector<16xi32>], vector<16xi32>,
        %bitcast3A_508 = vector.bitcast %gather3A_507 : vector<16xi32> to vector<32xbf16>
        %unpack3A_509 = tpu.unpack_subelements %bitcast3A_508, 0 {pack_format = #tpu.pack_format<interleaved>} : vector<32xbf16> -> vector<16xf32>
        %unpack3A_510 = tpu.unpack_subelements %bitcast3A_508, 1 {pack_format = #tpu.pack_format<interleaved>} : vector<32xbf16> -> vector<16xf32>
        %swap3A_511 = arith.constant 1 : i32
        %swap3A_512 = arith.constant 0 : i32
        %swap3A_513 = arith.index_cast %swap3A_511 : i32 to index
        %swap3A_514 = arith.index_cast %shift_right_arithmetic3A_480 : i32 to index
        %swap3A_515 = arith.index_cast %swap3A_512 : i32 to index
        %swap3A_516 = arith.index_cast %mul3A_484 : i32 to index
        %swap3A_517 = tpu.vector_load %arg11[%swap3A_513, %swap3A_514, %swap3A_515, %swap3A_516] {strides = array<i32>} : memref<3x8x2x128xf32, #tpu.memory_space<vmem>>, vector<16xf32>,
        tpu.vector_store %arg11[%swap3A_513, %swap3A_514, %swap3A_515, %swap3A_516], %unpack3A_509 {strides = array<i32>} : memref<3x8x2x128xf32, #tpu.memory_space<vmem>>, vector<16xf32>,
        %swap3A_518 = arith.constant 1 : i32
        %swap3A_519 = arith.constant 1 : i32
        %swap3A_520 = arith.index_cast %swap3A_518 : i32 to index
        %swap3A_521 = arith.index_cast %shift_right_arithmetic3A_480 : i32 to index
        %swap3A_522 = arith.index_cast %swap3A_519 : i32 to index
        %swap3A_523 = arith.index_cast %mul3A_484 : i32 to index
        %swap3A_524 = tpu.vector_load %arg11[%swap3A_520, %swap3A_521, %swap3A_522, %swap3A_523] {strides = array<i32>} : memref<3x8x2x128xf32, #tpu.memory_space<vmem>>, vector<16xf32>,
        tpu.vector_store %arg11[%swap3A_520, %swap3A_521, %swap3A_522, %swap3A_523], %unpack3A_510 {strides = array<i32>} : memref<3x8x2x128xf32, #tpu.memory_space<vmem>>, vector<16xf32>,
        %broadcast_in_dim3A_525 = arith.constant 2 : i32
        %broadcast_in_dim3A_526 = vector.broadcast %broadcast_in_dim3A_525 : i32 to vector<16xi32>
        %gather3A_527 = tpu.vector_load_idx %arg9[%add3A_478, %broadcast_in_dim3A_526] : memref<1024x8xi32, #tpu.memory_space<vmem>>[vector<16xi32>, vector<16xi32>], vector<16xi32>,
        %bitcast3A_528 = vector.bitcast %gather3A_527 : vector<16xi32> to vector<32xbf16>
        %unpack3A_529 = tpu.unpack_subelements %bitcast3A_528, 0 {pack_format = #tpu.pack_format<interleaved>} : vector<32xbf16> -> vector<16xf32>
        %unpack3A_530 = tpu.unpack_subelements %bitcast3A_528, 1 {pack_format = #tpu.pack_format<interleaved>} : vector<32xbf16> -> vector<16xf32>
        %swap3A_531 = arith.constant 2 : i32
        %swap3A_532 = arith.constant 0 : i32
        %swap3A_533 = arith.index_cast %swap3A_531 : i32 to index
        %swap3A_534 = arith.index_cast %shift_right_arithmetic3A_480 : i32 to index
        %swap3A_535 = arith.index_cast %swap3A_532 : i32 to index
        %swap3A_536 = arith.index_cast %mul3A_484 : i32 to index
        %swap3A_537 = tpu.vector_load %arg11[%swap3A_533, %swap3A_534, %swap3A_535, %swap3A_536] {strides = array<i32>} : memref<3x8x2x128xf32, #tpu.memory_space<vmem>>, vector<16xf32>,
        tpu.vector_store %arg11[%swap3A_533, %swap3A_534, %swap3A_535, %swap3A_536], %unpack3A_529 {strides = array<i32>} : memref<3x8x2x128xf32, #tpu.memory_space<vmem>>, vector<16xf32>,
        %swap3A_538 = arith.constant 2 : i32
        %swap3A_539 = arith.constant 1 : i32
        %swap3A_540 = arith.index_cast %swap3A_538 : i32 to index
        %swap3A_541 = arith.index_cast %shift_right_arithmetic3A_480 : i32 to index
        %swap3A_542 = arith.index_cast %swap3A_539 : i32 to index
        %swap3A_543 = arith.index_cast %mul3A_484 : i32 to index
        %swap3A_544 = tpu.vector_load %arg11[%swap3A_540, %swap3A_541, %swap3A_542, %swap3A_543] {strides = array<i32>} : memref<3x8x2x128xf32, #tpu.memory_space<vmem>>, vector<16xf32>,
        tpu.vector_store %arg11[%swap3A_540, %swap3A_541, %swap3A_542, %swap3A_543], %unpack3A_530 {strides = array<i32>} : memref<3x8x2x128xf32, #tpu.memory_space<vmem>>, vector<16xf32>,
        %scan3A_545 = arith.constant 2 : i32
        %scan3A_546 = arith.addi %scan3A_406, %scan3A_545 : i32
        %mul3A_547 = arith.constant 16 : i32
        %mul3A_548 = arith.muli %scan3A_546, %mul3A_547 : i32
        %iota3A_549 = tpu.iota {dimensions = array<i32: 0>} : vector<16xi32>
        %add3A_550 = vector.broadcast %mul3A_548 : i32 to vector<16xi32>
        %add3A_551 = arith.addi %add3A_550, %iota3A_549 : vector<16xi32>
        %shift_right_arithmetic3A_552 = arith.constant 3 : i32
        %shift_right_arithmetic3A_553 = arith.shrsi %scan3A_546, %shift_right_arithmetic3A_552 : i32
        %and3A_554 = arith.constant 7 : i32
        %and3A_555 = arith.andi %scan3A_546, %and3A_554 : i32
        %mul3A_556 = arith.constant 16 : i32
        %mul3A_557 = arith.muli %and3A_555, %mul3A_556 : i32
        %broadcast_in_dim3A_558 = arith.constant 0 : i32
        %broadcast_in_dim3A_559 = vector.broadcast %broadcast_in_dim3A_558 : i32 to vector<16xi32>
        %gather3A_560 = tpu.vector_load_idx %arg9[%add3A_551, %broadcast_in_dim3A_559] : memref<1024x8xi32, #tpu.memory_space<vmem>>[vector<16xi32>, vector<16xi32>], vector<16xi32>,
        %bitcast3A_561 = vector.bitcast %gather3A_560 : vector<16xi32> to vector<32xbf16>
        %unpack3A_562 = tpu.unpack_subelements %bitcast3A_561, 0 {pack_format = #tpu.pack_format<interleaved>} : vector<32xbf16> -> vector<16xf32>
        %unpack3A_563 = tpu.unpack_subelements %bitcast3A_561, 1 {pack_format = #tpu.pack_format<interleaved>} : vector<32xbf16> -> vector<16xf32>
        %swap3A_564 = arith.constant 0 : i32
        %swap3A_565 = arith.constant 0 : i32
        %swap3A_566 = arith.index_cast %swap3A_564 : i32 to index
        %swap3A_567 = arith.index_cast %shift_right_arithmetic3A_553 : i32 to index
        %swap3A_568 = arith.index_cast %swap3A_565 : i32 to index
        %swap3A_569 = arith.index_cast %mul3A_557 : i32 to index
        %swap3A_570 = tpu.vector_load %arg11[%swap3A_566, %swap3A_567, %swap3A_568, %swap3A_569] {strides = array<i32>} : memref<3x8x2x128xf32, #tpu.memory_space<vmem>>, vector<16xf32>,
        tpu.vector_store %arg11[%swap3A_566, %swap3A_567, %swap3A_568, %swap3A_569], %unpack3A_562 {strides = array<i32>} : memref<3x8x2x128xf32, #tpu.memory_space<vmem>>, vector<16xf32>,
        %swap3A_571 = arith.constant 0 : i32
        %swap3A_572 = arith.constant 1 : i32
        %swap3A_573 = arith.index_cast %swap3A_571 : i32 to index
        %swap3A_574 = arith.index_cast %shift_right_arithmetic3A_553 : i32 to index
        %swap3A_575 = arith.index_cast %swap3A_572 : i32 to index
        %swap3A_576 = arith.index_cast %mul3A_557 : i32 to index
        %swap3A_577 = tpu.vector_load %arg11[%swap3A_573, %swap3A_574, %swap3A_575, %swap3A_576] {strides = array<i32>} : memref<3x8x2x128xf32, #tpu.memory_space<vmem>>, vector<16xf32>,
        tpu.vector_store %arg11[%swap3A_573, %swap3A_574, %swap3A_575, %swap3A_576], %unpack3A_563 {strides = array<i32>} : memref<3x8x2x128xf32, #tpu.memory_space<vmem>>, vector<16xf32>,
        %broadcast_in_dim3A_578 = arith.constant 1 : i32
        %broadcast_in_dim3A_579 = vector.broadcast %broadcast_in_dim3A_578 : i32 to vector<16xi32>
        %gather3A_580 = tpu.vector_load_idx %arg9[%add3A_551, %broadcast_in_dim3A_579] : memref<1024x8xi32, #tpu.memory_space<vmem>>[vector<16xi32>, vector<16xi32>], vector<16xi32>,
        %bitcast3A_581 = vector.bitcast %gather3A_580 : vector<16xi32> to vector<32xbf16>
        %unpack3A_582 = tpu.unpack_subelements %bitcast3A_581, 0 {pack_format = #tpu.pack_format<interleaved>} : vector<32xbf16> -> vector<16xf32>
        %unpack3A_583 = tpu.unpack_subelements %bitcast3A_581, 1 {pack_format = #tpu.pack_format<interleaved>} : vector<32xbf16> -> vector<16xf32>
        %swap3A_584 = arith.constant 1 : i32
        %swap3A_585 = arith.constant 0 : i32
        %swap3A_586 = arith.index_cast %swap3A_584 : i32 to index
        %swap3A_587 = arith.index_cast %shift_right_arithmetic3A_553 : i32 to index
        %swap3A_588 = arith.index_cast %swap3A_585 : i32 to index
        %swap3A_589 = arith.index_cast %mul3A_557 : i32 to index
        %swap3A_590 = tpu.vector_load %arg11[%swap3A_586, %swap3A_587, %swap3A_588, %swap3A_589] {strides = array<i32>} : memref<3x8x2x128xf32, #tpu.memory_space<vmem>>, vector<16xf32>,
        tpu.vector_store %arg11[%swap3A_586, %swap3A_587, %swap3A_588, %swap3A_589], %unpack3A_582 {strides = array<i32>} : memref<3x8x2x128xf32, #tpu.memory_space<vmem>>, vector<16xf32>,
        %swap3A_591 = arith.constant 1 : i32
        %swap3A_592 = arith.constant 1 : i32
        %swap3A_593 = arith.index_cast %swap3A_591 : i32 to index
        %swap3A_594 = arith.index_cast %shift_right_arithmetic3A_553 : i32 to index
        %swap3A_595 = arith.index_cast %swap3A_592 : i32 to index
        %swap3A_596 = arith.index_cast %mul3A_557 : i32 to index
        %swap3A_597 = tpu.vector_load %arg11[%swap3A_593, %swap3A_594, %swap3A_595, %swap3A_596] {strides = array<i32>} : memref<3x8x2x128xf32, #tpu.memory_space<vmem>>, vector<16xf32>,
        tpu.vector_store %arg11[%swap3A_593, %swap3A_594, %swap3A_595, %swap3A_596], %unpack3A_583 {strides = array<i32>} : memref<3x8x2x128xf32, #tpu.memory_space<vmem>>, vector<16xf32>,
        %broadcast_in_dim3A_598 = arith.constant 2 : i32
        %broadcast_in_dim3A_599 = vector.broadcast %broadcast_in_dim3A_598 : i32 to vector<16xi32>
        %gather3A_600 = tpu.vector_load_idx %arg9[%add3A_551, %broadcast_in_dim3A_599] : memref<1024x8xi32, #tpu.memory_space<vmem>>[vector<16xi32>, vector<16xi32>], vector<16xi32>,
        %bitcast3A_601 = vector.bitcast %gather3A_600 : vector<16xi32> to vector<32xbf16>
        %unpack3A_602 = tpu.unpack_subelements %bitcast3A_601, 0 {pack_format = #tpu.pack_format<interleaved>} : vector<32xbf16> -> vector<16xf32>
        %unpack3A_603 = tpu.unpack_subelements %bitcast3A_601, 1 {pack_format = #tpu.pack_format<interleaved>} : vector<32xbf16> -> vector<16xf32>
        %swap3A_604 = arith.constant 2 : i32
        %swap3A_605 = arith.constant 0 : i32
        %swap3A_606 = arith.index_cast %swap3A_604 : i32 to index
        %swap3A_607 = arith.index_cast %shift_right_arithmetic3A_553 : i32 to index
        %swap3A_608 = arith.index_cast %swap3A_605 : i32 to index
        %swap3A_609 = arith.index_cast %mul3A_557 : i32 to index
        %swap3A_610 = tpu.vector_load %arg11[%swap3A_606, %swap3A_607, %swap3A_608, %swap3A_609] {strides = array<i32>} : memref<3x8x2x128xf32, #tpu.memory_space<vmem>>, vector<16xf32>,
        tpu.vector_store %arg11[%swap3A_606, %swap3A_607, %swap3A_608, %swap3A_609], %unpack3A_602 {strides = array<i32>} : memref<3x8x2x128xf32, #tpu.memory_space<vmem>>, vector<16xf32>,
        %swap3A_611 = arith.constant 2 : i32
        %swap3A_612 = arith.constant 1 : i32
        %swap3A_613 = arith.index_cast %swap3A_611 : i32 to index
        %swap3A_614 = arith.index_cast %shift_right_arithmetic3A_553 : i32 to index
        %swap3A_615 = arith.index_cast %swap3A_612 : i32 to index
        %swap3A_616 = arith.index_cast %mul3A_557 : i32 to index
        %swap3A_617 = tpu.vector_load %arg11[%swap3A_613, %swap3A_614, %swap3A_615, %swap3A_616] {strides = array<i32>} : memref<3x8x2x128xf32, #tpu.memory_space<vmem>>, vector<16xf32>,
        tpu.vector_store %arg11[%swap3A_613, %swap3A_614, %swap3A_615, %swap3A_616], %unpack3A_603 {strides = array<i32>} : memref<3x8x2x128xf32, #tpu.memory_space<vmem>>, vector<16xf32>,
        %scan3A_618 = arith.constant 3 : i32
        %scan3A_619 = arith.addi %scan3A_406, %scan3A_618 : i32
        %mul3A_620 = arith.constant 16 : i32
        %mul3A_621 = arith.muli %scan3A_619, %mul3A_620 : i32
        %iota3A_622 = tpu.iota {dimensions = array<i32: 0>} : vector<16xi32>
        %add3A_623 = vector.broadcast %mul3A_621 : i32 to vector<16xi32>
        %add3A_624 = arith.addi %add3A_623, %iota3A_622 : vector<16xi32>
        %shift_right_arithmetic3A_625 = arith.constant 3 : i32
        %shift_right_arithmetic3A_626 = arith.shrsi %scan3A_619, %shift_right_arithmetic3A_625 : i32
        %and3A_627 = arith.constant 7 : i32
        %and3A_628 = arith.andi %scan3A_619, %and3A_627 : i32
        %mul3A_629 = arith.constant 16 : i32
        %mul3A_630 = arith.muli %and3A_628, %mul3A_629 : i32
        %broadcast_in_dim3A_631 = arith.constant 0 : i32
        %broadcast_in_dim3A_632 = vector.broadcast %broadcast_in_dim3A_631 : i32 to vector<16xi32>
        %gather3A_633 = tpu.vector_load_idx %arg9[%add3A_624, %broadcast_in_dim3A_632] : memref<1024x8xi32, #tpu.memory_space<vmem>>[vector<16xi32>, vector<16xi32>], vector<16xi32>,
        %bitcast3A_634 = vector.bitcast %gather3A_633 : vector<16xi32> to vector<32xbf16>
        %unpack3A_635 = tpu.unpack_subelements %bitcast3A_634, 0 {pack_format = #tpu.pack_format<interleaved>} : vector<32xbf16> -> vector<16xf32>
        %unpack3A_636 = tpu.unpack_subelements %bitcast3A_634, 1 {pack_format = #tpu.pack_format<interleaved>} : vector<32xbf16> -> vector<16xf32>
        %swap3A_637 = arith.constant 0 : i32
        %swap3A_638 = arith.constant 0 : i32
        %swap3A_639 = arith.index_cast %swap3A_637 : i32 to index
        %swap3A_640 = arith.index_cast %shift_right_arithmetic3A_626 : i32 to index
        %swap3A_641 = arith.index_cast %swap3A_638 : i32 to index
        %swap3A_642 = arith.index_cast %mul3A_630 : i32 to index
        %swap3A_643 = tpu.vector_load %arg11[%swap3A_639, %swap3A_640, %swap3A_641, %swap3A_642] {strides = array<i32>} : memref<3x8x2x128xf32, #tpu.memory_space<vmem>>, vector<16xf32>,
        tpu.vector_store %arg11[%swap3A_639, %swap3A_640, %swap3A_641, %swap3A_642], %unpack3A_635 {strides = array<i32>} : memref<3x8x2x128xf32, #tpu.memory_space<vmem>>, vector<16xf32>,
        %swap3A_644 = arith.constant 0 : i32
        %swap3A_645 = arith.constant 1 : i32
        %swap3A_646 = arith.index_cast %swap3A_644 : i32 to index
        %swap3A_647 = arith.index_cast %shift_right_arithmetic3A_626 : i32 to index
        %swap3A_648 = arith.index_cast %swap3A_645 : i32 to index
        %swap3A_649 = arith.index_cast %mul3A_630 : i32 to index
        %swap3A_650 = tpu.vector_load %arg11[%swap3A_646, %swap3A_647, %swap3A_648, %swap3A_649] {strides = array<i32>} : memref<3x8x2x128xf32, #tpu.memory_space<vmem>>, vector<16xf32>,
        tpu.vector_store %arg11[%swap3A_646, %swap3A_647, %swap3A_648, %swap3A_649], %unpack3A_636 {strides = array<i32>} : memref<3x8x2x128xf32, #tpu.memory_space<vmem>>, vector<16xf32>,
        %broadcast_in_dim3A_651 = arith.constant 1 : i32
        %broadcast_in_dim3A_652 = vector.broadcast %broadcast_in_dim3A_651 : i32 to vector<16xi32>
        %gather3A_653 = tpu.vector_load_idx %arg9[%add3A_624, %broadcast_in_dim3A_652] : memref<1024x8xi32, #tpu.memory_space<vmem>>[vector<16xi32>, vector<16xi32>], vector<16xi32>,
        %bitcast3A_654 = vector.bitcast %gather3A_653 : vector<16xi32> to vector<32xbf16>
        %unpack3A_655 = tpu.unpack_subelements %bitcast3A_654, 0 {pack_format = #tpu.pack_format<interleaved>} : vector<32xbf16> -> vector<16xf32>
        %unpack3A_656 = tpu.unpack_subelements %bitcast3A_654, 1 {pack_format = #tpu.pack_format<interleaved>} : vector<32xbf16> -> vector<16xf32>
        %swap3A_657 = arith.constant 1 : i32
        %swap3A_658 = arith.constant 0 : i32
        %swap3A_659 = arith.index_cast %swap3A_657 : i32 to index
        %swap3A_660 = arith.index_cast %shift_right_arithmetic3A_626 : i32 to index
        %swap3A_661 = arith.index_cast %swap3A_658 : i32 to index
        %swap3A_662 = arith.index_cast %mul3A_630 : i32 to index
        %swap3A_663 = tpu.vector_load %arg11[%swap3A_659, %swap3A_660, %swap3A_661, %swap3A_662] {strides = array<i32>} : memref<3x8x2x128xf32, #tpu.memory_space<vmem>>, vector<16xf32>,
        tpu.vector_store %arg11[%swap3A_659, %swap3A_660, %swap3A_661, %swap3A_662], %unpack3A_655 {strides = array<i32>} : memref<3x8x2x128xf32, #tpu.memory_space<vmem>>, vector<16xf32>,
        %swap3A_664 = arith.constant 1 : i32
        %swap3A_665 = arith.constant 1 : i32
        %swap3A_666 = arith.index_cast %swap3A_664 : i32 to index
        %swap3A_667 = arith.index_cast %shift_right_arithmetic3A_626 : i32 to index
        %swap3A_668 = arith.index_cast %swap3A_665 : i32 to index
        %swap3A_669 = arith.index_cast %mul3A_630 : i32 to index
        %swap3A_670 = tpu.vector_load %arg11[%swap3A_666, %swap3A_667, %swap3A_668, %swap3A_669] {strides = array<i32>} : memref<3x8x2x128xf32, #tpu.memory_space<vmem>>, vector<16xf32>,
        tpu.vector_store %arg11[%swap3A_666, %swap3A_667, %swap3A_668, %swap3A_669], %unpack3A_656 {strides = array<i32>} : memref<3x8x2x128xf32, #tpu.memory_space<vmem>>, vector<16xf32>,
        %broadcast_in_dim3A_671 = arith.constant 2 : i32
        %broadcast_in_dim3A_672 = vector.broadcast %broadcast_in_dim3A_671 : i32 to vector<16xi32>
        %gather3A_673 = tpu.vector_load_idx %arg9[%add3A_624, %broadcast_in_dim3A_672] : memref<1024x8xi32, #tpu.memory_space<vmem>>[vector<16xi32>, vector<16xi32>], vector<16xi32>,
        %bitcast3A_674 = vector.bitcast %gather3A_673 : vector<16xi32> to vector<32xbf16>
        %unpack3A_675 = tpu.unpack_subelements %bitcast3A_674, 0 {pack_format = #tpu.pack_format<interleaved>} : vector<32xbf16> -> vector<16xf32>
        %unpack3A_676 = tpu.unpack_subelements %bitcast3A_674, 1 {pack_format = #tpu.pack_format<interleaved>} : vector<32xbf16> -> vector<16xf32>
        %swap3A_677 = arith.constant 2 : i32
        %swap3A_678 = arith.constant 0 : i32
        %swap3A_679 = arith.index_cast %swap3A_677 : i32 to index
        %swap3A_680 = arith.index_cast %shift_right_arithmetic3A_626 : i32 to index
        %swap3A_681 = arith.index_cast %swap3A_678 : i32 to index
        %swap3A_682 = arith.index_cast %mul3A_630 : i32 to index
        %swap3A_683 = tpu.vector_load %arg11[%swap3A_679, %swap3A_680, %swap3A_681, %swap3A_682] {strides = array<i32>} : memref<3x8x2x128xf32, #tpu.memory_space<vmem>>, vector<16xf32>,
        tpu.vector_store %arg11[%swap3A_679, %swap3A_680, %swap3A_681, %swap3A_682], %unpack3A_675 {strides = array<i32>} : memref<3x8x2x128xf32, #tpu.memory_space<vmem>>, vector<16xf32>,
        %swap3A_684 = arith.constant 2 : i32
        %swap3A_685 = arith.constant 1 : i32
        %swap3A_686 = arith.index_cast %swap3A_684 : i32 to index
        %swap3A_687 = arith.index_cast %shift_right_arithmetic3A_626 : i32 to index
        %swap3A_688 = arith.index_cast %swap3A_685 : i32 to index
        %swap3A_689 = arith.index_cast %mul3A_630 : i32 to index
        %swap3A_690 = tpu.vector_load %arg11[%swap3A_686, %swap3A_687, %swap3A_688, %swap3A_689] {strides = array<i32>} : memref<3x8x2x128xf32, #tpu.memory_space<vmem>>, vector<16xf32>,
        tpu.vector_store %arg11[%swap3A_686, %swap3A_687, %swap3A_688, %swap3A_689], %unpack3A_676 {strides = array<i32>} : memref<3x8x2x128xf32, #tpu.memory_space<vmem>>, vector<16xf32>,
        %scan3A_691 = arith.constant 4 : i32
        %scan3A_692 = arith.addi %scan3A_406, %scan3A_691 : i32
        %mul3A_693 = arith.constant 16 : i32
        %mul3A_694 = arith.muli %scan3A_692, %mul3A_693 : i32
        %iota3A_695 = tpu.iota {dimensions = array<i32: 0>} : vector<16xi32>
        %add3A_696 = vector.broadcast %mul3A_694 : i32 to vector<16xi32>
        %add3A_697 = arith.addi %add3A_696, %iota3A_695 : vector<16xi32>
        %shift_right_arithmetic3A_698 = arith.constant 3 : i32
        %shift_right_arithmetic3A_699 = arith.shrsi %scan3A_692, %shift_right_arithmetic3A_698 : i32
        %and3A_700 = arith.constant 7 : i32
        %and3A_701 = arith.andi %scan3A_692, %and3A_700 : i32
        %mul3A_702 = arith.constant 16 : i32
        %mul3A_703 = arith.muli %and3A_701, %mul3A_702 : i32
        %broadcast_in_dim3A_704 = arith.constant 0 : i32
        %broadcast_in_dim3A_705 = vector.broadcast %broadcast_in_dim3A_704 : i32 to vector<16xi32>
        %gather3A_706 = tpu.vector_load_idx %arg9[%add3A_697, %broadcast_in_dim3A_705] : memref<1024x8xi32, #tpu.memory_space<vmem>>[vector<16xi32>, vector<16xi32>], vector<16xi32>,
        %bitcast3A_707 = vector.bitcast %gather3A_706 : vector<16xi32> to vector<32xbf16>
        %unpack3A_708 = tpu.unpack_subelements %bitcast3A_707, 0 {pack_format = #tpu.pack_format<interleaved>} : vector<32xbf16> -> vector<16xf32>
        %unpack3A_709 = tpu.unpack_subelements %bitcast3A_707, 1 {pack_format = #tpu.pack_format<interleaved>} : vector<32xbf16> -> vector<16xf32>
        %swap3A_710 = arith.constant 0 : i32
        %swap3A_711 = arith.constant 0 : i32
        %swap3A_712 = arith.index_cast %swap3A_710 : i32 to index
        %swap3A_713 = arith.index_cast %shift_right_arithmetic3A_699 : i32 to index
        %swap3A_714 = arith.index_cast %swap3A_711 : i32 to index
        %swap3A_715 = arith.index_cast %mul3A_703 : i32 to index
        %swap3A_716 = tpu.vector_load %arg11[%swap3A_712, %swap3A_713, %swap3A_714, %swap3A_715] {strides = array<i32>} : memref<3x8x2x128xf32, #tpu.memory_space<vmem>>, vector<16xf32>,
        tpu.vector_store %arg11[%swap3A_712, %swap3A_713, %swap3A_714, %swap3A_715], %unpack3A_708 {strides = array<i32>} : memref<3x8x2x128xf32, #tpu.memory_space<vmem>>, vector<16xf32>,
        %swap3A_717 = arith.constant 0 : i32
        %swap3A_718 = arith.constant 1 : i32
        %swap3A_719 = arith.index_cast %swap3A_717 : i32 to index
        %swap3A_720 = arith.index_cast %shift_right_arithmetic3A_699 : i32 to index
        %swap3A_721 = arith.index_cast %swap3A_718 : i32 to index
        %swap3A_722 = arith.index_cast %mul3A_703 : i32 to index
        %swap3A_723 = tpu.vector_load %arg11[%swap3A_719, %swap3A_720, %swap3A_721, %swap3A_722] {strides = array<i32>} : memref<3x8x2x128xf32, #tpu.memory_space<vmem>>, vector<16xf32>,
        tpu.vector_store %arg11[%swap3A_719, %swap3A_720, %swap3A_721, %swap3A_722], %unpack3A_709 {strides = array<i32>} : memref<3x8x2x128xf32, #tpu.memory_space<vmem>>, vector<16xf32>,
        %broadcast_in_dim3A_724 = arith.constant 1 : i32
        %broadcast_in_dim3A_725 = vector.broadcast %broadcast_in_dim3A_724 : i32 to vector<16xi32>
        %gather3A_726 = tpu.vector_load_idx %arg9[%add3A_697, %broadcast_in_dim3A_725] : memref<1024x8xi32, #tpu.memory_space<vmem>>[vector<16xi32>, vector<16xi32>], vector<16xi32>,
        %bitcast3A_727 = vector.bitcast %gather3A_726 : vector<16xi32> to vector<32xbf16>
        %unpack3A_728 = tpu.unpack_subelements %bitcast3A_727, 0 {pack_format = #tpu.pack_format<interleaved>} : vector<32xbf16> -> vector<16xf32>
        %unpack3A_729 = tpu.unpack_subelements %bitcast3A_727, 1 {pack_format = #tpu.pack_format<interleaved>} : vector<32xbf16> -> vector<16xf32>
        %swap3A_730 = arith.constant 1 : i32
        %swap3A_731 = arith.constant 0 : i32
        %swap3A_732 = arith.index_cast %swap3A_730 : i32 to index
        %swap3A_733 = arith.index_cast %shift_right_arithmetic3A_699 : i32 to index
        %swap3A_734 = arith.index_cast %swap3A_731 : i32 to index
        %swap3A_735 = arith.index_cast %mul3A_703 : i32 to index
        %swap3A_736 = tpu.vector_load %arg11[%swap3A_732, %swap3A_733, %swap3A_734, %swap3A_735] {strides = array<i32>} : memref<3x8x2x128xf32, #tpu.memory_space<vmem>>, vector<16xf32>,
        tpu.vector_store %arg11[%swap3A_732, %swap3A_733, %swap3A_734, %swap3A_735], %unpack3A_728 {strides = array<i32>} : memref<3x8x2x128xf32, #tpu.memory_space<vmem>>, vector<16xf32>,
        %swap3A_737 = arith.constant 1 : i32
        %swap3A_738 = arith.constant 1 : i32
        %swap3A_739 = arith.index_cast %swap3A_737 : i32 to index
        %swap3A_740 = arith.index_cast %shift_right_arithmetic3A_699 : i32 to index
        %swap3A_741 = arith.index_cast %swap3A_738 : i32 to index
        %swap3A_742 = arith.index_cast %mul3A_703 : i32 to index
        %swap3A_743 = tpu.vector_load %arg11[%swap3A_739, %swap3A_740, %swap3A_741, %swap3A_742] {strides = array<i32>} : memref<3x8x2x128xf32, #tpu.memory_space<vmem>>, vector<16xf32>,
        tpu.vector_store %arg11[%swap3A_739, %swap3A_740, %swap3A_741, %swap3A_742], %unpack3A_729 {strides = array<i32>} : memref<3x8x2x128xf32, #tpu.memory_space<vmem>>, vector<16xf32>,
        %broadcast_in_dim3A_744 = arith.constant 2 : i32
        %broadcast_in_dim3A_745 = vector.broadcast %broadcast_in_dim3A_744 : i32 to vector<16xi32>
        %gather3A_746 = tpu.vector_load_idx %arg9[%add3A_697, %broadcast_in_dim3A_745] : memref<1024x8xi32, #tpu.memory_space<vmem>>[vector<16xi32>, vector<16xi32>], vector<16xi32>,
        %bitcast3A_747 = vector.bitcast %gather3A_746 : vector<16xi32> to vector<32xbf16>
        %unpack3A_748 = tpu.unpack_subelements %bitcast3A_747, 0 {pack_format = #tpu.pack_format<interleaved>} : vector<32xbf16> -> vector<16xf32>
        %unpack3A_749 = tpu.unpack_subelements %bitcast3A_747, 1 {pack_format = #tpu.pack_format<interleaved>} : vector<32xbf16> -> vector<16xf32>
        %swap3A_750 = arith.constant 2 : i32
        %swap3A_751 = arith.constant 0 : i32
        %swap3A_752 = arith.index_cast %swap3A_750 : i32 to index
        %swap3A_753 = arith.index_cast %shift_right_arithmetic3A_699 : i32 to index
        %swap3A_754 = arith.index_cast %swap3A_751 : i32 to index
        %swap3A_755 = arith.index_cast %mul3A_703 : i32 to index
        %swap3A_756 = tpu.vector_load %arg11[%swap3A_752, %swap3A_753, %swap3A_754, %swap3A_755] {strides = array<i32>} : memref<3x8x2x128xf32, #tpu.memory_space<vmem>>, vector<16xf32>,
        tpu.vector_store %arg11[%swap3A_752, %swap3A_753, %swap3A_754, %swap3A_755], %unpack3A_748 {strides = array<i32>} : memref<3x8x2x128xf32, #tpu.memory_space<vmem>>, vector<16xf32>,
        %swap3A_757 = arith.constant 2 : i32
        %swap3A_758 = arith.constant 1 : i32
        %swap3A_759 = arith.index_cast %swap3A_757 : i32 to index
        %swap3A_760 = arith.index_cast %shift_right_arithmetic3A_699 : i32 to index
        %swap3A_761 = arith.index_cast %swap3A_758 : i32 to index
        %swap3A_762 = arith.index_cast %mul3A_703 : i32 to index
        %swap3A_763 = tpu.vector_load %arg11[%swap3A_759, %swap3A_760, %swap3A_761, %swap3A_762] {strides = array<i32>} : memref<3x8x2x128xf32, #tpu.memory_space<vmem>>, vector<16xf32>,
        tpu.vector_store %arg11[%swap3A_759, %swap3A_760, %swap3A_761, %swap3A_762], %unpack3A_749 {strides = array<i32>} : memref<3x8x2x128xf32, #tpu.memory_space<vmem>>, vector<16xf32>,
        %scan3A_764 = arith.constant 5 : i32
        %scan3A_765 = arith.addi %scan3A_406, %scan3A_764 : i32
        %mul3A_766 = arith.constant 16 : i32
        %mul3A_767 = arith.muli %scan3A_765, %mul3A_766 : i32
        %iota3A_768 = tpu.iota {dimensions = array<i32: 0>} : vector<16xi32>
        %add3A_769 = vector.broadcast %mul3A_767 : i32 to vector<16xi32>
        %add3A_770 = arith.addi %add3A_769, %iota3A_768 : vector<16xi32>
        %shift_right_arithmetic3A_771 = arith.constant 3 : i32
        %shift_right_arithmetic3A_772 = arith.shrsi %scan3A_765, %shift_right_arithmetic3A_771 : i32
        %and3A_773 = arith.constant 7 : i32
        %and3A_774 = arith.andi %scan3A_765, %and3A_773 : i32
        %mul3A_775 = arith.constant 16 : i32
        %mul3A_776 = arith.muli %and3A_774, %mul3A_775 : i32
        %broadcast_in_dim3A_777 = arith.constant 0 : i32
        %broadcast_in_dim3A_778 = vector.broadcast %broadcast_in_dim3A_777 : i32 to vector<16xi32>
        %gather3A_779 = tpu.vector_load_idx %arg9[%add3A_770, %broadcast_in_dim3A_778] : memref<1024x8xi32, #tpu.memory_space<vmem>>[vector<16xi32>, vector<16xi32>], vector<16xi32>,
        %bitcast3A_780 = vector.bitcast %gather3A_779 : vector<16xi32> to vector<32xbf16>
        %unpack3A_781 = tpu.unpack_subelements %bitcast3A_780, 0 {pack_format = #tpu.pack_format<interleaved>} : vector<32xbf16> -> vector<16xf32>
        %unpack3A_782 = tpu.unpack_subelements %bitcast3A_780, 1 {pack_format = #tpu.pack_format<interleaved>} : vector<32xbf16> -> vector<16xf32>
        %swap3A_783 = arith.constant 0 : i32
        %swap3A_784 = arith.constant 0 : i32
        %swap3A_785 = arith.index_cast %swap3A_783 : i32 to index
        %swap3A_786 = arith.index_cast %shift_right_arithmetic3A_772 : i32 to index
        %swap3A_787 = arith.index_cast %swap3A_784 : i32 to index
        %swap3A_788 = arith.index_cast %mul3A_776 : i32 to index
        %swap3A_789 = tpu.vector_load %arg11[%swap3A_785, %swap3A_786, %swap3A_787, %swap3A_788] {strides = array<i32>} : memref<3x8x2x128xf32, #tpu.memory_space<vmem>>, vector<16xf32>,
        tpu.vector_store %arg11[%swap3A_785, %swap3A_786, %swap3A_787, %swap3A_788], %unpack3A_781 {strides = array<i32>} : memref<3x8x2x128xf32, #tpu.memory_space<vmem>>, vector<16xf32>,
        %swap3A_790 = arith.constant 0 : i32
        %swap3A_791 = arith.constant 1 : i32
        %swap3A_792 = arith.index_cast %swap3A_790 : i32 to index
        %swap3A_793 = arith.index_cast %shift_right_arithmetic3A_772 : i32 to index
        %swap3A_794 = arith.index_cast %swap3A_791 : i32 to index
        %swap3A_795 = arith.index_cast %mul3A_776 : i32 to index
        %swap3A_796 = tpu.vector_load %arg11[%swap3A_792, %swap3A_793, %swap3A_794, %swap3A_795] {strides = array<i32>} : memref<3x8x2x128xf32, #tpu.memory_space<vmem>>, vector<16xf32>,
        tpu.vector_store %arg11[%swap3A_792, %swap3A_793, %swap3A_794, %swap3A_795], %unpack3A_782 {strides = array<i32>} : memref<3x8x2x128xf32, #tpu.memory_space<vmem>>, vector<16xf32>,
        %broadcast_in_dim3A_797 = arith.constant 1 : i32
        %broadcast_in_dim3A_798 = vector.broadcast %broadcast_in_dim3A_797 : i32 to vector<16xi32>
        %gather3A_799 = tpu.vector_load_idx %arg9[%add3A_770, %broadcast_in_dim3A_798] : memref<1024x8xi32, #tpu.memory_space<vmem>>[vector<16xi32>, vector<16xi32>], vector<16xi32>,
        %bitcast3A_800 = vector.bitcast %gather3A_799 : vector<16xi32> to vector<32xbf16>
        %unpack3A_801 = tpu.unpack_subelements %bitcast3A_800, 0 {pack_format = #tpu.pack_format<interleaved>} : vector<32xbf16> -> vector<16xf32>
        %unpack3A_802 = tpu.unpack_subelements %bitcast3A_800, 1 {pack_format = #tpu.pack_format<interleaved>} : vector<32xbf16> -> vector<16xf32>
        %swap3A_803 = arith.constant 1 : i32
        %swap3A_804 = arith.constant 0 : i32
        %swap3A_805 = arith.index_cast %swap3A_803 : i32 to index
        %swap3A_806 = arith.index_cast %shift_right_arithmetic3A_772 : i32 to index
        %swap3A_807 = arith.index_cast %swap3A_804 : i32 to index
        %swap3A_808 = arith.index_cast %mul3A_776 : i32 to index
        %swap3A_809 = tpu.vector_load %arg11[%swap3A_805, %swap3A_806, %swap3A_807, %swap3A_808] {strides = array<i32>} : memref<3x8x2x128xf32, #tpu.memory_space<vmem>>, vector<16xf32>,
        tpu.vector_store %arg11[%swap3A_805, %swap3A_806, %swap3A_807, %swap3A_808], %unpack3A_801 {strides = array<i32>} : memref<3x8x2x128xf32, #tpu.memory_space<vmem>>, vector<16xf32>,
        %swap3A_810 = arith.constant 1 : i32
        %swap3A_811 = arith.constant 1 : i32
        %swap3A_812 = arith.index_cast %swap3A_810 : i32 to index
        %swap3A_813 = arith.index_cast %shift_right_arithmetic3A_772 : i32 to index
        %swap3A_814 = arith.index_cast %swap3A_811 : i32 to index
        %swap3A_815 = arith.index_cast %mul3A_776 : i32 to index
        %swap3A_816 = tpu.vector_load %arg11[%swap3A_812, %swap3A_813, %swap3A_814, %swap3A_815] {strides = array<i32>} : memref<3x8x2x128xf32, #tpu.memory_space<vmem>>, vector<16xf32>,
        tpu.vector_store %arg11[%swap3A_812, %swap3A_813, %swap3A_814, %swap3A_815], %unpack3A_802 {strides = array<i32>} : memref<3x8x2x128xf32, #tpu.memory_space<vmem>>, vector<16xf32>,
        %broadcast_in_dim3A_817 = arith.constant 2 : i32
        %broadcast_in_dim3A_818 = vector.broadcast %broadcast_in_dim3A_817 : i32 to vector<16xi32>
        %gather3A_819 = tpu.vector_load_idx %arg9[%add3A_770, %broadcast_in_dim3A_818] : memref<1024x8xi32, #tpu.memory_space<vmem>>[vector<16xi32>, vector<16xi32>], vector<16xi32>,
        %bitcast3A_820 = vector.bitcast %gather3A_819 : vector<16xi32> to vector<32xbf16>
        %unpack3A_821 = tpu.unpack_subelements %bitcast3A_820, 0 {pack_format = #tpu.pack_format<interleaved>} : vector<32xbf16> -> vector<16xf32>
        %unpack3A_822 = tpu.unpack_subelements %bitcast3A_820, 1 {pack_format = #tpu.pack_format<interleaved>} : vector<32xbf16> -> vector<16xf32>
        %swap3A_823 = arith.constant 2 : i32
        %swap3A_824 = arith.constant 0 : i32
        %swap3A_825 = arith.index_cast %swap3A_823 : i32 to index
        %swap3A_826 = arith.index_cast %shift_right_arithmetic3A_772 : i32 to index
        %swap3A_827 = arith.index_cast %swap3A_824 : i32 to index
        %swap3A_828 = arith.index_cast %mul3A_776 : i32 to index
        %swap3A_829 = tpu.vector_load %arg11[%swap3A_825, %swap3A_826, %swap3A_827, %swap3A_828] {strides = array<i32>} : memref<3x8x2x128xf32, #tpu.memory_space<vmem>>, vector<16xf32>,
        tpu.vector_store %arg11[%swap3A_825, %swap3A_826, %swap3A_827, %swap3A_828], %unpack3A_821 {strides = array<i32>} : memref<3x8x2x128xf32, #tpu.memory_space<vmem>>, vector<16xf32>,
        %swap3A_830 = arith.constant 2 : i32
        %swap3A_831 = arith.constant 1 : i32
        %swap3A_832 = arith.index_cast %swap3A_830 : i32 to index
        %swap3A_833 = arith.index_cast %shift_right_arithmetic3A_772 : i32 to index
        %swap3A_834 = arith.index_cast %swap3A_831 : i32 to index
        %swap3A_835 = arith.index_cast %mul3A_776 : i32 to index
        %swap3A_836 = tpu.vector_load %arg11[%swap3A_832, %swap3A_833, %swap3A_834, %swap3A_835] {strides = array<i32>} : memref<3x8x2x128xf32, #tpu.memory_space<vmem>>, vector<16xf32>,
        tpu.vector_store %arg11[%swap3A_832, %swap3A_833, %swap3A_834, %swap3A_835], %unpack3A_822 {strides = array<i32>} : memref<3x8x2x128xf32, #tpu.memory_space<vmem>>, vector<16xf32>,
        %scan3A_837 = arith.constant 6 : i32
        %scan3A_838 = arith.addi %scan3A_406, %scan3A_837 : i32
        %mul3A_839 = arith.constant 16 : i32
        %mul3A_840 = arith.muli %scan3A_838, %mul3A_839 : i32
        %iota3A_841 = tpu.iota {dimensions = array<i32: 0>} : vector<16xi32>
        %add3A_842 = vector.broadcast %mul3A_840 : i32 to vector<16xi32>
        %add3A_843 = arith.addi %add3A_842, %iota3A_841 : vector<16xi32>
        %shift_right_arithmetic3A_844 = arith.constant 3 : i32
        %shift_right_arithmetic3A_845 = arith.shrsi %scan3A_838, %shift_right_arithmetic3A_844 : i32
        %and3A_846 = arith.constant 7 : i32
        %and3A_847 = arith.andi %scan3A_838, %and3A_846 : i32
        %mul3A_848 = arith.constant 16 : i32
        %mul3A_849 = arith.muli %and3A_847, %mul3A_848 : i32
        %broadcast_in_dim3A_850 = arith.constant 0 : i32
        %broadcast_in_dim3A_851 = vector.broadcast %broadcast_in_dim3A_850 : i32 to vector<16xi32>
        %gather3A_852 = tpu.vector_load_idx %arg9[%add3A_843, %broadcast_in_dim3A_851] : memref<1024x8xi32, #tpu.memory_space<vmem>>[vector<16xi32>, vector<16xi32>], vector<16xi32>,
        %bitcast3A_853 = vector.bitcast %gather3A_852 : vector<16xi32> to vector<32xbf16>
        %unpack3A_854 = tpu.unpack_subelements %bitcast3A_853, 0 {pack_format = #tpu.pack_format<interleaved>} : vector<32xbf16> -> vector<16xf32>
        %unpack3A_855 = tpu.unpack_subelements %bitcast3A_853, 1 {pack_format = #tpu.pack_format<interleaved>} : vector<32xbf16> -> vector<16xf32>
        %swap3A_856 = arith.constant 0 : i32
        %swap3A_857 = arith.constant 0 : i32
        %swap3A_858 = arith.index_cast %swap3A_856 : i32 to index
        %swap3A_859 = arith.index_cast %shift_right_arithmetic3A_845 : i32 to index
        %swap3A_860 = arith.index_cast %swap3A_857 : i32 to index
        %swap3A_861 = arith.index_cast %mul3A_849 : i32 to index
        %swap3A_862 = tpu.vector_load %arg11[%swap3A_858, %swap3A_859, %swap3A_860, %swap3A_861] {strides = array<i32>} : memref<3x8x2x128xf32, #tpu.memory_space<vmem>>, vector<16xf32>,
        tpu.vector_store %arg11[%swap3A_858, %swap3A_859, %swap3A_860, %swap3A_861], %unpack3A_854 {strides = array<i32>} : memref<3x8x2x128xf32, #tpu.memory_space<vmem>>, vector<16xf32>,
        %swap3A_863 = arith.constant 0 : i32
        %swap3A_864 = arith.constant 1 : i32
        %swap3A_865 = arith.index_cast %swap3A_863 : i32 to index
        %swap3A_866 = arith.index_cast %shift_right_arithmetic3A_845 : i32 to index
        %swap3A_867 = arith.index_cast %swap3A_864 : i32 to index
        %swap3A_868 = arith.index_cast %mul3A_849 : i32 to index
        %swap3A_869 = tpu.vector_load %arg11[%swap3A_865, %swap3A_866, %swap3A_867, %swap3A_868] {strides = array<i32>} : memref<3x8x2x128xf32, #tpu.memory_space<vmem>>, vector<16xf32>,
        tpu.vector_store %arg11[%swap3A_865, %swap3A_866, %swap3A_867, %swap3A_868], %unpack3A_855 {strides = array<i32>} : memref<3x8x2x128xf32, #tpu.memory_space<vmem>>, vector<16xf32>,
        %broadcast_in_dim3A_870 = arith.constant 1 : i32
        %broadcast_in_dim3A_871 = vector.broadcast %broadcast_in_dim3A_870 : i32 to vector<16xi32>
        %gather3A_872 = tpu.vector_load_idx %arg9[%add3A_843, %broadcast_in_dim3A_871] : memref<1024x8xi32, #tpu.memory_space<vmem>>[vector<16xi32>, vector<16xi32>], vector<16xi32>,
        %bitcast3A_873 = vector.bitcast %gather3A_872 : vector<16xi32> to vector<32xbf16>
        %unpack3A_874 = tpu.unpack_subelements %bitcast3A_873, 0 {pack_format = #tpu.pack_format<interleaved>} : vector<32xbf16> -> vector<16xf32>
        %unpack3A_875 = tpu.unpack_subelements %bitcast3A_873, 1 {pack_format = #tpu.pack_format<interleaved>} : vector<32xbf16> -> vector<16xf32>
        %swap3A_876 = arith.constant 1 : i32
        %swap3A_877 = arith.constant 0 : i32
        %swap3A_878 = arith.index_cast %swap3A_876 : i32 to index
        %swap3A_879 = arith.index_cast %shift_right_arithmetic3A_845 : i32 to index
        %swap3A_880 = arith.index_cast %swap3A_877 : i32 to index
        %swap3A_881 = arith.index_cast %mul3A_849 : i32 to index
        %swap3A_882 = tpu.vector_load %arg11[%swap3A_878, %swap3A_879, %swap3A_880, %swap3A_881] {strides = array<i32>} : memref<3x8x2x128xf32, #tpu.memory_space<vmem>>, vector<16xf32>,
        tpu.vector_store %arg11[%swap3A_878, %swap3A_879, %swap3A_880, %swap3A_881], %unpack3A_874 {strides = array<i32>} : memref<3x8x2x128xf32, #tpu.memory_space<vmem>>, vector<16xf32>,
        %swap3A_883 = arith.constant 1 : i32
        %swap3A_884 = arith.constant 1 : i32
        %swap3A_885 = arith.index_cast %swap3A_883 : i32 to index
        %swap3A_886 = arith.index_cast %shift_right_arithmetic3A_845 : i32 to index
        %swap3A_887 = arith.index_cast %swap3A_884 : i32 to index
        %swap3A_888 = arith.index_cast %mul3A_849 : i32 to index
        %swap3A_889 = tpu.vector_load %arg11[%swap3A_885, %swap3A_886, %swap3A_887, %swap3A_888] {strides = array<i32>} : memref<3x8x2x128xf32, #tpu.memory_space<vmem>>, vector<16xf32>,
        tpu.vector_store %arg11[%swap3A_885, %swap3A_886, %swap3A_887, %swap3A_888], %unpack3A_875 {strides = array<i32>} : memref<3x8x2x128xf32, #tpu.memory_space<vmem>>, vector<16xf32>,
        %broadcast_in_dim3A_890 = arith.constant 2 : i32
        %broadcast_in_dim3A_891 = vector.broadcast %broadcast_in_dim3A_890 : i32 to vector<16xi32>
        %gather3A_892 = tpu.vector_load_idx %arg9[%add3A_843, %broadcast_in_dim3A_891] : memref<1024x8xi32, #tpu.memory_space<vmem>>[vector<16xi32>, vector<16xi32>], vector<16xi32>,
        %bitcast3A_893 = vector.bitcast %gather3A_892 : vector<16xi32> to vector<32xbf16>
        %unpack3A_894 = tpu.unpack_subelements %bitcast3A_893, 0 {pack_format = #tpu.pack_format<interleaved>} : vector<32xbf16> -> vector<16xf32>
        %unpack3A_895 = tpu.unpack_subelements %bitcast3A_893, 1 {pack_format = #tpu.pack_format<interleaved>} : vector<32xbf16> -> vector<16xf32>
        %swap3A_896 = arith.constant 2 : i32
        %swap3A_897 = arith.constant 0 : i32
        %swap3A_898 = arith.index_cast %swap3A_896 : i32 to index
        %swap3A_899 = arith.index_cast %shift_right_arithmetic3A_845 : i32 to index
        %swap3A_900 = arith.index_cast %swap3A_897 : i32 to index
        %swap3A_901 = arith.index_cast %mul3A_849 : i32 to index
        %swap3A_902 = tpu.vector_load %arg11[%swap3A_898, %swap3A_899, %swap3A_900, %swap3A_901] {strides = array<i32>} : memref<3x8x2x128xf32, #tpu.memory_space<vmem>>, vector<16xf32>,
        tpu.vector_store %arg11[%swap3A_898, %swap3A_899, %swap3A_900, %swap3A_901], %unpack3A_894 {strides = array<i32>} : memref<3x8x2x128xf32, #tpu.memory_space<vmem>>, vector<16xf32>,
        %swap3A_903 = arith.constant 2 : i32
        %swap3A_904 = arith.constant 1 : i32
        %swap3A_905 = arith.index_cast %swap3A_903 : i32 to index
        %swap3A_906 = arith.index_cast %shift_right_arithmetic3A_845 : i32 to index
        %swap3A_907 = arith.index_cast %swap3A_904 : i32 to index
        %swap3A_908 = arith.index_cast %mul3A_849 : i32 to index
        %swap3A_909 = tpu.vector_load %arg11[%swap3A_905, %swap3A_906, %swap3A_907, %swap3A_908] {strides = array<i32>} : memref<3x8x2x128xf32, #tpu.memory_space<vmem>>, vector<16xf32>,
        tpu.vector_store %arg11[%swap3A_905, %swap3A_906, %swap3A_907, %swap3A_908], %unpack3A_895 {strides = array<i32>} : memref<3x8x2x128xf32, #tpu.memory_space<vmem>>, vector<16xf32>,
        %scan3A_910 = arith.constant 7 : i32
        %scan3A_911 = arith.addi %scan3A_406, %scan3A_910 : i32
        %mul3A_912 = arith.constant 16 : i32
        %mul3A_913 = arith.muli %scan3A_911, %mul3A_912 : i32
        %iota3A_914 = tpu.iota {dimensions = array<i32: 0>} : vector<16xi32>
        %add3A_915 = vector.broadcast %mul3A_913 : i32 to vector<16xi32>
        %add3A_916 = arith.addi %add3A_915, %iota3A_914 : vector<16xi32>
        %shift_right_arithmetic3A_917 = arith.constant 3 : i32
        %shift_right_arithmetic3A_918 = arith.shrsi %scan3A_911, %shift_right_arithmetic3A_917 : i32
        %and3A_919 = arith.constant 7 : i32
        %and3A_920 = arith.andi %scan3A_911, %and3A_919 : i32
        %mul3A_921 = arith.constant 16 : i32
        %mul3A_922 = arith.muli %and3A_920, %mul3A_921 : i32
        %broadcast_in_dim3A_923 = arith.constant 0 : i32
        %broadcast_in_dim3A_924 = vector.broadcast %broadcast_in_dim3A_923 : i32 to vector<16xi32>
        %gather3A_925 = tpu.vector_load_idx %arg9[%add3A_916, %broadcast_in_dim3A_924] : memref<1024x8xi32, #tpu.memory_space<vmem>>[vector<16xi32>, vector<16xi32>], vector<16xi32>,
        %bitcast3A_926 = vector.bitcast %gather3A_925 : vector<16xi32> to vector<32xbf16>
        %unpack3A_927 = tpu.unpack_subelements %bitcast3A_926, 0 {pack_format = #tpu.pack_format<interleaved>} : vector<32xbf16> -> vector<16xf32>
        %unpack3A_928 = tpu.unpack_subelements %bitcast3A_926, 1 {pack_format = #tpu.pack_format<interleaved>} : vector<32xbf16> -> vector<16xf32>
        %swap3A_929 = arith.constant 0 : i32
        %swap3A_930 = arith.constant 0 : i32
        %swap3A_931 = arith.index_cast %swap3A_929 : i32 to index
        %swap3A_932 = arith.index_cast %shift_right_arithmetic3A_918 : i32 to index
        %swap3A_933 = arith.index_cast %swap3A_930 : i32 to index
        %swap3A_934 = arith.index_cast %mul3A_922 : i32 to index
        %swap3A_935 = tpu.vector_load %arg11[%swap3A_931, %swap3A_932, %swap3A_933, %swap3A_934] {strides = array<i32>} : memref<3x8x2x128xf32, #tpu.memory_space<vmem>>, vector<16xf32>,
        tpu.vector_store %arg11[%swap3A_931, %swap3A_932, %swap3A_933, %swap3A_934], %unpack3A_927 {strides = array<i32>} : memref<3x8x2x128xf32, #tpu.memory_space<vmem>>, vector<16xf32>,
        %swap3A_936 = arith.constant 0 : i32
        %swap3A_937 = arith.constant 1 : i32
        %swap3A_938 = arith.index_cast %swap3A_936 : i32 to index
        %swap3A_939 = arith.index_cast %shift_right_arithmetic3A_918 : i32 to index
        %swap3A_940 = arith.index_cast %swap3A_937 : i32 to index
        %swap3A_941 = arith.index_cast %mul3A_922 : i32 to index
        %swap3A_942 = tpu.vector_load %arg11[%swap3A_938, %swap3A_939, %swap3A_940, %swap3A_941] {strides = array<i32>} : memref<3x8x2x128xf32, #tpu.memory_space<vmem>>, vector<16xf32>,
        tpu.vector_store %arg11[%swap3A_938, %swap3A_939, %swap3A_940, %swap3A_941], %unpack3A_928 {strides = array<i32>} : memref<3x8x2x128xf32, #tpu.memory_space<vmem>>, vector<16xf32>,
        %broadcast_in_dim3A_943 = arith.constant 1 : i32
        %broadcast_in_dim3A_944 = vector.broadcast %broadcast_in_dim3A_943 : i32 to vector<16xi32>
        %gather3A_945 = tpu.vector_load_idx %arg9[%add3A_916, %broadcast_in_dim3A_944] : memref<1024x8xi32, #tpu.memory_space<vmem>>[vector<16xi32>, vector<16xi32>], vector<16xi32>,
        %bitcast3A_946 = vector.bitcast %gather3A_945 : vector<16xi32> to vector<32xbf16>
        %unpack3A_947 = tpu.unpack_subelements %bitcast3A_946, 0 {pack_format = #tpu.pack_format<interleaved>} : vector<32xbf16> -> vector<16xf32>
        %unpack3A_948 = tpu.unpack_subelements %bitcast3A_946, 1 {pack_format = #tpu.pack_format<interleaved>} : vector<32xbf16> -> vector<16xf32>
        %swap3A_949 = arith.constant 1 : i32
        %swap3A_950 = arith.constant 0 : i32
        %swap3A_951 = arith.index_cast %swap3A_949 : i32 to index
        %swap3A_952 = arith.index_cast %shift_right_arithmetic3A_918 : i32 to index
        %swap3A_953 = arith.index_cast %swap3A_950 : i32 to index
        %swap3A_954 = arith.index_cast %mul3A_922 : i32 to index
        %swap3A_955 = tpu.vector_load %arg11[%swap3A_951, %swap3A_952, %swap3A_953, %swap3A_954] {strides = array<i32>} : memref<3x8x2x128xf32, #tpu.memory_space<vmem>>, vector<16xf32>,
        tpu.vector_store %arg11[%swap3A_951, %swap3A_952, %swap3A_953, %swap3A_954], %unpack3A_947 {strides = array<i32>} : memref<3x8x2x128xf32, #tpu.memory_space<vmem>>, vector<16xf32>,
        %swap3A_956 = arith.constant 1 : i32
        %swap3A_957 = arith.constant 1 : i32
        %swap3A_958 = arith.index_cast %swap3A_956 : i32 to index
        %swap3A_959 = arith.index_cast %shift_right_arithmetic3A_918 : i32 to index
        %swap3A_960 = arith.index_cast %swap3A_957 : i32 to index
        %swap3A_961 = arith.index_cast %mul3A_922 : i32 to index
        %swap3A_962 = tpu.vector_load %arg11[%swap3A_958, %swap3A_959, %swap3A_960, %swap3A_961] {strides = array<i32>} : memref<3x8x2x128xf32, #tpu.memory_space<vmem>>, vector<16xf32>,
        tpu.vector_store %arg11[%swap3A_958, %swap3A_959, %swap3A_960, %swap3A_961], %unpack3A_948 {strides = array<i32>} : memref<3x8x2x128xf32, #tpu.memory_space<vmem>>, vector<16xf32>,
        %broadcast_in_dim3A_963 = arith.constant 2 : i32
        %broadcast_in_dim3A_964 = vector.broadcast %broadcast_in_dim3A_963 : i32 to vector<16xi32>
        %gather3A_965 = tpu.vector_load_idx %arg9[%add3A_916, %broadcast_in_dim3A_964] : memref<1024x8xi32, #tpu.memory_space<vmem>>[vector<16xi32>, vector<16xi32>], vector<16xi32>,
        %bitcast3A_966 = vector.bitcast %gather3A_965 : vector<16xi32> to vector<32xbf16>
        %unpack3A_967 = tpu.unpack_subelements %bitcast3A_966, 0 {pack_format = #tpu.pack_format<interleaved>} : vector<32xbf16> -> vector<16xf32>
        %unpack3A_968 = tpu.unpack_subelements %bitcast3A_966, 1 {pack_format = #tpu.pack_format<interleaved>} : vector<32xbf16> -> vector<16xf32>
        %swap3A_969 = arith.constant 2 : i32
        %swap3A_970 = arith.constant 0 : i32
        %swap3A_971 = arith.index_cast %swap3A_969 : i32 to index
        %swap3A_972 = arith.index_cast %shift_right_arithmetic3A_918 : i32 to index
        %swap3A_973 = arith.index_cast %swap3A_970 : i32 to index
        %swap3A_974 = arith.index_cast %mul3A_922 : i32 to index
        %swap3A_975 = tpu.vector_load %arg11[%swap3A_971, %swap3A_972, %swap3A_973, %swap3A_974] {strides = array<i32>} : memref<3x8x2x128xf32, #tpu.memory_space<vmem>>, vector<16xf32>,
        tpu.vector_store %arg11[%swap3A_971, %swap3A_972, %swap3A_973, %swap3A_974], %unpack3A_967 {strides = array<i32>} : memref<3x8x2x128xf32, #tpu.memory_space<vmem>>, vector<16xf32>,
        %swap3A_976 = arith.constant 2 : i32
        %swap3A_977 = arith.constant 1 : i32
        %swap3A_978 = arith.index_cast %swap3A_976 : i32 to index
        %swap3A_979 = arith.index_cast %shift_right_arithmetic3A_918 : i32 to index
        %swap3A_980 = arith.index_cast %swap3A_977 : i32 to index
        %swap3A_981 = arith.index_cast %mul3A_922 : i32 to index
        %swap3A_982 = tpu.vector_load %arg11[%swap3A_978, %swap3A_979, %swap3A_980, %swap3A_981] {strides = array<i32>} : memref<3x8x2x128xf32, #tpu.memory_space<vmem>>, vector<16xf32>,
        tpu.vector_store %arg11[%swap3A_978, %swap3A_979, %swap3A_980, %swap3A_981], %unpack3A_968 {strides = array<i32>} : memref<3x8x2x128xf32, #tpu.memory_space<vmem>>, vector<16xf32>,
      }
      %scan3A_323 = arith.constant 64 : i32
      %min3A_324 = arith.constant 99 : i32
      %min3A_325 = arith.minsi %add3A_295, %min3A_324 : i32
      %add3A_326 = arith.addi %mul3A_2, %min3A_325 : i32
      %shift_right_arithmetic3A_327 = arith.constant 4 : i32
      %shift_right_arithmetic3A_328 = arith.shrsi %add3A_326, %shift_right_arithmetic3A_327 : i32
      %and3A_329 = arith.constant 15 : i32
      %and3A_330 = arith.andi %add3A_326, %and3A_329 : i32
      %mul3A_331 = arith.constant 3 : i32
      %mul3A_332 = arith.muli %shift_right_arithmetic3A_328, %mul3A_331 : i32
      %add3A_333 = arith.constant 0 : i32
      %add3A_334 = arith.addi %mul3A_332, %add3A_333 : i32
      %mul3A_335 = arith.constant 8 : i32
      %mul3A_336 = arith.muli %and3A_330, %mul3A_335 : i32
      %dma_start3A_337 = arith.constant 0 : i32
      %dma_start3A_338 = arith.constant 0 : i32
      %dma_start3A_339 = arith.constant 0 : i32
      %dma_start3A_340 = arith.constant 0 : i32
      %dma_start3A_341 = tpu.memref_slice %arg11[%dma_start3A_337, %dma_start3A_338, %dma_start3A_339, %dma_start3A_340] : memref<3x8x2x128xf32, #tpu.memory_space<vmem>> -> memref<1x8x2x128xf32, #tpu.memory_space<vmem>>
      %dma_start3A_342 = tpu.memref_squeeze %dma_start3A_341 : memref<1x8x2x128xf32, #tpu.memory_space<vmem>> -> memref<8x2x128xf32, #tpu.memory_space<vmem>>
      %dma_start3A_343 = arith.constant 0 : i32
      %dma_start3A_344 = arith.constant 0 : i32
      %dma_start3A_345 = tpu.memref_slice %arg4[%add3A_334, %mul3A_336, %dma_start3A_343, %dma_start3A_344] : memref<600x128x2x128xf32, #tpu.memory_space<hbm>> -> memref<1x8x2x128xf32, #tpu.memory_space<hbm>>
      %dma_start3A_346 = tpu.memref_squeeze %dma_start3A_345 : memref<1x8x2x128xf32, #tpu.memory_space<hbm>> -> memref<8x2x128xf32, #tpu.memory_space<hbm>>
      %dma_start3A_347 = arith.constant 0 : i32
      %dma_start3A_348 = arith.constant 0 : i32
      %dma_start3A_349 = tpu.memref_slice %arg4[%add3A_334, %mul3A_336, %dma_start3A_347, %dma_start3A_348] : memref<600x128x2x128xf32, #tpu.memory_space<hbm>> -> memref<1x8x2x128xf32, #tpu.memory_space<hbm>>
      %dma_start3A_350 = tpu.memref_squeeze %dma_start3A_349 : memref<1x8x2x128xf32, #tpu.memory_space<hbm>> -> memref<8x2x128xf32, #tpu.memory_space<hbm>>
      %dma_start3A_351 = arith.constant 0 : i32
      %dma_start3A_352 = arith.constant 0 : i32
      %dma_start3A_353 = arith.constant 0 : i32
      %dma_start3A_354 = tpu.memref_slice %arg11[%dma_start3A_337, %dma_start3A_351, %dma_start3A_352, %dma_start3A_353] : memref<3x8x2x128xf32, #tpu.memory_space<vmem>> -> memref<1x8x2x128xf32, #tpu.memory_space<vmem>>
      %dma_start3A_355 = tpu.memref_squeeze %dma_start3A_354 : memref<1x8x2x128xf32, #tpu.memory_space<vmem>> -> memref<8x2x128xf32, #tpu.memory_space<vmem>>
      tpu.enqueue_dma source(%dma_start3A_355 : memref<8x2x128xf32, #tpu.memory_space<vmem>>) target(%dma_start3A_350 : memref<8x2x128xf32, #tpu.memory_space<hbm>>) target_semaphore(%arg17 : memref<!tpu.dma_semaphore, #tpu.memory_space<semaphore_mem>>)
      %mul3A_356 = arith.constant 3 : i32
      %mul3A_357 = arith.muli %shift_right_arithmetic3A_328, %mul3A_356 : i32
      %add3A_358 = arith.constant 1 : i32
      %add3A_359 = arith.addi %mul3A_357, %add3A_358 : i32
      %mul3A_360 = arith.constant 8 : i32
      %mul3A_361 = arith.muli %and3A_330, %mul3A_360 : i32
      %dma_start3A_362 = arith.constant 1 : i32
      %dma_start3A_363 = arith.constant 0 : i32
      %dma_start3A_364 = arith.constant 0 : i32
      %dma_start3A_365 = arith.constant 0 : i32
      %dma_start3A_366 = tpu.memref_slice %arg11[%dma_start3A_362, %dma_start3A_363, %dma_start3A_364, %dma_start3A_365] : memref<3x8x2x128xf32, #tpu.memory_space<vmem>> -> memref<1x8x2x128xf32, #tpu.memory_space<vmem>>
      %dma_start3A_367 = tpu.memref_squeeze %dma_start3A_366 : memref<1x8x2x128xf32, #tpu.memory_space<vmem>> -> memref<8x2x128xf32, #tpu.memory_space<vmem>>
      %dma_start3A_368 = arith.constant 0 : i32
      %dma_start3A_369 = arith.constant 0 : i32
      %dma_start3A_370 = tpu.memref_slice %arg4[%add3A_359, %mul3A_361, %dma_start3A_368, %dma_start3A_369] : memref<600x128x2x128xf32, #tpu.memory_space<hbm>> -> memref<1x8x2x128xf32, #tpu.memory_space<hbm>>
      %dma_start3A_371 = tpu.memref_squeeze %dma_start3A_370 : memref<1x8x2x128xf32, #tpu.memory_space<hbm>> -> memref<8x2x128xf32, #tpu.memory_space<hbm>>
      %dma_start3A_372 = arith.constant 0 : i32
      %dma_start3A_373 = arith.constant 0 : i32
      %dma_start3A_374 = tpu.memref_slice %arg4[%add3A_359, %mul3A_361, %dma_start3A_372, %dma_start3A_373] : memref<600x128x2x128xf32, #tpu.memory_space<hbm>> -> memref<1x8x2x128xf32, #tpu.memory_space<hbm>>
      %dma_start3A_375 = tpu.memref_squeeze %dma_start3A_374 : memref<1x8x2x128xf32, #tpu.memory_space<hbm>> -> memref<8x2x128xf32, #tpu.memory_space<hbm>>
      %dma_start3A_376 = arith.constant 0 : i32
      %dma_start3A_377 = arith.constant 0 : i32
      %dma_start3A_378 = arith.constant 0 : i32
      %dma_start3A_379 = tpu.memref_slice %arg11[%dma_start3A_362, %dma_start3A_376, %dma_start3A_377, %dma_start3A_378] : memref<3x8x2x128xf32, #tpu.memory_space<vmem>> -> memref<1x8x2x128xf32, #tpu.memory_space<vmem>>
      %dma_start3A_380 = tpu.memref_squeeze %dma_start3A_379 : memref<1x8x2x128xf32, #tpu.memory_space<vmem>> -> memref<8x2x128xf32, #tpu.memory_space<vmem>>
      tpu.enqueue_dma source(%dma_start3A_380 : memref<8x2x128xf32, #tpu.memory_space<vmem>>) target(%dma_start3A_375 : memref<8x2x128xf32, #tpu.memory_space<hbm>>) target_semaphore(%arg17 : memref<!tpu.dma_semaphore, #tpu.memory_space<semaphore_mem>>)
      %mul3A_381 = arith.constant 3 : i32
      %mul3A_382 = arith.muli %shift_right_arithmetic3A_328, %mul3A_381 : i32
      %add3A_383 = arith.constant 2 : i32
      %add3A_384 = arith.addi %mul3A_382, %add3A_383 : i32
      %mul3A_385 = arith.constant 8 : i32
      %mul3A_386 = arith.muli %and3A_330, %mul3A_385 : i32
      %dma_start3A_387 = arith.constant 2 : i32
      %dma_start3A_388 = arith.constant 0 : i32
      %dma_start3A_389 = arith.constant 0 : i32
      %dma_start3A_390 = arith.constant 0 : i32
      %dma_start3A_391 = tpu.memref_slice %arg11[%dma_start3A_387, %dma_start3A_388, %dma_start3A_389, %dma_start3A_390] : memref<3x8x2x128xf32, #tpu.memory_space<vmem>> -> memref<1x8x2x128xf32, #tpu.memory_space<vmem>>
      %dma_start3A_392 = tpu.memref_squeeze %dma_start3A_391 : memref<1x8x2x128xf32, #tpu.memory_space<vmem>> -> memref<8x2x128xf32, #tpu.memory_space<vmem>>
      %dma_start3A_393 = arith.constant 0 : i32
      %dma_start3A_394 = arith.constant 0 : i32
      %dma_start3A_395 = tpu.memref_slice %arg4[%add3A_384, %mul3A_386, %dma_start3A_393, %dma_start3A_394] : memref<600x128x2x128xf32, #tpu.memory_space<hbm>> -> memref<1x8x2x128xf32, #tpu.memory_space<hbm>>
      %dma_start3A_396 = tpu.memref_squeeze %dma_start3A_395 : memref<1x8x2x128xf32, #tpu.memory_space<hbm>> -> memref<8x2x128xf32, #tpu.memory_space<hbm>>
      %dma_start3A_397 = arith.constant 0 : i32
      %dma_start3A_398 = arith.constant 0 : i32
      %dma_start3A_399 = tpu.memref_slice %arg4[%add3A_384, %mul3A_386, %dma_start3A_397, %dma_start3A_398] : memref<600x128x2x128xf32, #tpu.memory_space<hbm>> -> memref<1x8x2x128xf32, #tpu.memory_space<hbm>>
      %dma_start3A_400 = tpu.memref_squeeze %dma_start3A_399 : memref<1x8x2x128xf32, #tpu.memory_space<hbm>> -> memref<8x2x128xf32, #tpu.memory_space<hbm>>
      %dma_start3A_401 = arith.constant 0 : i32
      %dma_start3A_402 = arith.constant 0 : i32
      %dma_start3A_403 = arith.constant 0 : i32
      %dma_start3A_404 = tpu.memref_slice %arg11[%dma_start3A_387, %dma_start3A_401, %dma_start3A_402, %dma_start3A_403] : memref<3x8x2x128xf32, #tpu.memory_space<vmem>> -> memref<1x8x2x128xf32, #tpu.memory_space<vmem>>
      %dma_start3A_405 = tpu.memref_squeeze %dma_start3A_404 : memref<1x8x2x128xf32, #tpu.memory_space<vmem>> -> memref<8x2x128xf32, #tpu.memory_space<vmem>>
      tpu.enqueue_dma source(%dma_start3A_405 : memref<8x2x128xf32, #tpu.memory_space<vmem>>) target(%dma_start3A_400 : memref<8x2x128xf32, #tpu.memory_space<hbm>>) target_semaphore(%arg17 : memref<!tpu.dma_semaphore, #tpu.memory_space<semaphore_mem>>)
    }
    %scan3A_48 = arith.constant 50 : i32
    %dma_wait3A_49 = arith.constant 0 : i32
    %dma_wait3A_50 = arith.constant 0 : i32
    %dma_wait3A_51 = arith.constant 0 : i32
    %dma_wait3A_52 = arith.constant 0 : i32
    %dma_wait3A_53 = arith.constant 0 : i32
    %dma_wait3A_54 = tpu.memref_slice %arg10[%dma_wait3A_50, %dma_wait3A_51, %dma_wait3A_52, %dma_wait3A_53] : memref<3x8x2x128xf32, #tpu.memory_space<vmem>> -> memref<1x8x2x128xf32, #tpu.memory_space<vmem>>
    %dma_wait3A_55 = tpu.memref_squeeze %dma_wait3A_54 : memref<1x8x2x128xf32, #tpu.memory_space<vmem>> -> memref<8x2x128xf32, #tpu.memory_space<vmem>>
    %dma_wait3A_56 = arith.constant 0 : i32
    %dma_wait3A_57 = arith.constant 0 : i32
    %dma_wait3A_58 = arith.constant 0 : i32
    %dma_wait3A_59 = tpu.memref_slice %arg4[%dma_wait3A_49, %dma_wait3A_56, %dma_wait3A_57, %dma_wait3A_58] : memref<600x128x2x128xf32, #tpu.memory_space<hbm>> -> memref<1x8x2x128xf32, #tpu.memory_space<hbm>>
    %dma_wait3A_60 = tpu.memref_squeeze %dma_wait3A_59 : memref<1x8x2x128xf32, #tpu.memory_space<hbm>> -> memref<8x2x128xf32, #tpu.memory_space<hbm>>
    %dma_wait3A_61 = arith.constant 0 : i32
    %dma_wait3A_62 = arith.constant 0 : i32
    %dma_wait3A_63 = arith.constant 0 : i32
    %dma_wait3A_64 = tpu.memref_slice %arg10[%dma_wait3A_50, %dma_wait3A_61, %dma_wait3A_62, %dma_wait3A_63] : memref<3x8x2x128xf32, #tpu.memory_space<vmem>> -> memref<1x8x2x128xf32, #tpu.memory_space<vmem>>
    %dma_wait3A_65 = tpu.memref_squeeze %dma_wait3A_64 : memref<1x8x2x128xf32, #tpu.memory_space<vmem>> -> memref<8x2x128xf32, #tpu.memory_space<vmem>>
    %dma_wait3A_66 = arith.constant 0 : i32
    %dma_wait3A_67 = arith.constant 0 : i32
    %dma_wait3A_68 = arith.constant 0 : i32
    %dma_wait3A_69 = tpu.memref_slice %arg4[%dma_wait3A_49, %dma_wait3A_66, %dma_wait3A_67, %dma_wait3A_68] : memref<600x128x2x128xf32, #tpu.memory_space<hbm>> -> memref<1x8x2x128xf32, #tpu.memory_space<hbm>>
    %dma_wait3A_70 = tpu.memref_squeeze %dma_wait3A_69 : memref<1x8x2x128xf32, #tpu.memory_space<hbm>> -> memref<8x2x128xf32, #tpu.memory_space<hbm>>
    tpu.wait_dma2 semaphore(%arg16 : memref<!tpu.dma_semaphore, #tpu.memory_space<semaphore_mem>>) src(%dma_wait3A_70 : memref<8x2x128xf32, #tpu.memory_space<hbm>>) dst(%dma_wait3A_65 : memref<8x2x128xf32, #tpu.memory_space<vmem>>)
    %dma_wait3A_71 = arith.constant 0 : i32
    %dma_wait3A_72 = arith.constant 1 : i32
    %dma_wait3A_73 = arith.constant 0 : i32
    %dma_wait3A_74 = arith.constant 0 : i32
    %dma_wait3A_75 = arith.constant 0 : i32
    %dma_wait3A_76 = tpu.memref_slice %arg10[%dma_wait3A_72, %dma_wait3A_73, %dma_wait3A_74, %dma_wait3A_75] : memref<3x8x2x128xf32, #tpu.memory_space<vmem>> -> memref<1x8x2x128xf32, #tpu.memory_space<vmem>>
    %dma_wait3A_77 = tpu.memref_squeeze %dma_wait3A_76 : memref<1x8x2x128xf32, #tpu.memory_space<vmem>> -> memref<8x2x128xf32, #tpu.memory_space<vmem>>
    %dma_wait3A_78 = arith.constant 0 : i32
    %dma_wait3A_79 = arith.constant 0 : i32
    %dma_wait3A_80 = arith.constant 0 : i32
    %dma_wait3A_81 = tpu.memref_slice %arg4[%dma_wait3A_71, %dma_wait3A_78, %dma_wait3A_79, %dma_wait3A_80] : memref<600x128x2x128xf32, #tpu.memory_space<hbm>> -> memref<1x8x2x128xf32, #tpu.memory_space<hbm>>
    %dma_wait3A_82 = tpu.memref_squeeze %dma_wait3A_81 : memref<1x8x2x128xf32, #tpu.memory_space<hbm>> -> memref<8x2x128xf32, #tpu.memory_space<hbm>>
    %dma_wait3A_83 = arith.constant 0 : i32
    %dma_wait3A_84 = arith.constant 0 : i32
    %dma_wait3A_85 = arith.constant 0 : i32
    %dma_wait3A_86 = tpu.memref_slice %arg10[%dma_wait3A_72, %dma_wait3A_83, %dma_wait3A_84, %dma_wait3A_85] : memref<3x8x2x128xf32, #tpu.memory_space<vmem>> -> memref<1x8x2x128xf32, #tpu.memory_space<vmem>>
    %dma_wait3A_87 = tpu.memref_squeeze %dma_wait3A_86 : memref<1x8x2x128xf32, #tpu.memory_space<vmem>> -> memref<8x2x128xf32, #tpu.memory_space<vmem>>
    %dma_wait3A_88 = arith.constant 0 : i32
    %dma_wait3A_89 = arith.constant 0 : i32
    %dma_wait3A_90 = arith.constant 0 : i32
    %dma_wait3A_91 = tpu.memref_slice %arg4[%dma_wait3A_71, %dma_wait3A_88, %dma_wait3A_89, %dma_wait3A_90] : memref<600x128x2x128xf32, #tpu.memory_space<hbm>> -> memref<1x8x2x128xf32, #tpu.memory_space<hbm>>
    %dma_wait3A_92 = tpu.memref_squeeze %dma_wait3A_91 : memref<1x8x2x128xf32, #tpu.memory_space<hbm>> -> memref<8x2x128xf32, #tpu.memory_space<hbm>>
    tpu.wait_dma2 semaphore(%arg16 : memref<!tpu.dma_semaphore, #tpu.memory_space<semaphore_mem>>) src(%dma_wait3A_92 : memref<8x2x128xf32, #tpu.memory_space<hbm>>) dst(%dma_wait3A_87 : memref<8x2x128xf32, #tpu.memory_space<vmem>>)
    %dma_wait3A_93 = arith.constant 0 : i32
    %dma_wait3A_94 = arith.constant 2 : i32
    %dma_wait3A_95 = arith.constant 0 : i32
    %dma_wait3A_96 = arith.constant 0 : i32
    %dma_wait3A_97 = arith.constant 0 : i32
    %dma_wait3A_98 = tpu.memref_slice %arg10[%dma_wait3A_94, %dma_wait3A_95, %dma_wait3A_96, %dma_wait3A_97] : memref<3x8x2x128xf32, #tpu.memory_space<vmem>> -> memref<1x8x2x128xf32, #tpu.memory_space<vmem>>
    %dma_wait3A_99 = tpu.memref_squeeze %dma_wait3A_98 : memref<1x8x2x128xf32, #tpu.memory_space<vmem>> -> memref<8x2x128xf32, #tpu.memory_space<vmem>>
    %dma_wait3A_100 = arith.constant 0 : i32
    %dma_wait3A_101 = arith.constant 0 : i32
    %dma_wait3A_102 = arith.constant 0 : i32
    %dma_wait3A_103 = tpu.memref_slice %arg4[%dma_wait3A_93, %dma_wait3A_100, %dma_wait3A_101, %dma_wait3A_102] : memref<600x128x2x128xf32, #tpu.memory_space<hbm>> -> memref<1x8x2x128xf32, #tpu.memory_space<hbm>>
    %dma_wait3A_104 = tpu.memref_squeeze %dma_wait3A_103 : memref<1x8x2x128xf32, #tpu.memory_space<hbm>> -> memref<8x2x128xf32, #tpu.memory_space<hbm>>
    %dma_wait3A_105 = arith.constant 0 : i32
    %dma_wait3A_106 = arith.constant 0 : i32
    %dma_wait3A_107 = arith.constant 0 : i32
    %dma_wait3A_108 = tpu.memref_slice %arg10[%dma_wait3A_94, %dma_wait3A_105, %dma_wait3A_106, %dma_wait3A_107] : memref<3x8x2x128xf32, #tpu.memory_space<vmem>> -> memref<1x8x2x128xf32, #tpu.memory_space<vmem>>
    %dma_wait3A_109 = tpu.memref_squeeze %dma_wait3A_108 : memref<1x8x2x128xf32, #tpu.memory_space<vmem>> -> memref<8x2x128xf32, #tpu.memory_space<vmem>>
    %dma_wait3A_110 = arith.constant 0 : i32
    %dma_wait3A_111 = arith.constant 0 : i32
    %dma_wait3A_112 = arith.constant 0 : i32
    %dma_wait3A_113 = tpu.memref_slice %arg4[%dma_wait3A_93, %dma_wait3A_110, %dma_wait3A_111, %dma_wait3A_112] : memref<600x128x2x128xf32, #tpu.memory_space<hbm>> -> memref<1x8x2x128xf32, #tpu.memory_space<hbm>>
    %dma_wait3A_114 = tpu.memref_squeeze %dma_wait3A_113 : memref<1x8x2x128xf32, #tpu.memory_space<hbm>> -> memref<8x2x128xf32, #tpu.memory_space<hbm>>
    tpu.wait_dma2 semaphore(%arg16 : memref<!tpu.dma_semaphore, #tpu.memory_space<semaphore_mem>>) src(%dma_wait3A_114 : memref<8x2x128xf32, #tpu.memory_space<hbm>>) dst(%dma_wait3A_109 : memref<8x2x128xf32, #tpu.memory_space<vmem>>)
    %dma_wait3A_115 = arith.constant 0 : i32
    %dma_wait3A_116 = arith.constant 0 : i32
    %dma_wait3A_117 = arith.constant 0 : i32
    %dma_wait3A_118 = arith.constant 0 : i32
    %dma_wait3A_119 = arith.constant 0 : i32
    %dma_wait3A_120 = tpu.memref_slice %arg11[%dma_wait3A_116, %dma_wait3A_117, %dma_wait3A_118, %dma_wait3A_119] : memref<3x8x2x128xf32, #tpu.memory_space<vmem>> -> memref<1x8x2x128xf32, #tpu.memory_space<vmem>>
    %dma_wait3A_121 = tpu.memref_squeeze %dma_wait3A_120 : memref<1x8x2x128xf32, #tpu.memory_space<vmem>> -> memref<8x2x128xf32, #tpu.memory_space<vmem>>
    %dma_wait3A_122 = arith.constant 0 : i32
    %dma_wait3A_123 = arith.constant 0 : i32
    %dma_wait3A_124 = arith.constant 0 : i32
    %dma_wait3A_125 = tpu.memref_slice %arg4[%dma_wait3A_115, %dma_wait3A_122, %dma_wait3A_123, %dma_wait3A_124] : memref<600x128x2x128xf32, #tpu.memory_space<hbm>> -> memref<1x8x2x128xf32, #tpu.memory_space<hbm>>
    %dma_wait3A_126 = tpu.memref_squeeze %dma_wait3A_125 : memref<1x8x2x128xf32, #tpu.memory_space<hbm>> -> memref<8x2x128xf32, #tpu.memory_space<hbm>>
    %dma_wait3A_127 = arith.constant 0 : i32
    %dma_wait3A_128 = arith.constant 0 : i32
    %dma_wait3A_129 = arith.constant 0 : i32
    %dma_wait3A_130 = tpu.memref_slice %arg11[%dma_wait3A_116, %dma_wait3A_127, %dma_wait3A_128, %dma_wait3A_129] : memref<3x8x2x128xf32, #tpu.memory_space<vmem>> -> memref<1x8x2x128xf32, #tpu.memory_space<vmem>>
    %dma_wait3A_131 = tpu.memref_squeeze %dma_wait3A_130 : memref<1x8x2x128xf32, #tpu.memory_space<vmem>> -> memref<8x2x128xf32, #tpu.memory_space<vmem>>
    %dma_wait3A_132 = arith.constant 0 : i32
    %dma_wait3A_133 = arith.constant 0 : i32
    %dma_wait3A_134 = arith.constant 0 : i32
    %dma_wait3A_135 = tpu.memref_slice %arg4[%dma_wait3A_115, %dma_wait3A_132, %dma_wait3A_133, %dma_wait3A_134] : memref<600x128x2x128xf32, #tpu.memory_space<hbm>> -> memref<1x8x2x128xf32, #tpu.memory_space<hbm>>
    %dma_wait3A_136 = tpu.memref_squeeze %dma_wait3A_135 : memref<1x8x2x128xf32, #tpu.memory_space<hbm>> -> memref<8x2x128xf32, #tpu.memory_space<hbm>>
    tpu.wait_dma2 semaphore(%arg17 : memref<!tpu.dma_semaphore, #tpu.memory_space<semaphore_mem>>) src(%dma_wait3A_136 : memref<8x2x128xf32, #tpu.memory_space<hbm>>) dst(%dma_wait3A_131 : memref<8x2x128xf32, #tpu.memory_space<vmem>>)
    %dma_wait3A_137 = arith.constant 0 : i32
    %dma_wait3A_138 = arith.constant 1 : i32
    %dma_wait3A_139 = arith.constant 0 : i32
    %dma_wait3A_140 = arith.constant 0 : i32
    %dma_wait3A_141 = arith.constant 0 : i32
    %dma_wait3A_142 = tpu.memref_slice %arg11[%dma_wait3A_138, %dma_wait3A_139, %dma_wait3A_140, %dma_wait3A_141] : memref<3x8x2x128xf32, #tpu.memory_space<vmem>> -> memref<1x8x2x128xf32, #tpu.memory_space<vmem>>
    %dma_wait3A_143 = tpu.memref_squeeze %dma_wait3A_142 : memref<1x8x2x128xf32, #tpu.memory_space<vmem>> -> memref<8x2x128xf32, #tpu.memory_space<vmem>>
    %dma_wait3A_144 = arith.constant 0 : i32
    %dma_wait3A_145 = arith.constant 0 : i32
    %dma_wait3A_146 = arith.constant 0 : i32
    %dma_wait3A_147 = tpu.memref_slice %arg4[%dma_wait3A_137, %dma_wait3A_144, %dma_wait3A_145, %dma_wait3A_146] : memref<600x128x2x128xf32, #tpu.memory_space<hbm>> -> memref<1x8x2x128xf32, #tpu.memory_space<hbm>>
    %dma_wait3A_148 = tpu.memref_squeeze %dma_wait3A_147 : memref<1x8x2x128xf32, #tpu.memory_space<hbm>> -> memref<8x2x128xf32, #tpu.memory_space<hbm>>
    %dma_wait3A_149 = arith.constant 0 : i32
    %dma_wait3A_150 = arith.constant 0 : i32
    %dma_wait3A_151 = arith.constant 0 : i32
    %dma_wait3A_152 = tpu.memref_slice %arg11[%dma_wait3A_138, %dma_wait3A_149, %dma_wait3A_150, %dma_wait3A_151] : memref<3x8x2x128xf32, #tpu.memory_space<vmem>> -> memref<1x8x2x128xf32, #tpu.memory_space<vmem>>
    %dma_wait3A_153 = tpu.memref_squeeze %dma_wait3A_152 : memref<1x8x2x128xf32, #tpu.memory_space<vmem>> -> memref<8x2x128xf32, #tpu.memory_space<vmem>>
    %dma_wait3A_154 = arith.constant 0 : i32
    %dma_wait3A_155 = arith.constant 0 : i32
    %dma_wait3A_156 = arith.constant 0 : i32
    %dma_wait3A_157 = tpu.memref_slice %arg4[%dma_wait3A_137, %dma_wait3A_154, %dma_wait3A_155, %dma_wait3A_156] : memref<600x128x2x128xf32, #tpu.memory_space<hbm>> -> memref<1x8x2x128xf32, #tpu.memory_space<hbm>>
    %dma_wait3A_158 = tpu.memref_squeeze %dma_wait3A_157 : memref<1x8x2x128xf32, #tpu.memory_space<hbm>> -> memref<8x2x128xf32, #tpu.memory_space<hbm>>
    tpu.wait_dma2 semaphore(%arg17 : memref<!tpu.dma_semaphore, #tpu.memory_space<semaphore_mem>>) src(%dma_wait3A_158 : memref<8x2x128xf32, #tpu.memory_space<hbm>>) dst(%dma_wait3A_153 : memref<8x2x128xf32, #tpu.memory_space<vmem>>)
    %dma_wait3A_159 = arith.constant 0 : i32
    %dma_wait3A_160 = arith.constant 2 : i32
    %dma_wait3A_161 = arith.constant 0 : i32
    %dma_wait3A_162 = arith.constant 0 : i32
    %dma_wait3A_163 = arith.constant 0 : i32
    %dma_wait3A_164 = tpu.memref_slice %arg11[%dma_wait3A_160, %dma_wait3A_161, %dma_wait3A_162, %dma_wait3A_163] : memref<3x8x2x128xf32, #tpu.memory_space<vmem>> -> memref<1x8x2x128xf32, #tpu.memory_space<vmem>>
    %dma_wait3A_165 = tpu.memref_squeeze %dma_wait3A_164 : memref<1x8x2x128xf32, #tpu.memory_space<vmem>> -> memref<8x2x128xf32, #tpu.memory_space<vmem>>
    %dma_wait3A_166 = arith.constant 0 : i32
    %dma_wait3A_167 = arith.constant 0 : i32
    %dma_wait3A_168 = arith.constant 0 : i32
    %dma_wait3A_169 = tpu.memref_slice %arg4[%dma_wait3A_159, %dma_wait3A_166, %dma_wait3A_167, %dma_wait3A_168] : memref<600x128x2x128xf32, #tpu.memory_space<hbm>> -> memref<1x8x2x128xf32, #tpu.memory_space<hbm>>
    %dma_wait3A_170 = tpu.memref_squeeze %dma_wait3A_169 : memref<1x8x2x128xf32, #tpu.memory_space<hbm>> -> memref<8x2x128xf32, #tpu.memory_space<hbm>>
    %dma_wait3A_171 = arith.constant 0 : i32
    %dma_wait3A_172 = arith.constant 0 : i32
    %dma_wait3A_173 = arith.constant 0 : i32
    %dma_wait3A_174 = tpu.memref_slice %arg11[%dma_wait3A_160, %dma_wait3A_171, %dma_wait3A_172, %dma_wait3A_173] : memref<3x8x2x128xf32, #tpu.memory_space<vmem>> -> memref<1x8x2x128xf32, #tpu.memory_space<vmem>>
    %dma_wait3A_175 = tpu.memref_squeeze %dma_wait3A_174 : memref<1x8x2x128xf32, #tpu.memory_space<vmem>> -> memref<8x2x128xf32, #tpu.memory_space<vmem>>
    %dma_wait3A_176 = arith.constant 0 : i32
    %dma_wait3A_177 = arith.constant 0 : i32
    %dma_wait3A_178 = arith.constant 0 : i32
    %dma_wait3A_179 = tpu.memref_slice %arg4[%dma_wait3A_159, %dma_wait3A_176, %dma_wait3A_177, %dma_wait3A_178] : memref<600x128x2x128xf32, #tpu.memory_space<hbm>> -> memref<1x8x2x128xf32, #tpu.memory_space<hbm>>
    %dma_wait3A_180 = tpu.memref_squeeze %dma_wait3A_179 : memref<1x8x2x128xf32, #tpu.memory_space<hbm>> -> memref<8x2x128xf32, #tpu.memory_space<hbm>>
    tpu.wait_dma2 semaphore(%arg17 : memref<!tpu.dma_semaphore, #tpu.memory_space<semaphore_mem>>) src(%dma_wait3A_180 : memref<8x2x128xf32, #tpu.memory_space<hbm>>) dst(%dma_wait3A_175 : memref<8x2x128xf32, #tpu.memory_space<vmem>>)
    return
  }
}

module attributes {stable_mosaic.version = 14 : i64} {
  func.func @_prep_body(%arg0: memref<1176x128xf32, #tpu.memory_space<vmem>>, %arg1: memref<1176x128xf32, #tpu.memory_space<vmem>>, %arg2: memref<1176x128xf32, #tpu.memory_space<vmem>>, %arg3: memref<8x1176x128xi32, #tpu.memory_space<vmem>>) attributes {dimension_semantics = [], scalar_prefetch = 0 : i64, scratch_operands = 0 : i64, tpu.core_type = #tpu.core_type<tc>} {
    %get3A = arith.constant 0 : index
    %get3A_0 = arith.constant 0 : index
    %get3A_1 = vector.load %arg0[%get3A, %get3A_0] : memref<1176x128xf32, #tpu.memory_space<vmem>>, vector<1176x128xf32>
    %get3A_2 = arith.constant 0 : index
    %get3A_3 = arith.constant 0 : index
    %get3A_4 = vector.load %arg1[%get3A_2, %get3A_3] : memref<1176x128xf32, #tpu.memory_space<vmem>>, vector<1176x128xf32>
    %get3A_5 = arith.constant 0 : index
    %get3A_6 = arith.constant 0 : index
    %get3A_7 = vector.load %arg2[%get3A_5, %get3A_6] : memref<1176x128xf32, #tpu.memory_space<vmem>>, vector<1176x128xf32>
    %mul3A = arith.mulf %get3A_1, %get3A_1 : vector<1176x128xf32>
    %mul3A_8 = arith.mulf %get3A_4, %get3A_4 : vector<1176x128xf32>
    %add3A = arith.addf %mul3A, %mul3A_8 : vector<1176x128xf32>
    %mul3A_9 = arith.mulf %get3A_7, %get3A_7 : vector<1176x128xf32>
    %add3A_10 = arith.addf %add3A, %mul3A_9 : vector<1176x128xf32>
    %sqrt3A = math.sqrt %add3A_10 : vector<1176x128xf32>
    %gt3A = arith.constant 1.750000e-01 : f32
    %gt3A_11 = vector.broadcast %gt3A : f32 to vector<1176x128xf32>
    %gt3A_12 = arith.cmpf ogt, %sqrt3A, %gt3A_11 : vector<1176x128xf32>
    %max3A = arith.constant 1.000000e-07 : f32
    %max3A_13 = vector.broadcast %max3A : f32 to vector<1176x128xf32>
    %max3A_14 = arith.maximumf %sqrt3A, %max3A_13 : vector<1176x128xf32>
    %div3A = arith.constant 1.750000e-01 : f32
    %div3A_15 = vector.broadcast %div3A : f32 to vector<1176x128xf32>
    %div3A_16 = arith.divf %div3A_15, %max3A_14 : vector<1176x128xf32>
    %jit3A = arith.constant 1.000000e+00 : f32
    %broadcast_in_dim3A = vector.broadcast %jit3A : f32 to vector<1176x128xf32>
    %select_n3A = arith.select %gt3A_12, %div3A_16, %broadcast_in_dim3A : vector<1176x128xi1>, vector<1176x128xf32>
    %mul3A_17 = arith.mulf %get3A_1, %select_n3A : vector<1176x128xf32>
    %mul3A_18 = arith.mulf %get3A_4, %select_n3A : vector<1176x128xf32>
    %mul3A_19 = arith.mulf %get3A_7, %select_n3A : vector<1176x128xf32>
    %neg3A = arith.constant 0.000000e+00 : f32
    %neg3A_20 = vector.broadcast %neg3A : f32 to vector<1176x128xf32>
    %neg3A_21 = arith.subf %neg3A_20, %mul3A_19 : vector<1176x128xf32>
    %convert_element_type3A = arith.truncf %neg3A_21 : vector<1176x128xf32> to vector<1176x128xbf16>
    %bitcast_convert_type3A = tpu.bitcast %convert_element_type3A : vector<1176x128xbf16> -> vector<1176x128xi16>
    %convert_element_type3A_22 = arith.extui %bitcast_convert_type3A : vector<1176x128xi16> to vector<1176x128xi32>
    %convert_element_type3A_23 = arith.truncf %mul3A_18 : vector<1176x128xf32> to vector<1176x128xbf16>
    %bitcast_convert_type3A_24 = tpu.bitcast %convert_element_type3A_23 : vector<1176x128xbf16> -> vector<1176x128xi16>
    %convert_element_type3A_25 = arith.extui %bitcast_convert_type3A_24 : vector<1176x128xi16> to vector<1176x128xi32>
    %shift_left3A = arith.constant 16 : i32
    %shift_left3A_26 = vector.broadcast %shift_left3A : i32 to vector<1176x128xi32>
    %shift_left3A_27 = arith.shli %convert_element_type3A_25, %shift_left3A_26 : vector<1176x128xi32>
    %or3A = arith.ori %convert_element_type3A_22, %shift_left3A_27 : vector<1176x128xi32>
    %swap3A = arith.constant 0 : index
    %swap3A_28 = arith.constant 0 : index
    %swap3A_29 = arith.constant 0 : index
    %swap3A_30 = vector.load %arg3[%swap3A, %swap3A_28, %swap3A_29] : memref<8x1176x128xi32, #tpu.memory_space<vmem>>, vector<1x1176x128xi32>
    %swap3A_31 = vector.shape_cast %swap3A_30 : vector<1x1176x128xi32> to vector<1176x128xi32>
    %swap3A_32 = vector.shape_cast %or3A : vector<1176x128xi32> to vector<1x1176x128xi32>
    tpu.vector_store %arg3[%swap3A, %swap3A_28, %swap3A_29], %swap3A_32 {strides = array<i32>} : memref<8x1176x128xi32, #tpu.memory_space<vmem>>, vector<1x1176x128xi32>,
    %neg3A_33 = arith.constant 0.000000e+00 : f32
    %neg3A_34 = vector.broadcast %neg3A_33 : f32 to vector<1176x128xf32>
    %neg3A_35 = arith.subf %neg3A_34, %mul3A_17 : vector<1176x128xf32>
    %convert_element_type3A_36 = arith.truncf %mul3A_19 : vector<1176x128xf32> to vector<1176x128xbf16>
    %bitcast_convert_type3A_37 = tpu.bitcast %convert_element_type3A_36 : vector<1176x128xbf16> -> vector<1176x128xi16>
    %convert_element_type3A_38 = arith.extui %bitcast_convert_type3A_37 : vector<1176x128xi16> to vector<1176x128xi32>
    %convert_element_type3A_39 = arith.truncf %neg3A_35 : vector<1176x128xf32> to vector<1176x128xbf16>
    %bitcast_convert_type3A_40 = tpu.bitcast %convert_element_type3A_39 : vector<1176x128xbf16> -> vector<1176x128xi16>
    %convert_element_type3A_41 = arith.extui %bitcast_convert_type3A_40 : vector<1176x128xi16> to vector<1176x128xi32>
    %shift_left3A_42 = arith.constant 16 : i32
    %shift_left3A_43 = vector.broadcast %shift_left3A_42 : i32 to vector<1176x128xi32>
    %shift_left3A_44 = arith.shli %convert_element_type3A_41, %shift_left3A_43 : vector<1176x128xi32>
    %or3A_45 = arith.ori %convert_element_type3A_38, %shift_left3A_44 : vector<1176x128xi32>
    %swap3A_46 = arith.constant 1 : index
    %swap3A_47 = arith.constant 0 : index
    %swap3A_48 = arith.constant 0 : index
    %swap3A_49 = vector.load %arg3[%swap3A_46, %swap3A_47, %swap3A_48] : memref<8x1176x128xi32, #tpu.memory_space<vmem>>, vector<1x1176x128xi32>
    %swap3A_50 = vector.shape_cast %swap3A_49 : vector<1x1176x128xi32> to vector<1176x128xi32>
    %swap3A_51 = vector.shape_cast %or3A_45 : vector<1176x128xi32> to vector<1x1176x128xi32>
    tpu.vector_store %arg3[%swap3A_46, %swap3A_47, %swap3A_48], %swap3A_51 {strides = array<i32>} : memref<8x1176x128xi32, #tpu.memory_space<vmem>>, vector<1x1176x128xi32>,
    %neg3A_52 = arith.constant 0.000000e+00 : f32
    %neg3A_53 = vector.broadcast %neg3A_52 : f32 to vector<1176x128xf32>
    %neg3A_54 = arith.subf %neg3A_53, %mul3A_18 : vector<1176x128xf32>
    %convert_element_type3A_55 = arith.truncf %neg3A_54 : vector<1176x128xf32> to vector<1176x128xbf16>
    %bitcast_convert_type3A_56 = tpu.bitcast %convert_element_type3A_55 : vector<1176x128xbf16> -> vector<1176x128xi16>
    %convert_element_type3A_57 = arith.extui %bitcast_convert_type3A_56 : vector<1176x128xi16> to vector<1176x128xi32>
    %convert_element_type3A_58 = arith.truncf %mul3A_17 : vector<1176x128xf32> to vector<1176x128xbf16>
    %bitcast_convert_type3A_59 = tpu.bitcast %convert_element_type3A_58 : vector<1176x128xbf16> -> vector<1176x128xi16>
    %convert_element_type3A_60 = arith.extui %bitcast_convert_type3A_59 : vector<1176x128xi16> to vector<1176x128xi32>
    %shift_left3A_61 = arith.constant 16 : i32
    %shift_left3A_62 = vector.broadcast %shift_left3A_61 : i32 to vector<1176x128xi32>
    %shift_left3A_63 = arith.shli %convert_element_type3A_60, %shift_left3A_62 : vector<1176x128xi32>
    %or3A_64 = arith.ori %convert_element_type3A_57, %shift_left3A_63 : vector<1176x128xi32>
    %swap3A_65 = arith.constant 2 : index
    %swap3A_66 = arith.constant 0 : index
    %swap3A_67 = arith.constant 0 : index
    %swap3A_68 = vector.load %arg3[%swap3A_65, %swap3A_66, %swap3A_67] : memref<8x1176x128xi32, #tpu.memory_space<vmem>>, vector<1x1176x128xi32>
    %swap3A_69 = vector.shape_cast %swap3A_68 : vector<1x1176x128xi32> to vector<1176x128xi32>
    %swap3A_70 = vector.shape_cast %or3A_64 : vector<1176x128xi32> to vector<1x1176x128xi32>
    tpu.vector_store %arg3[%swap3A_65, %swap3A_66, %swap3A_67], %swap3A_70 {strides = array<i32>} : memref<8x1176x128xi32, #tpu.memory_space<vmem>>, vector<1x1176x128xi32>,
    %broadcast_in_dim3A_71 = arith.constant 0 : i32
    %broadcast_in_dim3A_72 = vector.broadcast %broadcast_in_dim3A_71 : i32 to vector<1176x128xi32>
    %swap3A_73 = arith.constant 3 : index
    %swap3A_74 = arith.constant 0 : index
    %swap3A_75 = arith.constant 0 : index
    %swap3A_76 = vector.load %arg3[%swap3A_73, %swap3A_74, %swap3A_75] : memref<8x1176x128xi32, #tpu.memory_space<vmem>>, vector<1x1176x128xi32>
    %swap3A_77 = vector.shape_cast %swap3A_76 : vector<1x1176x128xi32> to vector<1176x128xi32>
    %swap3A_78 = vector.shape_cast %broadcast_in_dim3A_72 : vector<1176x128xi32> to vector<1x1176x128xi32>
    tpu.vector_store %arg3[%swap3A_73, %swap3A_74, %swap3A_75], %swap3A_78 {strides = array<i32>} : memref<8x1176x128xi32, #tpu.memory_space<vmem>>, vector<1x1176x128xi32>,
    %swap3A_79 = arith.constant 4 : index
    %swap3A_80 = arith.constant 0 : index
    %swap3A_81 = arith.constant 0 : index
    %swap3A_82 = vector.load %arg3[%swap3A_79, %swap3A_80, %swap3A_81] : memref<8x1176x128xi32, #tpu.memory_space<vmem>>, vector<1x1176x128xi32>
    %swap3A_83 = vector.shape_cast %swap3A_82 : vector<1x1176x128xi32> to vector<1176x128xi32>
    %swap3A_84 = vector.shape_cast %broadcast_in_dim3A_72 : vector<1176x128xi32> to vector<1x1176x128xi32>
    tpu.vector_store %arg3[%swap3A_79, %swap3A_80, %swap3A_81], %swap3A_84 {strides = array<i32>} : memref<8x1176x128xi32, #tpu.memory_space<vmem>>, vector<1x1176x128xi32>,
    %swap3A_85 = arith.constant 5 : index
    %swap3A_86 = arith.constant 0 : index
    %swap3A_87 = arith.constant 0 : index
    %swap3A_88 = vector.load %arg3[%swap3A_85, %swap3A_86, %swap3A_87] : memref<8x1176x128xi32, #tpu.memory_space<vmem>>, vector<1x1176x128xi32>
    %swap3A_89 = vector.shape_cast %swap3A_88 : vector<1x1176x128xi32> to vector<1176x128xi32>
    %swap3A_90 = vector.shape_cast %broadcast_in_dim3A_72 : vector<1176x128xi32> to vector<1x1176x128xi32>
    tpu.vector_store %arg3[%swap3A_85, %swap3A_86, %swap3A_87], %swap3A_90 {strides = array<i32>} : memref<8x1176x128xi32, #tpu.memory_space<vmem>>, vector<1x1176x128xi32>,
    %swap3A_91 = arith.constant 6 : index
    %swap3A_92 = arith.constant 0 : index
    %swap3A_93 = arith.constant 0 : index
    %swap3A_94 = vector.load %arg3[%swap3A_91, %swap3A_92, %swap3A_93] : memref<8x1176x128xi32, #tpu.memory_space<vmem>>, vector<1x1176x128xi32>
    %swap3A_95 = vector.shape_cast %swap3A_94 : vector<1x1176x128xi32> to vector<1176x128xi32>
    %swap3A_96 = vector.shape_cast %broadcast_in_dim3A_72 : vector<1176x128xi32> to vector<1x1176x128xi32>
    tpu.vector_store %arg3[%swap3A_91, %swap3A_92, %swap3A_93], %swap3A_96 {strides = array<i32>} : memref<8x1176x128xi32, #tpu.memory_space<vmem>>, vector<1x1176x128xi32>,
    %swap3A_97 = arith.constant 7 : index
    %swap3A_98 = arith.constant 0 : index
    %swap3A_99 = arith.constant 0 : index
    %swap3A_100 = vector.load %arg3[%swap3A_97, %swap3A_98, %swap3A_99] : memref<8x1176x128xi32, #tpu.memory_space<vmem>>, vector<1x1176x128xi32>
    %swap3A_101 = vector.shape_cast %swap3A_100 : vector<1x1176x128xi32> to vector<1176x128xi32>
    %swap3A_102 = vector.shape_cast %broadcast_in_dim3A_72 : vector<1176x128xi32> to vector<1x1176x128xi32>
    tpu.vector_store %arg3[%swap3A_97, %swap3A_98, %swap3A_99], %swap3A_102 {strides = array<i32>} : memref<8x1176x128xi32, #tpu.memory_space<vmem>>, vector<1x1176x128xi32>,
    return
  }
}

</mosaic_0001>

<sc_bundles>
// kernel: kernel.4.cloned.1.call-start
scs
__scs_entry_jumppad:
0x0: {  	(pc) =	sbr.rel $0x88, $3  }
0x1: {  	(tag) =	ssettag $0x0;
	lr =	simm.s32 $0x1  }
0x2: {  	[smem:$0x3F9F] =	sst lr;
	_ =	strace $0xD0000000  }
0x3: {  	_ = 	snop  }
0x4: {  	_ = 	snop  }
0x5: {  	_ = 	snop  }
0x6: {  	_ = 	snop  }
0x7: {  	_ = 	snop  }
__scs_overlays_trampoline_lowered:
0x8: {  	[smem:$0x3FAE] =	sst s0  }
0x9: {  	[smem:$0x3FAF] =	sst s1  }
0xa: {  	[smem:$0x3FB0] =	sst s2  }
0xb: {  	[smem:$0x3FB1] =	sst s3  }
0xc: {  	[smem:$0x3FB2] =	sst s4  }
0xd: {  	[smem:$0x3FB3] =	sst s5  }
0xe: {  	[smem:$0x3FB4] =	sst s6  }
0xf: {  	[smem:$0x3FB5] =	sst s7  }
0x10: {  	[smem:$0x3FB6] =	sst s8  }
0x11: {  	[smem:$0x3FB7] =	sst s9;
	s0 =	simm.s32 @!p0 $0x0  }
0x12: {  	s1 =	sld [smem:$0x3F9D];
	s0 =	simm.s32 @p0 $0x1  }
0x13: {  	[smem:$0x3FB8] =	sst s0;
	s0 =	simm.s32 @!p1 $0x0  }
0x14: {  	s2 =	sld [smem:$0x3F9C];
	s0 =	simm.s32 @p1 $0x1  }
0x15: {  	[smem:$0x3FB9] =	sst s0;
	s0 =	simm.s32 @!p2 $0x0  }
0x16: {  	s3 =	sld [smem:$0x3FDB];
	s0 =	simm.s32 @p2 $0x1  }
0x17: {  	s4 =	simm.s32 $0x1BF5;
	[smem:$0x3FBB] =	sst s0  }
0x18: {  	s0 =	sld [smem:$0x3F9E];
	_ =	swait.ge [sflag:s4], $0x0  }
0x19: {  	s7 =	sld [smem:$0x3F9F]  }
0x1a: {  	s8 =	sadd.s32 $0xFFFFE003, lr  }
0x1b: {  	s9 =	sadd.s32 $0xFFFFFEF7, lr;
	s5 =	simm.s32 $0xFFFFFFFF;
	p2 =	slt.u32 s8, $0xFFFFF086  }
0x1c: {  	p1 =	slt.u32 s9, $0xF7A;
	s5 =	simm.s32 @!p2 $0x0  }
0x1d: {  	s5 =	simm.s32 @p1 $0x1;
	p0 =	seq.s32 s7, s2  }
0x1e: {  	s7 =	smul.u32 @!p0 $0xF7A, s2;
	p2 =	seq.s32 @!p0 s5, $0x0  }
0x1f: {  	s9 =	smul.u32 $0xF7A, s1;
	s8 =	simm.s32 @!p0 $0x1BF5;
	p2 =	por !p2, p0  }
0x20: {  	[sflag:s8] =	ssyncset.s32 @!p0 $0xFFFFF086;
	s6 =	sadd.s32 @!p0 s3, s7;
	s7 =	simm.s32 @!p0 $0x108  }
0x21: {  	s3 =	sadd.s32 s3, s9;
	s6 =	sadd.s32 @!p0 $0x88, s6;
	s7 =	simm.s32 @p2 $0x1082  }
0x22: {  	[simem:s7], [sflag:s8] =	dma.local @!p0 [hbm:s6], $0xF7A  }
0x23: {  	s9 =	sor.u32 $0xD0000000, s2;
	s6 =	simm.s32 $0x108;
	_ =	swait.ge @!p0 [sflag:s8], $0x0  }
0x24: {  	s3 =	sadd.s32 $0x88, s3;
	s6 =	simm.s32 @!p1 $0x1082;
	[sflag:s4] =	ssyncset.s32 $0xFFFFF086  }
0x25: {  	[simem:s6], [sflag:s4] =	dma.local [hbm:s3], $0xF7A  }
0x26: {  	[smem:$0x3F9F] =	sst s1;
	(tag) =	ssettag s2;
	_ =	strace s9  }
0x27: {  	s1 =	sld [smem:$0x3FAF]  }
0x28: {  	s2 =	sld [smem:$0x3FB0]  }
0x29: {  	s4 =	sld [smem:$0x3FB2]  }
0x2a: {  	p0 =	seq.s32 s5, $0x0;
	s5 =	sld [smem:$0x3FB3]  }
0x2b: {  	s6 =	sld [smem:$0x3FB4]  }
0x2c: {  	s7 =	sld [smem:$0x3FB5]  }
0x2d: {  	s3 =	simm.s32 $0x108;
	s8 =	sld [smem:$0x3FB6]  }
0x2e: {  	s3 =	simm.s32 @!p0 $0x1082;
	s9 =	sld [smem:$0x3FB7]  }
0x2f: {  	lr =	sadd.s32 s0, s3;
	s0 =	sld [smem:$0x3FAE]  }
0x30: {  	s3 =	sld [smem:$0x3FB1]  }
0x31: {  	[smem:$0x3FBA] =	sst s10  }
0x32: {  	s10 =	sld [smem:$0x3FB8];
	_ =	sdelay $0x3  }
0x33: {  	p0 =	seq.s32 s10, $0x1;
	s10 =	sld [smem:$0x3FBA];
	_ =	sdelay $0x3  }
0x34: {  	[smem:$0x3FBA] =	sst s10  }
0x35: {  	s10 =	sld [smem:$0x3FB9];
	_ =	sdelay $0x3  }
0x36: {  	p1 =	seq.s32 s10, $0x1;
	s10 =	sld [smem:$0x3FBA];
	_ =	sdelay $0x3  }
0x37: {  	[smem:$0x3FBA] =	sst s10  }
0x38: {  	s10 =	sld [smem:$0x3FBB]  }
0x39: {  	_ = 	snop;
	(pc) =	sbr.ind lr, $3  }
0x3a: {  	_ = 	snop  }
0x3b: {  	_ = 	snop  }
0x3c: {  	p2 =	seq.s32 s10, $0x1;
	s10 =	sld [smem:$0x3FBA]  }
0x3d: {  	_ =	shalt  }
0x3e: {  	_ =	shalt  }
0x3f: {  	_ =	shalt  }
0x40: {  	_ =	shalt  }
0x41: {  	_ =	shalt  }
0x42: {  	_ =	shalt  }
0x43: {  	_ =	shalt  }
0x44: {  	_ =	shalt  }
0x45: {  	_ =	shalt  }
0x46: {  	_ =	shalt  }
0x47: {  	_ =	shalt  }
0x48: {  	_ =	shalt  }
0x49: {  	_ =	shalt  }
0x4a: {  	_ =	shalt  }
0x4b: {  	_ =	shalt  }
0x4c: {  	_ =	shalt  }
0x4d: {  	_ =	shalt  }
0x4e: {  	_ =	shalt  }
0x4f: {  	_ =	shalt  }
0x50: {  	_ =	shalt  }
0x51: {  	_ =	shalt  }
0x52: {  	_ =	shalt  }
0x53: {  	_ =	shalt  }
0x54: {  	_ =	shalt  }
0x55: {  	_ =	shalt  }
0x56: {  	_ =	shalt  }
0x57: {  	_ =	shalt  }
0x58: {  	_ =	shalt  }
0x59: {  	_ =	shalt  }
0x5a: {  	_ =	shalt  }
0x5b: {  	_ =	shalt  }
0x5c: {  	_ =	shalt  }
0x5d: {  	_ =	shalt  }
0x5e: {  	_ =	shalt  }
0x5f: {  	_ =	shalt  }
0x60: {  	_ =	shalt  }
0x61: {  	_ =	shalt  }
0x62: {  	_ =	shalt  }
0x63: {  	_ =	shalt  }
0x64: {  	_ =	shalt  }
0x65: {  	_ =	shalt  }
0x66: {  	_ =	shalt  }
0x67: {  	_ =	shalt  }
0x68: {  	_ =	shalt  }
0x69: {  	_ =	shalt  }
0x6a: {  	_ =	shalt  }
0x6b: {  	_ =	shalt  }
0x6c: {  	_ =	shalt  }
0x6d: {  	_ =	shalt  }
0x6e: {  	_ =	shalt  }
0x6f: {  	_ =	shalt  }
0x70: {  	_ =	shalt  }
0x71: {  	_ =	shalt  }
0x72: {  	_ =	shalt  }
0x73: {  	_ =	shalt  }
0x74: {  	_ =	shalt  }
0x75: {  	_ =	shalt  }
0x76: {  	_ =	shalt  }
0x77: {  	_ =	shalt  }
0x78: {  	_ =	shalt  }
0x79: {  	_ =	shalt  }
0x7a: {  	_ =	shalt  }
0x7b: {  	_ =	shalt  }
0x7c: {  	_ =	shalt  }
0x7d: {  	_ =	shalt  }
0x7e: {  	_ =	shalt  }
0x7f: {  	_ =	shalt  }
0x80: {  	_ =	shalt  }
0x81: {  	_ =	shalt  }
0x82: {  	_ =	shalt  }
0x83: {  	_ =	shalt  }
0x84: {  	_ =	shalt  }
0x85: {  	_ =	shalt  }
0x86: {  	_ =	shalt  }
0x87: {  	_ =	shalt  }
.Lfunc_end0:
.L_simem_size_0:
called_computation_lowered:
.L_overlay_start_0:
0x88: {  	s2 =	sld [smem:$0x3FD9]  }
0x89: {  	s3 =	sld [smem:$0x3FFE];
	_ =	sdelay $0x1  }
0x8a: {  	s1 =	srdreg.scid  }
0x8b: {  	s0 =	sand.u32 $0x1, s1  }
0x8c: {  	s17 =	sshll.u32 s0, $0xA;
	s2 =	sadd.s32 s3, s2  }
0x8d: {  	s2 =	sadd.s32 s2, s17  }
0x8e: {  	[smem:$0x3FC6] =	sst s2  }
0x8f: {  	_ = 	snop  }
0x90: {  	s2 =	sld [smem:$0x3FD0];
	(tm) =	ssettm $0x1  }
0x91: {  	s18 =	sld [smem:$0x3FFB];
	_ =	sdelay $0x3  }
0x92: {  	_ =	strace s18  }
0x93: {  	s3 =	sld [smem:$0x3FFC];
	_ =	sdelay $0x3  }
0x94: {  	_ =	strace s3  }
0x95: {  	s3 =	sld [smem:$0x3FFD];
	_ =	sdelay $0x3  }
0x96: {  	_ =	strace s3  }
0x97: {  	_ =	strace $0x8FFFFFFF  }
0x98: {  	s19 =	sld [smem:$0x3FDB];
	_ =	sdelay $0x1  }
0x99: {  	s4 =	simm.s32 $_scs_section_size  }
0x9a: {  	s5 =	simm.s32 $_size__tile_overlayer_lowered;
	s6 =	simm.s32 $_tile_overlayer_lowered  }
0x9b: {  	s22 =	simm.s32 $0x1BFF;
	s21 =	sshll.u32 s6, $0x1;
	s3 =	sadd.s32 s4, s19  }
0x9c: {  	s7 =	simm.s32 $0x0;
	s20 =	sshll.u32 s5, $0x1;
	s5 =	sadd.s32 s21, s3  }
0x9d: {  	[timem:s7], [sflag:s22] =	dma.local [hbm:s5], s20  }
0x9e: {  	_ =	swait.ge [sflag:s22], s20  }
0x9f: {  	s4 =	ssub.s32 $0x0, s20;
	[sflag:s22] =	ssyncset.done $0x0  }
0xa0: {  	[sflag:s22] =	ssyncadd.s32 s4;
	_ =	sdelay $0x1  }
0xa1: {  	s23 =	simm.s32 $0x1B8B  }
0xa2: {  	_ =	swait.ge [sflag:s23], $0x1  }
0xa3: {  	[sflag:s23] =	ssyncset.done $0x0  }
0xa4: {  	s25 =	simm.s32 $0x1B8E;
	s24 =	sld [smem:$0x3FFE];
	[sflag:s23] =	ssyncadd.s32 $0xFFFFFFFF  }
0xa5: {  	s26 =	simm.s32 $execute0_lowered;
	[smem:$0x3FD2] =	sst s25  }
0xa6: {  	s5 =	sshll.u32 s26, $0x1;
	_ =	strace $0x80000046;
	[dreg:$0x1] =	wrdreg $0xFFFFFFFF  }
0xa7: {  	s28 =	simm.s32 $_size_execute0_lowered;
	s3 =	sadd.s32 s3, s5;
	[dreg:$0x0] =	wrdreg $0x0  }
0xa8: {  	s5 =	sshll.u32 s28, $0x1;
	[dreg:$0x2] =	wrdreg s3  }
0xa9: {  	[dreg:$0x3] =	wrdreg s5  }
0xaa: {  	[dreg:$0x4] =	wrdreg $0xC0  }
0xab: {  	_ =	task [dreg:s7], $0x5FFFF  }
0xac: {  	[dreg:$0x1] =	wrdreg $0xFFFFFFFF  }
0xad: {  	[dreg:$0x0] =	wrdreg $0x60  }
0xae: {  	[dreg:$0x2] =	wrdreg s24  }
0xaf: {  	[dreg:$0x3] =	wrdreg s2  }
0xb0: {  	[dreg:$0x4] =	wrdreg $0x0  }
0xb1: {  	[dreg:$0x5] =	wrdreg $0x9  }
0xb2: {  	_ =	task.clear_ibuf [dreg:s7], $0x6FFFF;
	_ =	strace $0x90000046  }
0xb3: {  	s29 =	simm.s32 $0x9;
	_ =	strace $0x80000048  }
0xb4: {  	_ =	swait.ge [sflag:s29], $0x1  }
0xb5: {  	[sflag:s29] =	ssyncadd.s32 $0xFFFFFFFF  }
0xb6: {  	_ =	strace $0x90000048  }
0xb7: {  	_ =	sfence  }
0xb8: {  	s30 =	sld [smem:$0x0];
	_ =	sdelay $0x2  }
0xb9: {  	s31 =	sshll.u32 s1, $0xD;
	s1 =	sshrl.u32 s1, $0x2  }
0xba: {  	s3 =	sand.u32 $0x4000, s31;
	s1 =	sadd.s32 s1, s30  }
0xbb: {  	s0 =	sor.u32 s3, s0;
	s1 =	sshll.u32 s1, $0x11  }
0xbc: {  	s0 =	sor.u32 s1, s0  }
0xbd: {  	s0 =	sadd.s32 $0x8F2B, s0  }
0xbe: {  	[sflag:s0] =	ssyncadd.remote.s32 $0x1  }
0xbf: {  	_ =	sfence.sel $0xFFFF  }
0xc0: {  	[dreg:$0x0] =	wrdreg $0xFFFFFFFF;
	(pc) =	sbr.abs _section_cstart, $3  }
0xc1: {  	[dreg:$0x1] =	wrdreg $0xFFFFFFFF  }
0xc2: {  	_ =	task.clear_ibuf [dreg:s7], $0x2FFFF;
	_ =	strace $0x9FFFFFFF  }
0xc3: {  	(tm) =	ssettm $0x7FFFFFFF  }
tec
execute0_lowered:
.L_overlay_start_1:
0x0: {  	(tag) =	ssettag $0x1  }
0x1: {  	s0 =	rddreg [dreg:$0x0]  }
0x2: {  	s2 =	rddreg [dreg:$0x1]  }
0x3: {  	s3 =	rddreg [dreg:$0x2];
	s12 =	stileid.u32  }
0x4: {  	s5 =	srdreg.scid;
	s4 =	simm.s32 $0x0;
	s17 =	simm.s32 $0x1  }
0x5: {  	s18 =	simm.s32 $0x400;
	s28 =	simm.s32 $0x4;
	s29 =	simm.s32 $0x6  }
0x6: {  	s30 =	simm.s32 $0x18600;
	s31 =	simm.s32 $0x18E00;
	s1 =	smul.u32 $0x12600, s12  }
0x7: {  	s6 =	sand.u32 $0x1, s5;
	s19 =	sshll.u32 s12, $0x1;
	[smem:$0x7FF] =	sst s4  }
0x8: {  	s5 =	sadd.s32 $0x600, s0;
	s23 =	sshll.u32 s12, $0x6;
	s8 =	sor.u32 s6, s19  }
0x9: {  	_ =	strace $0x80000047;
	s20 =	ssub.s32 $0x2, s6;
	s24 =	sor.u32 $0x1C07, s23  }
0xa: {  	s19 =	simm.s32 $0x12E00;
	s23 =	simm.s32 $0x3;
	s7 =	sshrl.u32 s1, $0x3  }
0xb: {  	s9 =	smul.u32 $0x19000, s8;
	s21 =	sshll.u32 s8, $0xC;
	s10 =	sshrl.u32 s20, $0x1  }
0xc: {  	s6 =	smul.u32 $0x64, s8;
	s1 =	sadd.s32 s1, s3;
	[dreg:$0x5] =	wrdreg s24  }
0xd: {  	s24 =	simm.s32 $0x16E00;
	s7 =	sadd.s32 s7, s0;
	s11 =	sand.u32 $0x3000, s21  }
0xe: {  	s0 =	ssub.s32 s20, s10;
	s26 =	sshrl.u32 s1, $0x3;
	s20 =	simm.s32 $0x12A00  }
0xf: {  	s21 =	simm.s32 $0x2;
	s1 =	simm.s32 $0x5;
	s9 =	sand.u32 $0x3FC000, s9  }
0x10: {  	s7 =	sadd.s32 $0x64600, s7;
	s12 =	sor.u32 $0x3, s6;
	s0 =	smax.u32 s0, $0x1  }
0x11: {  	[dreg:$0x9] =	wrdreg s26;
	s26 =	simm.s32 $0x17E00;
	s22 =	sor.u32 s11, s9  }
0x12: {  	[dreg:$0x4] =	wrdreg s7;
	s11 =	sor.u32 $0x2, s6;
	s8 =	sshrl.u32 s22, $0x3  }
0x13: {  	[dreg:$0x8] =	wrdreg s0;
	s0 =	simm.s32 $0x19600;
	s25 =	sadd.s32 s5, s8  }
0x14: {  	v0 =	vlaneseq.u32;
	s22 =	simm.s32 $0x14E00;
	[dreg:$0x6] =	wrdreg s25;
	s7 =	sadd.s32 $0x80, s25  }
0x15: {  	v0 =	vmul.u32 $0x8, v0;
	s8 =	simm.s32 $0x0;
	s25 =	simm.s32 $0x17600;
	[dreg:$0x7] =	wrdreg s7  }
.LBB2_1:
0x16: {  	[dreg:$0xa] =	wrdreg s8  }
0x17: {  	s7 =	rddreg [dreg:$0x4]  }
0x18: {  	s10 =	rddreg [dreg:$0x5]  }
0x19: {  	s9 =	rddreg [dreg:$0x9];
	s13 =	simm.s32 $0x7  }
0x1a: {  	[spmem:s9], [sflag:s10] =	dma.local [hbm:s7], $0x24C0  }
0x1b: {  	_ =	swait.ge [sflag:s13], $0x24C0  }
0x1c: {  	[sflag:s13] =	ssyncset.done $0x0  }
0x1d: {  	[sflag:s13] =	ssyncadd.s32 $0xFFFFDB40  }
0x1e: {  	[bflag:$0x0] =	sbarrier.arrive $0xFFFF  }
0x1f: {  	s15 =	simm.s32 $0x12600;
	s14 =	rddreg [dreg:$0x6]  }
0x20: {  	[tilespmem:s15], [sflag:$0x1] =	stream.linear.gather [hbm4b:s14+s4], $0x400, $0x38;
	[tilespmem:$0x19E00] =	vst v63  }
0x21: {  	_ =	swait.ge [sflag:s17], $0x400  }
0x22: {  	[sflag:s17] =	ssyncset.done $0x0  }
0x23: {  	[sflag:s17] =	ssyncadd.s32 $0xFFFFFC00  }
0x24: {  	[tilespmem:s19], [sflag:$0x3] =	stream.indirect.gather [spmem:s3], $0x8, s15, s18, $0xb8;
	[tilespmem:$0x19E00] =	vst v63  }
0x25: {  	s8 =	simm.s32 $0x0;
	s16 =	rddreg [dreg:$0x7]  }
0x26: {  	[tilespmem:s20], [sflag:$0x2] =	stream.linear.gather [hbm4b:s16+s4], $0x400, $0x38;
	[tilespmem:$0x19E00] =	vst v63  }
.LBB2_2:
0x27: {  	_ =	swait.ge [sflag:s21], $0x400;
	p0 =	seq.s32 s8, $0x31  }
0x28: {  	[sflag:s21] =	ssyncset.done $0x0;
	p1 =	seq.s32 @!p0 s8, $0x0  }
0x29: {  	s13 =	sshll.u32 s8, $0x1;
	[sflag:s21] =	ssyncadd.s32 $0xFFFFFC00;
	p1 =	por p0, !p1  }
0x2a: {  	[tilespmem:s22], [sflag:$0x4] =	stream.indirect.gather [spmem:s3], $0x8, s20, s18, $0xb8;
	[tilespmem:$0x19E00] =	vst v63  }
.Ltmp0:
0x2b: {  	s7 =	sadd.s32 @!p0 s13, s11;
	(pc) =	sbr.rel @!p1 .LBB2_3-.Ltmp0, $4  }
0x2c: {  	s7 =	sshll.u32 @!p0 s7, $0x7;
	_ =	swait.ge [sflag:s23], $0x2000  }
0x2d: {  	s9 =	simm.s32 @!p0 $0x0;
	s7 =	sand.u32 @!p0 $0xFFFFF00, s7;
	[sflag:s23] =	ssyncset.done $0x0  }
0x2e: {  	s10 =	simm.s32 @!p0 $0x12600;
	s7 =	sadd.s32 @!p0 s5, s7;
	[sflag:s23] =	ssyncadd.s32 $0xFFFFE000  }
0x2f: {  	[tilespmem:s10], [sflag:$0x1] =	stream.linear.gather @!p0 [hbm4b:s7+s9], $0x400, $0x38;
	[tilespmem:$0x19E00] =	vst v63  }
0x30: {  	_ =	swait.ge [sflag:s1], $0x800  }
0x31: {  	[sflag:s1] =	ssyncset.done $0x0  }
0x32: {  	[sflag:s1] =	ssyncadd.s32 $0xFFFFF800  }
0x33: {  	_ =	swait.ge [sflag:s1], $0x800  }
.Ltmp1:
0x34: {  	[sflag:s1] =	ssyncset.done $0x0;
	(pc) =	sbr.rel .LBB2_5-.Ltmp1, $4  }
0x35: {  	[sflag:s1] =	ssyncadd.s32 $0xFFFFF800  }
0x36: {  	_ =	swait.ge [sflag:s1], $0x800  }
0x37: {  	[sflag:s1] =	ssyncset.done $0x0  }
0x38: {  	p0 =	por $0x0, $0x0;
	[sflag:s1] =	ssyncadd.s32 $0xFFFFF800  }
.LBB2_3:
0x39: {  	p0 =	por @!p0 $0x1, $0x1  }
.LBB2_5:
0x3a: {  	s7 =	simm.s32 $0x0  }
0x3b: {  	v1 =	vmov s7  }
0x3c: {  	v1 =	vshll.u32 v1, $0x3  }
0x3d: {  	v1 =	vor.u32 v0, v1;
	_ =	sdelay $0x4  }
0x3e: {  	v2 =	vld.idx.msk [tilespmem:v1+s19+$0x0], $0xffff;
	_ =	sdelay $0x2  }
0x3f: {  	v3 =	vor.u32 $0x1, v1;
	_ =	sdelay $0x1  }
0x40: {  	s14 =	simm.s32 $0x17680;
	v4 =	vunpack.i.l.bf16.f32 v2  }
0x41: {  	v2 =	vunpack.i.u.bf16.f32 v2;
	[tilespmem:s14+$0xFFFFF780] =	vst v4  }
0x42: {  	[tilespmem:s14+$0xFFFFF800] =	vst v2  }
0x43: {  	v2 =	vld.idx.msk [tilespmem:v3+s19+$0x0], $0xffff;
	_ =	sdelay $0x2  }
0x44: {  	v1 =	vor.u32 $0x2, v1;
	_ =	sdelay $0x1  }
0x45: {  	v3 =	vunpack.i.l.bf16.f32 v2  }
0x46: {  	v2 =	vunpack.i.u.bf16.f32 v2;
	[tilespmem:s14+$0xFFFFFF80] =	vst v3  }
0x47: {  	[tilespmem:s14+$0x0] =	vst v2  }
0x48: {  	s15 =	simm.s32 $0x10;
	v1 =	vld.idx.msk [tilespmem:v1+s19+$0x0], $0xffff  }
0x49: {  	v2 =	vmov s15  }
0x4a: {  	v2 =	vshll.u32 v2, $0x3  }
0x4b: {  	v2 =	vor.u32 v0, v2;
	_ =	sdelay $0x1  }
0x4c: {  	v3 =	vunpack.i.l.bf16.f32 v1  }
0x4d: {  	v1 =	vunpack.i.u.bf16.f32 v1;
	[tilespmem:s14+$0x780] =	vst v3  }
0x4e: {  	[tilespmem:s14+$0x800] =	vst v1  }
0x4f: {  	v1 =	vld.idx.msk [tilespmem:v2+s19+$0x0], $0xffff;
	_ =	sdelay $0x2  }
0x50: {  	v3 =	vor.u32 $0x1, v2;
	_ =	sdelay $0x1  }
0x51: {  	v4 =	vunpack.i.l.bf16.f32 v1  }
0x52: {  	v1 =	vunpack.i.u.bf16.f32 v1;
	[tilespmem:s14+$0xFFFFF790] =	vst v4  }
0x53: {  	[tilespmem:s14+$0xFFFFF810] =	vst v1  }
0x54: {  	v1 =	vld.idx.msk [tilespmem:v3+s19+$0x0], $0xffff;
	_ =	sdelay $0x2  }
0x55: {  	v2 =	vor.u32 $0x2, v2;
	_ =	sdelay $0x1  }
0x56: {  	v3 =	vunpack.i.l.bf16.f32 v1  }
0x57: {  	v1 =	vunpack.i.u.bf16.f32 v1;
	[tilespmem:s14+$0xFFFFFF90] =	vst v3  }
0x58: {  	[tilespmem:s14+$0x10] =	vst v1  }
0x59: {  	s16 =	simm.s32 $0x20;
	v1 =	vld.idx.msk [tilespmem:v2+s19+$0x0], $0xffff  }
0x5a: {  	v2 =	vmov s16  }
0x5b: {  	v2 =	vshll.u32 v2, $0x3  }
0x5c: {  	v2 =	vor.u32 v0, v2;
	_ =	sdelay $0x1  }
0x5d: {  	v3 =	vunpack.i.l.bf16.f32 v1  }
0x5e: {  	v1 =	vunpack.i.u.bf16.f32 v1;
	[tilespmem:s14+$0x790] =	vst v3  }
0x5f: {  	[tilespmem:s14+$0x810] =	vst v1  }
0x60: {  	v1 =	vld.idx.msk [tilespmem:v2+s19+$0x0], $0xffff;
	_ =	sdelay $0x2  }
0x61: {  	v3 =	vor.u32 $0x1, v2;
	_ =	sdelay $0x1  }
0x62: {  	v4 =	vunpack.i.l.bf16.f32 v1  }
0x63: {  	v1 =	vunpack.i.u.bf16.f32 v1;
	[tilespmem:s14+$0xFFFFF7A0] =	vst v4  }
0x64: {  	[tilespmem:s14+$0xFFFFF820] =	vst v1  }
0x65: {  	v1 =	vld.idx.msk [tilespmem:v3+s19+$0x0], $0xffff;
	_ =	sdelay $0x2  }
0x66: {  	v2 =	vor.u32 $0x2, v2;
	_ =	sdelay $0x1  }
0x67: {  	v3 =	vunpack.i.l.bf16.f32 v1  }
0x68: {  	v1 =	vunpack.i.u.bf16.f32 v1;
	[tilespmem:s14+$0xFFFFFFA0] =	vst v3  }
0x69: {  	[tilespmem:s14+$0x20] =	vst v1  }
0x6a: {  	s9 =	simm.s32 $0x30;
	v1 =	vld.idx.msk [tilespmem:v2+s19+$0x0], $0xffff  }
0x6b: {  	v2 =	vmov s9  }
0x6c: {  	v2 =	vshll.u32 v2, $0x3  }
0x6d: {  	v2 =	vor.u32 v0, v2;
	_ =	sdelay $0x1  }
0x6e: {  	v3 =	vunpack.i.l.bf16.f32 v1  }
0x6f: {  	v1 =	vunpack.i.u.bf16.f32 v1;
	[tilespmem:s14+$0x7A0] =	vst v3  }
0x70: {  	[tilespmem:s14+$0x820] =	vst v1  }
0x71: {  	v1 =	vld.idx.msk [tilespmem:v2+s19+$0x0], $0xffff;
	_ =	sdelay $0x2  }
0x72: {  	v3 =	vor.u32 $0x1, v2;
	_ =	sdelay $0x1  }
0x73: {  	v4 =	vunpack.i.l.bf16.f32 v1  }
0x74: {  	v1 =	vunpack.i.u.bf16.f32 v1;
	[tilespmem:s14+$0xFFFFF7B0] =	vst v4  }
0x75: {  	[tilespmem:s14+$0xFFFFF830] =	vst v1  }
0x76: {  	v1 =	vld.idx.msk [tilespmem:v3+s19+$0x0], $0xffff;
	_ =	sdelay $0x2  }
0x77: {  	v2 =	vor.u32 $0x2, v2;
	_ =	sdelay $0x1  }
0x78: {  	v3 =	vunpack.i.l.bf16.f32 v1  }
0x79: {  	v1 =	vunpack.i.u.bf16.f32 v1;
	[tilespmem:s14+$0xFFFFFFB0] =	vst v3  }
0x7a: {  	[tilespmem:s14+$0x30] =	vst v1  }
0x7b: {  	s10 =	simm.s32 $0x40;
	v1 =	vld.idx.msk [tilespmem:v2+s19+$0x0], $0xffff  }
0x7c: {  	v2 =	vmov s10  }
0x7d: {  	v2 =	vshll.u32 v2, $0x3  }
0x7e: {  	v2 =	vor.u32 v0, v2;
	_ =	sdelay $0x1  }
0x7f: {  	v3 =	vunpack.i.l.bf16.f32 v1  }
0x80: {  	v1 =	vunpack.i.u.bf16.f32 v1;
	[tilespmem:s14+$0x7B0] =	vst v3  }
0x81: {  	[tilespmem:s14+$0x830] =	vst v1  }
0x82: {  	v1 =	vld.idx.msk [tilespmem:v2+s19+$0x0], $0xffff;
	_ =	sdelay $0x2  }
0x83: {  	v3 =	vor.u32 $0x1, v2;
	_ =	sdelay $0x1  }
0x84: {  	v4 =	vunpack.i.l.bf16.f32 v1  }
0x85: {  	v1 =	vunpack.i.u.bf16.f32 v1;
	[tilespmem:s14+$0xFFFFF7C0] =	vst v4  }
0x86: {  	[tilespmem:s14+$0xFFFFF840] =	vst v1  }
0x87: {  	v1 =	vld.idx.msk [tilespmem:v3+s19+$0x0], $0xffff;
	_ =	sdelay $0x2  }
0x88: {  	v2 =	vor.u32 $0x2, v2;
	_ =	sdelay $0x1  }
0x89: {  	v3 =	vunpack.i.l.bf16.f32 v1  }
0x8a: {  	v1 =	vunpack.i.u.bf16.f32 v1;
	[tilespmem:s14+$0xFFFFFFC0] =	vst v3  }
0x8b: {  	[tilespmem:s14+$0x40] =	vst v1  }
0x8c: {  	s15 =	simm.s32 $0x50;
	v1 =	vld.idx.msk [tilespmem:v2+s19+$0x0], $0xffff  }
0x8d: {  	v2 =	vmov s15  }
0x8e: {  	v2 =	vshll.u32 v2, $0x3  }
0x8f: {  	v2 =	vor.u32 v0, v2;
	_ =	sdelay $0x1  }
0x90: {  	v3 =	vunpack.i.l.bf16.f32 v1  }
0x91: {  	v1 =	vunpack.i.u.bf16.f32 v1;
	[tilespmem:s14+$0x7C0] =	vst v3  }
0x92: {  	[tilespmem:s14+$0x840] =	vst v1  }
0x93: {  	v1 =	vld.idx.msk [tilespmem:v2+s19+$0x0], $0xffff;
	_ =	sdelay $0x2  }
0x94: {  	v3 =	vor.u32 $0x1, v2;
	_ =	sdelay $0x1  }
0x95: {  	v4 =	vunpack.i.l.bf16.f32 v1  }
0x96: {  	v1 =	vunpack.i.u.bf16.f32 v1;
	[tilespmem:s14+$0xFFFFF7D0] =	vst v4  }
0x97: {  	[tilespmem:s14+$0xFFFFF850] =	vst v1  }
0x98: {  	v1 =	vld.idx.msk [tilespmem:v3+s19+$0x0], $0xffff;
	_ =	sdelay $0x2  }
0x99: {  	v2 =	vor.u32 $0x2, v2;
	_ =	sdelay $0x1  }
0x9a: {  	v3 =	vunpack.i.l.bf16.f32 v1  }
0x9b: {  	v1 =	vunpack.i.u.bf16.f32 v1;
	[tilespmem:s14+$0xFFFFFFD0] =	vst v3  }
0x9c: {  	[tilespmem:s14+$0x50] =	vst v1  }
0x9d: {  	s16 =	simm.s32 $0x60;
	v1 =	vld.idx.msk [tilespmem:v2+s19+$0x0], $0xffff  }
0x9e: {  	v2 =	vmov s16  }
0x9f: {  	v2 =	vshll.u32 v2, $0x3  }
0xa0: {  	v2 =	vor.u32 v0, v2;
	_ =	sdelay $0x1  }
0xa1: {  	v3 =	vunpack.i.l.bf16.f32 v1  }
0xa2: {  	v1 =	vunpack.i.u.bf16.f32 v1;
	[tilespmem:s14+$0x7D0] =	vst v3  }
0xa3: {  	[tilespmem:s14+$0x850] =	vst v1  }
0xa4: {  	v1 =	vld.idx.msk [tilespmem:v2+s19+$0x0], $0xffff;
	_ =	sdelay $0x2  }
0xa5: {  	v3 =	vor.u32 $0x1, v2;
	_ =	sdelay $0x1  }
0xa6: {  	v4 =	vunpack.i.l.bf16.f32 v1  }
0xa7: {  	v1 =	vunpack.i.u.bf16.f32 v1;
	[tilespmem:s14+$0xFFFFF7E0] =	vst v4  }
0xa8: {  	[tilespmem:s14+$0xFFFFF860] =	vst v1  }
0xa9: {  	v1 =	vld.idx.msk [tilespmem:v3+s19+$0x0], $0xffff;
	_ =	sdelay $0x2  }
0xaa: {  	v2 =	vor.u32 $0x2, v2;
	_ =	sdelay $0x1  }
0xab: {  	v3 =	vunpack.i.l.bf16.f32 v1  }
0xac: {  	v1 =	vunpack.i.u.bf16.f32 v1;
	[tilespmem:s14+$0xFFFFFFE0] =	vst v3  }
0xad: {  	[tilespmem:s14+$0x60] =	vst v1  }
0xae: {  	s15 =	simm.s32 $0x70;
	v1 =	vld.idx.msk [tilespmem:v2+s19+$0x0], $0xffff  }
0xaf: {  	v2 =	vmov s15  }
0xb0: {  	v2 =	vshll.u32 v2, $0x3  }
0xb1: {  	v3 =	vor.u32 v0, v2;
	_ =	sdelay $0x1  }
0xb2: {  	v2 =	vunpack.i.l.bf16.f32 v1  }
0xb3: {  	v1 =	vunpack.i.u.bf16.f32 v1;
	[tilespmem:s14+$0x7E0] =	vst v2  }
0xb4: {  	[tilespmem:s14+$0x860] =	vst v1  }
0xb5: {  	s7 =	simm.s32 $0x0;
	s9 =	simm.s32 $0x17680;
	s10 =	sshllo.u32 s8, $0x1;
	v2 =	vor.u32 $0x1, v3;
	v1 =	vor.u32 $0x2, v3;
	v3 =	vld.idx.msk [tilespmem:v3+s19+$0x0], $0xffff  }
.LBB2_6:
0xb6: {  	s7 =	sadd.s32 $0x8, s7;
	s15 =	sadd.s32 $0x80, s15;
	s14 =	sadd.s32 $0x100, s14  }
0xb7: {  	p1 =	slt.u32 s7, $0x38;
	_ =	sdelay $0x2  }
0xb8: {  	v4 =	vunpack.i.u.bf16.f32 v3;
	v3 =	vunpack.i.l.bf16.f32 v3  }
0xb9: {  	[tilespmem:s9+$0xFFFFF7F0] =	vst v3  }
0xba: {  	[tilespmem:s9+$0xFFFFF870] =	vst v4  }
0xbb: {  	v2 =	vld.idx.msk [tilespmem:v2+s19+$0x0], $0xffff;
	_ =	sdelay $0x5  }
0xbc: {  	v3 =	vunpack.i.u.bf16.f32 v2;
	v2 =	vunpack.i.l.bf16.f32 v2  }
0xbd: {  	[tilespmem:s9+$0xFFFFFFF0] =	vst v2  }
0xbe: {  	[tilespmem:s9+$0x70] =	vst v3  }
0xbf: {  	v1 =	vld.idx.msk [tilespmem:v1+s19+$0x0], $0xffff  }
0xc0: {  	s16 =	sadd.s32 $0xFFFFFF90, s15  }
0xc1: {  	v2 =	vmov s16  }
0xc2: {  	v2 =	vshll.u32 v2, $0x3  }
0xc3: {  	v2 =	vor.u32 v0, v2;
	_ =	sdelay $0x1  }
0xc4: {  	v3 =	vunpack.i.u.bf16.f32 v1;
	v1 =	vunpack.i.l.bf16.f32 v1  }
0xc5: {  	[tilespmem:s9+$0x7F0] =	vst v1  }
0xc6: {  	[tilespmem:s9+$0x870] =	vst v3;
	s9 =	smov.u32 s14  }
0xc7: {  	v1 =	vld.idx.msk [tilespmem:v2+s19+$0x0], $0xffff;
	_ =	sdelay $0x2  }
0xc8: {  	v3 =	vor.u32 $0x1, v2;
	_ =	sdelay $0x2  }
0xc9: {  	v4 =	vunpack.i.u.bf16.f32 v1;
	v1 =	vunpack.i.l.bf16.f32 v1  }
0xca: {  	[tilespmem:s14+$0xFFFFF780] =	vst v1  }
0xcb: {  	[tilespmem:s14+$0xFFFFF800] =	vst v4  }
0xcc: {  	v1 =	vld.idx.msk [tilespmem:v3+s19+$0x0], $0xffff;
	_ =	sdelay $0x1  }
0xcd: {  	v2 =	vor.u32 $0x2, v2;
	_ =	sdelay $0x3  }
0xce: {  	v3 =	vunpack.i.u.bf16.f32 v1;
	v1 =	vunpack.i.l.bf16.f32 v1  }
0xcf: {  	s16 =	sadd.s32 $0xFFFFFFA0, s15;
	[tilespmem:s14+$0xFFFFFF80] =	vst v1  }
0xd0: {  	v1 =	vmov s16;
	[tilespmem:s14+$0x0] =	vst v3  }
0xd1: {  	v1 =	vshll.u32 v1, $0x3;
	v2 =	vld.idx.msk [tilespmem:v2+s19+$0x0], $0xffff  }
0xd2: {  	v1 =	vor.u32 v0, v1;
	_ =	sdelay $0x4  }
0xd3: {  	v3 =	vunpack.i.u.bf16.f32 v2;
	v2 =	vunpack.i.l.bf16.f32 v2  }
0xd4: {  	[tilespmem:s14+$0x780] =	vst v2  }
0xd5: {  	[tilespmem:s14+$0x800] =	vst v3  }
0xd6: {  	v3 =	vor.u32 $0x1, v1;
	v2 =	vld.idx.msk [tilespmem:v1+s19+$0x0], $0xffff;
	_ =	sdelay $0x5  }
0xd7: {  	v4 =	vunpack.i.u.bf16.f32 v2;
	v2 =	vunpack.i.l.bf16.f32 v2  }
0xd8: {  	[tilespmem:s14+$0xFFFFF790] =	vst v2  }
0xd9: {  	v1 =	vor.u32 $0x2, v1;
	[tilespmem:s14+$0xFFFFF810] =	vst v4  }
0xda: {  	v2 =	vld.idx.msk [tilespmem:v3+s19+$0x0], $0xffff;
	_ =	sdelay $0x3  }
0xdb: {  	s16 =	sadd.s32 $0xFFFFFFB0, s15  }
0xdc: {  	v3 =	vmov s16  }
0xdd: {  	v3 =	vshll.u32 v3, $0x3;
	v4 =	vunpack.i.u.bf16.f32 v2;
	v2 =	vunpack.i.l.bf16.f32 v2  }
0xde: {  	[tilespmem:s14+$0xFFFFFF90] =	vst v2;
	v2 =	vor.u32 v0, v3  }
0xdf: {  	[tilespmem:s14+$0x10] =	vst v4  }
0xe0: {  	v1 =	vld.idx.msk [tilespmem:v1+s19+$0x0], $0xffff;
	_ =	sdelay $0x5  }
0xe1: {  	v4 =	vor.u32 $0x1, v2;
	v3 =	vunpack.i.u.bf16.f32 v1;
	v1 =	vunpack.i.l.bf16.f32 v1  }
0xe2: {  	[tilespmem:s14+$0x790] =	vst v1  }
0xe3: {  	[tilespmem:s14+$0x810] =	vst v3  }
0xe4: {  	v1 =	vld.idx.msk [tilespmem:v2+s19+$0x0], $0xffff;
	_ =	sdelay $0x4  }
0xe5: {  	v2 =	vor.u32 $0x2, v2  }
0xe6: {  	v3 =	vunpack.i.u.bf16.f32 v1;
	v1 =	vunpack.i.l.bf16.f32 v1  }
0xe7: {  	[tilespmem:s14+$0xFFFFF7A0] =	vst v1  }
0xe8: {  	[tilespmem:s14+$0xFFFFF820] =	vst v3  }
0xe9: {  	v1 =	vld.idx.msk [tilespmem:v4+s19+$0x0], $0xffff  }
0xea: {  	s16 =	sadd.s32 $0xFFFFFFC0, s15  }
0xeb: {  	v3 =	vmov s16  }
0xec: {  	v3 =	vshll.u32 v3, $0x3  }
0xed: {  	v3 =	vor.u32 v0, v3;
	_ =	sdelay $0x1  }
0xee: {  	v4 =	vunpack.i.u.bf16.f32 v1;
	v1 =	vunpack.i.l.bf16.f32 v1  }
0xef: {  	[tilespmem:s14+$0xFFFFFFA0] =	vst v1  }
0xf0: {  	[tilespmem:s14+$0x20] =	vst v4  }
0xf1: {  	v1 =	vld.idx.msk [tilespmem:v2+s19+$0x0], $0xffff;
	_ =	sdelay $0x2  }
0xf2: {  	v2 =	vor.u32 $0x1, v3;
	_ =	sdelay $0x2  }
0xf3: {  	v4 =	vunpack.i.u.bf16.f32 v1;
	v1 =	vunpack.i.l.bf16.f32 v1  }
0xf4: {  	[tilespmem:s14+$0x7A0] =	vst v1  }
0xf5: {  	[tilespmem:s14+$0x820] =	vst v4  }
0xf6: {  	v1 =	vld.idx.msk [tilespmem:v3+s19+$0x0], $0xffff;
	_ =	sdelay $0x1  }
0xf7: {  	v3 =	vor.u32 $0x2, v3;
	_ =	sdelay $0x3  }
0xf8: {  	v4 =	vunpack.i.u.bf16.f32 v1;
	v1 =	vunpack.i.l.bf16.f32 v1  }
0xf9: {  	s16 =	sadd.s32 $0xFFFFFFD0, s15;
	[tilespmem:s14+$0xFFFFF7B0] =	vst v1  }
0xfa: {  	v1 =	vmov s16;
	[tilespmem:s14+$0xFFFFF830] =	vst v4  }
0xfb: {  	v1 =	vshll.u32 v1, $0x3;
	v2 =	vld.idx.msk [tilespmem:v2+s19+$0x0], $0xffff  }
0xfc: {  	v1 =	vor.u32 v0, v1;
	_ =	sdelay $0x4  }
0xfd: {  	v4 =	vunpack.i.u.bf16.f32 v2;
	v2 =	vunpack.i.l.bf16.f32 v2  }
0xfe: {  	[tilespmem:s14+$0xFFFFFFB0] =	vst v2  }
0xff: {  	[tilespmem:s14+$0x30] =	vst v4  }
0x100: {  	v2 =	vld.idx.msk [tilespmem:v3+s19+$0x0], $0xffff;
	v3 =	vor.u32 $0x1, v1;
	_ =	sdelay $0x5  }
0x101: {  	v4 =	vunpack.i.u.bf16.f32 v2;
	v2 =	vunpack.i.l.bf16.f32 v2  }
0x102: {  	[tilespmem:s14+$0x7B0] =	vst v2  }
0x103: {  	v2 =	vor.u32 $0x2, v1;
	[tilespmem:s14+$0x830] =	vst v4  }
0x104: {  	v1 =	vld.idx.msk [tilespmem:v1+s19+$0x0], $0xffff;
	_ =	sdelay $0x3  }
0x105: {  	s16 =	sadd.s32 $0xFFFFFFE0, s15  }
0x106: {  	v4 =	vmov s16  }
0x107: {  	v4 =	vshll.u32 v4, $0x3;
	v5 =	vunpack.i.u.bf16.f32 v1;
	v1 =	vunpack.i.l.bf16.f32 v1  }
0x108: {  	[tilespmem:s14+$0xFFFFF7C0] =	vst v1;
	v1 =	vor.u32 v0, v4  }
0x109: {  	[tilespmem:s14+$0xFFFFF840] =	vst v5  }
0x10a: {  	v3 =	vld.idx.msk [tilespmem:v3+s19+$0x0], $0xffff;
	_ =	sdelay $0x5  }
0x10b: {  	v5 =	vor.u32 $0x1, v1;
	v4 =	vunpack.i.u.bf16.f32 v3;
	v3 =	vunpack.i.l.bf16.f32 v3  }
0x10c: {  	[tilespmem:s14+$0xFFFFFFC0] =	vst v3  }
0x10d: {  	[tilespmem:s14+$0x40] =	vst v4  }
0x10e: {  	v2 =	vld.idx.msk [tilespmem:v2+s19+$0x0], $0xffff;
	_ =	sdelay $0x4  }
0x10f: {  	v3 =	vor.u32 $0x2, v1  }
0x110: {  	v4 =	vunpack.i.u.bf16.f32 v2;
	v2 =	vunpack.i.l.bf16.f32 v2  }
0x111: {  	[tilespmem:s14+$0x7C0] =	vst v2  }
0x112: {  	[tilespmem:s14+$0x840] =	vst v4  }
0x113: {  	v1 =	vld.idx.msk [tilespmem:v1+s19+$0x0], $0xffff  }
0x114: {  	s16 =	sadd.s32 $0xFFFFFFF0, s15  }
0x115: {  	v2 =	vmov s16  }
0x116: {  	v2 =	vshll.u32 v2, $0x3  }
0x117: {  	v2 =	vor.u32 v0, v2;
	_ =	sdelay $0x1  }
0x118: {  	v4 =	vunpack.i.u.bf16.f32 v1;
	v1 =	vunpack.i.l.bf16.f32 v1  }
0x119: {  	[tilespmem:s14+$0xFFFFF7D0] =	vst v1  }
0x11a: {  	[tilespmem:s14+$0xFFFFF850] =	vst v4  }
0x11b: {  	v1 =	vld.idx.msk [tilespmem:v5+s19+$0x0], $0xffff;
	_ =	sdelay $0x2  }
0x11c: {  	v4 =	vor.u32 $0x1, v2;
	_ =	sdelay $0x2  }
0x11d: {  	v5 =	vunpack.i.u.bf16.f32 v1;
	v1 =	vunpack.i.l.bf16.f32 v1  }
0x11e: {  	[tilespmem:s14+$0xFFFFFFD0] =	vst v1  }
0x11f: {  	[tilespmem:s14+$0x50] =	vst v5  }
0x120: {  	v1 =	vld.idx.msk [tilespmem:v3+s19+$0x0], $0xffff;
	_ =	sdelay $0x1  }
0x121: {  	v3 =	vor.u32 $0x2, v2;
	_ =	sdelay $0x3  }
0x122: {  	v5 =	vunpack.i.u.bf16.f32 v1;
	v1 =	vunpack.i.l.bf16.f32 v1  }
0x123: {  	[tilespmem:s14+$0x7D0] =	vst v1  }
0x124: {  	v1 =	vmov s15;
	[tilespmem:s14+$0x850] =	vst v5  }
0x125: {  	v1 =	vshll.u32 v1, $0x3;
	v2 =	vld.idx.msk [tilespmem:v2+s19+$0x0], $0xffff  }
0x126: {  	v5 =	vor.u32 v0, v1;
	_ =	sdelay $0x4  }
0x127: {  	v1 =	vunpack.i.u.bf16.f32 v2;
	v2 =	vunpack.i.l.bf16.f32 v2  }
0x128: {  	[tilespmem:s14+$0xFFFFF7E0] =	vst v2  }
0x129: {  	[tilespmem:s14+$0xFFFFF860] =	vst v1  }
0x12a: {  	v2 =	vor.u32 $0x1, v5;
	v1 =	vld.idx.msk [tilespmem:v4+s19+$0x0], $0xffff;
	_ =	sdelay $0x5  }
0x12b: {  	v4 =	vunpack.i.u.bf16.f32 v1;
	v1 =	vunpack.i.l.bf16.f32 v1  }
0x12c: {  	[tilespmem:s14+$0xFFFFFFE0] =	vst v1  }
0x12d: {  	v1 =	vor.u32 $0x2, v5;
	[tilespmem:s14+$0x60] =	vst v4  }
0x12e: {  	v3 =	vld.idx.msk [tilespmem:v3+s19+$0x0], $0xffff;
	_ =	sdelay $0x4  }
.Ltmp2:
0x12f: {  	(pc) =	sbr.rel @p1 .LBB2_6-.Ltmp2, $4  }
0x130: {  	v4 =	vunpack.i.u.bf16.f32 v3;
	v3 =	vunpack.i.l.bf16.f32 v3  }
0x131: {  	[tilespmem:s14+$0x7E0] =	vst v3  }
0x132: {  	[tilespmem:s14+$0x860] =	vst v4  }
0x133: {  	v3 =	vld.idx.msk [tilespmem:v5+s19+$0x0], $0xffff  }
0x134: {  	_ =	sdelay $0x3  }
0x135: {  	v4 =	vunpack.i.l.bf16.f32 v3  }
0x136: {  	v3 =	vunpack.i.u.bf16.f32 v3;
	[tilespmem:s9+$0xFFFFF7F0] =	vst v4  }
0x137: {  	[tilespmem:s9+$0xFFFFF870] =	vst v3  }
0x138: {  	v2 =	vld.idx.msk [tilespmem:v2+s19+$0x0], $0xffff;
	_ =	sdelay $0x4  }
0x139: {  	v3 =	vunpack.i.l.bf16.f32 v2  }
0x13a: {  	v2 =	vunpack.i.u.bf16.f32 v2;
	[tilespmem:s9+$0xFFFFFFF0] =	vst v3  }
0x13b: {  	[tilespmem:s9+$0x70] =	vst v2  }
0x13c: {  	v1 =	vld.idx.msk [tilespmem:v1+s19+$0x0], $0xffff  }
0x13d: {  	s7 =	sadd.s32 s6, s13  }
0x13e: {  	s14 =	sshrl.u32 s7, $0x4  }
0x13f: {  	s7 =	sshll.u32 s7, $0xB;
	s14 =	smul.u32 $0x18000, s14  }
0x140: {  	s7 =	sand.u32 $0x7000, s7  }
0x141: {  	s7 =	sor.u32 s7, s14;
	v2 =	vunpack.i.l.bf16.f32 v1  }
0x142: {  	s14 =	sshrl.u32 s7, $0x3;
	v1 =	vunpack.i.u.bf16.f32 v1;
	[tilespmem:s9+$0x7F0] =	vst v2  }
0x143: {  	p1 =	sne.s32 s8, $0x31;
	s16 =	sadd.s32 $0x8000, s7;
	s15 =	sadd.s32 s2, s14;
	[tilespmem:s9+$0x870] =	vst v1  }
0x144: {  	[hbm4b:s15+s4] =	stream.linear.scatter [tilespmem:s24], [sflag:$0x5], $0x800, $0x38;
	[tilespmem:$0x19E00] =	vst v63  }
.Ltmp3:
0x145: {  	s7 =	sadd.s32 $0x10000, s7;
	s9 =	sshrl.u32 s16, $0x3;
	(pc) =	sbr.rel @p1 .LBB2_9-.Ltmp3, $4  }
0x146: {  	s7 =	sshrl.u32 s7, $0x3;
	s9 =	sadd.s32 s2, s9  }
0x147: {  	[hbm4b:s9+s4] =	stream.linear.scatter [tilespmem:s25], [sflag:$0x5], $0x800, $0x38;
	[tilespmem:$0x19E00] =	vst v63  }
0x148: {  	s7 =	sadd.s32 s2, s7  }
0x149: {  	[hbm4b:s7+s4] =	stream.linear.scatter [tilespmem:s26], [sflag:$0x5], $0x800, $0x38;
	[tilespmem:$0x19E00] =	vst v63  }
.Ltmp4:
0x14a: {  	(pc) =	sbr.rel .LBB2_10-.Ltmp4, $4  }
0x14b: {  	_ = 	snop  }
0x14c: {  	_ =	swait.ge [sflag:s28], $0x2000  }
0x14d: {  	[sflag:s28] =	ssyncset.done $0x0  }
0x14e: {  	[sflag:s28] =	ssyncadd.s32 $0xFFFFE000  }
.LBB2_9:
0x14f: {  	_ =	swait.ge [sflag:s17], $0x400  }
0x150: {  	[sflag:s17] =	ssyncset.done $0x0  }
0x151: {  	s7 =	simm.s32 $0x12600;
	[sflag:s17] =	ssyncadd.s32 $0xFFFFFC00  }
0x152: {  	[tilespmem:s19], [sflag:$0x3] =	stream.indirect.gather [spmem:s3], $0x8, s7, s18, $0xb8;
	[tilespmem:$0x19E00] =	vst v63  }
.Ltmp5:
0x153: {  	s16 =	sadd.s32 s13, s12;
	(pc) =	sbr.rel @p0 .LBB2_11-.Ltmp5, $4  }
0x154: {  	s7 =	sshll.u32 s16, $0x7;
	_ =	swait.ge [sflag:s28], $0x2000  }
0x155: {  	s7 =	sand.u32 $0xFFFFF80, s7;
	[sflag:s28] =	ssyncset.done $0x0  }
0x156: {  	s7 =	sadd.s32 s5, s7;
	[sflag:s28] =	ssyncadd.s32 $0xFFFFE000  }
0x157: {  	[tilespmem:s20], [sflag:$0x2] =	stream.linear.gather [hbm4b:s7+s4], $0x400, $0x38;
	[tilespmem:$0x19E00] =	vst v63  }
.LBB2_10:
0x158: {  	_ =	swait.ge [sflag:s29], $0x800  }
0x159: {  	[sflag:s29] =	ssyncset.done $0x0  }
0x15a: {  	[sflag:s29] =	ssyncadd.s32 $0xFFFFF800  }
0x15b: {  	_ =	swait.ge [sflag:s29], $0x800  }
0x15c: {  	[sflag:s29] =	ssyncset.done $0x0  }
0x15d: {  	[sflag:s29] =	ssyncadd.s32 $0xFFFFF800  }
0x15e: {  	_ =	swait.ge [sflag:s29], $0x800  }
0x15f: {  	[sflag:s29] =	ssyncset.done $0x0  }
0x160: {  	[sflag:s29] =	ssyncadd.s32 $0xFFFFF800  }
.LBB2_11:
0x161: {  	s7 =	simm.s32 $0x0  }
0x162: {  	v1 =	vmov s7  }
0x163: {  	v1 =	vshll.u32 v1, $0x3  }
0x164: {  	v1 =	vor.u32 v0, v1;
	_ =	sdelay $0x4  }
0x165: {  	v2 =	vld.idx.msk [tilespmem:v1+s22+$0x0], $0xffff;
	_ =	sdelay $0x2  }
0x166: {  	v3 =	vor.u32 $0x1, v1;
	_ =	sdelay $0x1  }
0x167: {  	s13 =	simm.s32 $0x18E80;
	v4 =	vunpack.i.l.bf16.f32 v2  }
0x168: {  	v2 =	vunpack.i.u.bf16.f32 v2;
	[tilespmem:s13+$0xFFFFF780] =	vst v4  }
0x169: {  	[tilespmem:s13+$0xFFFFF800] =	vst v2  }
0x16a: {  	v2 =	vld.idx.msk [tilespmem:v3+s22+$0x0], $0xffff;
	_ =	sdelay $0x2  }
0x16b: {  	v1 =	vor.u32 $0x2, v1;
	_ =	sdelay $0x1  }
0x16c: {  	v3 =	vunpack.i.l.bf16.f32 v2  }
0x16d: {  	v2 =	vunpack.i.u.bf16.f32 v2;
	[tilespmem:s13+$0xFFFFFF80] =	vst v3  }
0x16e: {  	[tilespmem:s13+$0x0] =	vst v2  }
0x16f: {  	s15 =	simm.s32 $0x10;
	v1 =	vld.idx.msk [tilespmem:v1+s22+$0x0], $0xffff  }
0x170: {  	v2 =	vmov s15  }
0x171: {  	v2 =	vshll.u32 v2, $0x3  }
0x172: {  	v2 =	vor.u32 v0, v2;
	_ =	sdelay $0x1  }
0x173: {  	v3 =	vunpack.i.l.bf16.f32 v1  }
0x174: {  	v1 =	vunpack.i.u.bf16.f32 v1;
	[tilespmem:s13+$0x780] =	vst v3  }
0x175: {  	[tilespmem:s13+$0x800] =	vst v1  }
0x176: {  	v1 =	vld.idx.msk [tilespmem:v2+s22+$0x0], $0xffff;
	_ =	sdelay $0x2  }
0x177: {  	v3 =	vor.u32 $0x1, v2;
	_ =	sdelay $0x1  }
0x178: {  	v4 =	vunpack.i.l.bf16.f32 v1  }
0x179: {  	v1 =	vunpack.i.u.bf16.f32 v1;
	[tilespmem:s13+$0xFFFFF790] =	vst v4  }
0x17a: {  	[tilespmem:s13+$0xFFFFF810] =	vst v1  }
0x17b: {  	v1 =	vld.idx.msk [tilespmem:v3+s22+$0x0], $0xffff;
	_ =	sdelay $0x2  }
0x17c: {  	v2 =	vor.u32 $0x2, v2;
	_ =	sdelay $0x1  }
0x17d: {  	v3 =	vunpack.i.l.bf16.f32 v1  }
0x17e: {  	v1 =	vunpack.i.u.bf16.f32 v1;
	[tilespmem:s13+$0xFFFFFF90] =	vst v3  }
0x17f: {  	[tilespmem:s13+$0x10] =	vst v1  }
0x180: {  	s16 =	simm.s32 $0x20;
	v1 =	vld.idx.msk [tilespmem:v2+s22+$0x0], $0xffff  }
0x181: {  	v2 =	vmov s16  }
0x182: {  	v2 =	vshll.u32 v2, $0x3  }
0x183: {  	v2 =	vor.u32 v0, v2;
	_ =	sdelay $0x1  }
0x184: {  	v3 =	vunpack.i.l.bf16.f32 v1  }
0x185: {  	v1 =	vunpack.i.u.bf16.f32 v1;
	[tilespmem:s13+$0x790] =	vst v3  }
0x186: {  	[tilespmem:s13+$0x810] =	vst v1  }
0x187: {  	v1 =	vld.idx.msk [tilespmem:v2+s22+$0x0], $0xffff;
	_ =	sdelay $0x2  }
0x188: {  	v3 =	vor.u32 $0x1, v2;
	_ =	sdelay $0x1  }
0x189: {  	v4 =	vunpack.i.l.bf16.f32 v1  }
0x18a: {  	v1 =	vunpack.i.u.bf16.f32 v1;
	[tilespmem:s13+$0xFFFFF7A0] =	vst v4  }
0x18b: {  	[tilespmem:s13+$0xFFFFF820] =	vst v1  }
0x18c: {  	v1 =	vld.idx.msk [tilespmem:v3+s22+$0x0], $0xffff;
	_ =	sdelay $0x2  }
0x18d: {  	v2 =	vor.u32 $0x2, v2;
	_ =	sdelay $0x1  }
0x18e: {  	v3 =	vunpack.i.l.bf16.f32 v1  }
0x18f: {  	v1 =	vunpack.i.u.bf16.f32 v1;
	[tilespmem:s13+$0xFFFFFFA0] =	vst v3  }
0x190: {  	[tilespmem:s13+$0x20] =	vst v1  }
0x191: {  	s9 =	simm.s32 $0x30;
	v1 =	vld.idx.msk [tilespmem:v2+s22+$0x0], $0xffff  }
0x192: {  	v2 =	vmov s9  }
0x193: {  	v2 =	vshll.u32 v2, $0x3  }
0x194: {  	v2 =	vor.u32 v0, v2;
	_ =	sdelay $0x1  }
0x195: {  	v3 =	vunpack.i.l.bf16.f32 v1  }
0x196: {  	v1 =	vunpack.i.u.bf16.f32 v1;
	[tilespmem:s13+$0x7A0] =	vst v3  }
0x197: {  	[tilespmem:s13+$0x820] =	vst v1  }
0x198: {  	v1 =	vld.idx.msk [tilespmem:v2+s22+$0x0], $0xffff;
	_ =	sdelay $0x2  }
0x199: {  	v3 =	vor.u32 $0x1, v2;
	_ =	sdelay $0x1  }
0x19a: {  	v4 =	vunpack.i.l.bf16.f32 v1  }
0x19b: {  	v1 =	vunpack.i.u.bf16.f32 v1;
	[tilespmem:s13+$0xFFFFF7B0] =	vst v4  }
0x19c: {  	[tilespmem:s13+$0xFFFFF830] =	vst v1  }
0x19d: {  	v1 =	vld.idx.msk [tilespmem:v3+s22+$0x0], $0xffff;
	_ =	sdelay $0x2  }
0x19e: {  	v2 =	vor.u32 $0x2, v2;
	_ =	sdelay $0x1  }
0x19f: {  	v3 =	vunpack.i.l.bf16.f32 v1  }
0x1a0: {  	v1 =	vunpack.i.u.bf16.f32 v1;
	[tilespmem:s13+$0xFFFFFFB0] =	vst v3  }
0x1a1: {  	[tilespmem:s13+$0x30] =	vst v1  }
0x1a2: {  	s14 =	simm.s32 $0x40;
	v1 =	vld.idx.msk [tilespmem:v2+s22+$0x0], $0xffff  }
0x1a3: {  	v2 =	vmov s14  }
0x1a4: {  	v2 =	vshll.u32 v2, $0x3  }
0x1a5: {  	v2 =	vor.u32 v0, v2;
	_ =	sdelay $0x1  }
0x1a6: {  	v3 =	vunpack.i.l.bf16.f32 v1  }
0x1a7: {  	v1 =	vunpack.i.u.bf16.f32 v1;
	[tilespmem:s13+$0x7B0] =	vst v3  }
0x1a8: {  	[tilespmem:s13+$0x830] =	vst v1  }
0x1a9: {  	v1 =	vld.idx.msk [tilespmem:v2+s22+$0x0], $0xffff;
	_ =	sdelay $0x2  }
0x1aa: {  	v3 =	vor.u32 $0x1, v2;
	_ =	sdelay $0x1  }
0x1ab: {  	v4 =	vunpack.i.l.bf16.f32 v1  }
0x1ac: {  	v1 =	vunpack.i.u.bf16.f32 v1;
	[tilespmem:s13+$0xFFFFF7C0] =	vst v4  }
0x1ad: {  	[tilespmem:s13+$0xFFFFF840] =	vst v1  }
0x1ae: {  	v1 =	vld.idx.msk [tilespmem:v3+s22+$0x0], $0xffff;
	_ =	sdelay $0x2  }
0x1af: {  	v2 =	vor.u32 $0x2, v2;
	_ =	sdelay $0x1  }
0x1b0: {  	v3 =	vunpack.i.l.bf16.f32 v1  }
0x1b1: {  	v1 =	vunpack.i.u.bf16.f32 v1;
	[tilespmem:s13+$0xFFFFFFC0] =	vst v3  }
0x1b2: {  	[tilespmem:s13+$0x40] =	vst v1  }
0x1b3: {  	s15 =	simm.s32 $0x50;
	v1 =	vld.idx.msk [tilespmem:v2+s22+$0x0], $0xffff  }
0x1b4: {  	v2 =	vmov s15  }
0x1b5: {  	v2 =	vshll.u32 v2, $0x3  }
0x1b6: {  	v2 =	vor.u32 v0, v2;
	_ =	sdelay $0x1  }
0x1b7: {  	v3 =	vunpack.i.l.bf16.f32 v1  }
0x1b8: {  	v1 =	vunpack.i.u.bf16.f32 v1;
	[tilespmem:s13+$0x7C0] =	vst v3  }
0x1b9: {  	[tilespmem:s13+$0x840] =	vst v1  }
0x1ba: {  	v1 =	vld.idx.msk [tilespmem:v2+s22+$0x0], $0xffff;
	_ =	sdelay $0x2  }
0x1bb: {  	v3 =	vor.u32 $0x1, v2;
	_ =	sdelay $0x1  }
0x1bc: {  	v4 =	vunpack.i.l.bf16.f32 v1  }
0x1bd: {  	v1 =	vunpack.i.u.bf16.f32 v1;
	[tilespmem:s13+$0xFFFFF7D0] =	vst v4  }
0x1be: {  	[tilespmem:s13+$0xFFFFF850] =	vst v1  }
0x1bf: {  	v1 =	vld.idx.msk [tilespmem:v3+s22+$0x0], $0xffff;
	_ =	sdelay $0x2  }
0x1c0: {  	v2 =	vor.u32 $0x2, v2;
	_ =	sdelay $0x1  }
0x1c1: {  	v3 =	vunpack.i.l.bf16.f32 v1  }
0x1c2: {  	v1 =	vunpack.i.u.bf16.f32 v1;
	[tilespmem:s13+$0xFFFFFFD0] =	vst v3  }
0x1c3: {  	[tilespmem:s13+$0x50] =	vst v1  }
0x1c4: {  	s16 =	simm.s32 $0x60;
	v1 =	vld.idx.msk [tilespmem:v2+s22+$0x0], $0xffff  }
0x1c5: {  	v2 =	vmov s16  }
0x1c6: {  	v2 =	vshll.u32 v2, $0x3  }
0x1c7: {  	v2 =	vor.u32 v0, v2;
	_ =	sdelay $0x1  }
0x1c8: {  	v3 =	vunpack.i.l.bf16.f32 v1  }
0x1c9: {  	v1 =	vunpack.i.u.bf16.f32 v1;
	[tilespmem:s13+$0x7D0] =	vst v3  }
0x1ca: {  	[tilespmem:s13+$0x850] =	vst v1  }
0x1cb: {  	v1 =	vld.idx.msk [tilespmem:v2+s22+$0x0], $0xffff;
	_ =	sdelay $0x2  }
0x1cc: {  	v3 =	vor.u32 $0x1, v2;
	_ =	sdelay $0x1  }
0x1cd: {  	v4 =	vunpack.i.l.bf16.f32 v1  }
0x1ce: {  	v1 =	vunpack.i.u.bf16.f32 v1;
	[tilespmem:s13+$0xFFFFF7E0] =	vst v4  }
0x1cf: {  	[tilespmem:s13+$0xFFFFF860] =	vst v1  }
0x1d0: {  	v1 =	vld.idx.msk [tilespmem:v3+s22+$0x0], $0xffff;
	_ =	sdelay $0x2  }
0x1d1: {  	v2 =	vor.u32 $0x2, v2;
	_ =	sdelay $0x1  }
0x1d2: {  	v3 =	vunpack.i.l.bf16.f32 v1  }
0x1d3: {  	v1 =	vunpack.i.u.bf16.f32 v1;
	[tilespmem:s13+$0xFFFFFFE0] =	vst v3  }
0x1d4: {  	[tilespmem:s13+$0x60] =	vst v1  }
0x1d5: {  	s14 =	simm.s32 $0x70;
	v1 =	vld.idx.msk [tilespmem:v2+s22+$0x0], $0xffff  }
0x1d6: {  	v2 =	vmov s14  }
0x1d7: {  	v2 =	vshll.u32 v2, $0x3  }
0x1d8: {  	v3 =	vor.u32 v0, v2;
	_ =	sdelay $0x1  }
0x1d9: {  	v2 =	vunpack.i.l.bf16.f32 v1  }
0x1da: {  	v1 =	vunpack.i.u.bf16.f32 v1;
	[tilespmem:s13+$0x7E0] =	vst v2  }
0x1db: {  	[tilespmem:s13+$0x860] =	vst v1  }
0x1dc: {  	s7 =	simm.s32 $0x0;
	s9 =	simm.s32 $0x18E80;
	v2 =	vor.u32 $0x1, v3;
	v1 =	vor.u32 $0x2, v3;
	v3 =	vld.idx.msk [tilespmem:v3+s22+$0x0], $0xffff  }
.LBB2_12:
0x1dd: {  	s7 =	sadd.s32 $0x8, s7;
	s14 =	sadd.s32 $0x80, s14;
	s13 =	sadd.s32 $0x100, s13  }
0x1de: {  	p0 =	slt.u32 s7, $0x38;
	_ =	sdelay $0x2  }
0x1df: {  	v4 =	vunpack.i.u.bf16.f32 v3;
	v3 =	vunpack.i.l.bf16.f32 v3  }
0x1e0: {  	[tilespmem:s9+$0xFFFFF7F0] =	vst v3  }
0x1e1: {  	[tilespmem:s9+$0xFFFFF870] =	vst v4  }
0x1e2: {  	v2 =	vld.idx.msk [tilespmem:v2+s22+$0x0], $0xffff;
	_ =	sdelay $0x5  }
0x1e3: {  	v3 =	vunpack.i.u.bf16.f32 v2;
	v2 =	vunpack.i.l.bf16.f32 v2  }
0x1e4: {  	[tilespmem:s9+$0xFFFFFFF0] =	vst v2  }
0x1e5: {  	[tilespmem:s9+$0x70] =	vst v3  }
0x1e6: {  	v1 =	vld.idx.msk [tilespmem:v1+s22+$0x0], $0xffff  }
0x1e7: {  	s15 =	sadd.s32 $0xFFFFFF90, s14  }
0x1e8: {  	v2 =	vmov s15  }
0x1e9: {  	v2 =	vshll.u32 v2, $0x3  }
0x1ea: {  	v2 =	vor.u32 v0, v2;
	_ =	sdelay $0x1  }
0x1eb: {  	v3 =	vunpack.i.u.bf16.f32 v1;
	v1 =	vunpack.i.l.bf16.f32 v1  }
0x1ec: {  	[tilespmem:s9+$0x7F0] =	vst v1  }
0x1ed: {  	[tilespmem:s9+$0x870] =	vst v3;
	s9 =	smov.u32 s13  }
0x1ee: {  	v1 =	vld.idx.msk [tilespmem:v2+s22+$0x0], $0xffff;
	_ =	sdelay $0x2  }
0x1ef: {  	v3 =	vor.u32 $0x1, v2;
	_ =	sdelay $0x2  }
0x1f0: {  	v4 =	vunpack.i.u.bf16.f32 v1;
	v1 =	vunpack.i.l.bf16.f32 v1  }
0x1f1: {  	[tilespmem:s13+$0xFFFFF780] =	vst v1  }
0x1f2: {  	[tilespmem:s13+$0xFFFFF800] =	vst v4  }
0x1f3: {  	v1 =	vld.idx.msk [tilespmem:v3+s22+$0x0], $0xffff;
	_ =	sdelay $0x1  }
0x1f4: {  	v2 =	vor.u32 $0x2, v2;
	_ =	sdelay $0x3  }
0x1f5: {  	v3 =	vunpack.i.u.bf16.f32 v1;
	v1 =	vunpack.i.l.bf16.f32 v1  }
0x1f6: {  	s15 =	sadd.s32 $0xFFFFFFA0, s14;
	[tilespmem:s13+$0xFFFFFF80] =	vst v1  }
0x1f7: {  	v1 =	vmov s15;
	[tilespmem:s13+$0x0] =	vst v3  }
0x1f8: {  	v1 =	vshll.u32 v1, $0x3;
	v2 =	vld.idx.msk [tilespmem:v2+s22+$0x0], $0xffff  }
0x1f9: {  	v1 =	vor.u32 v0, v1;
	_ =	sdelay $0x4  }
0x1fa: {  	v3 =	vunpack.i.u.bf16.f32 v2;
	v2 =	vunpack.i.l.bf16.f32 v2  }
0x1fb: {  	[tilespmem:s13+$0x780] =	vst v2  }
0x1fc: {  	[tilespmem:s13+$0x800] =	vst v3  }
0x1fd: {  	v3 =	vor.u32 $0x1, v1;
	v2 =	vld.idx.msk [tilespmem:v1+s22+$0x0], $0xffff;
	_ =	sdelay $0x5  }
0x1fe: {  	v4 =	vunpack.i.u.bf16.f32 v2;
	v2 =	vunpack.i.l.bf16.f32 v2  }
0x1ff: {  	[tilespmem:s13+$0xFFFFF790] =	vst v2  }
0x200: {  	v1 =	vor.u32 $0x2, v1;
	[tilespmem:s13+$0xFFFFF810] =	vst v4  }
0x201: {  	v2 =	vld.idx.msk [tilespmem:v3+s22+$0x0], $0xffff;
	_ =	sdelay $0x3  }
0x202: {  	s15 =	sadd.s32 $0xFFFFFFB0, s14  }
0x203: {  	v3 =	vmov s15  }
0x204: {  	v3 =	vshll.u32 v3, $0x3;
	v4 =	vunpack.i.u.bf16.f32 v2;
	v2 =	vunpack.i.l.bf16.f32 v2  }
0x205: {  	[tilespmem:s13+$0xFFFFFF90] =	vst v2;
	v2 =	vor.u32 v0, v3  }
0x206: {  	[tilespmem:s13+$0x10] =	vst v4  }
0x207: {  	v1 =	vld.idx.msk [tilespmem:v1+s22+$0x0], $0xffff;
	_ =	sdelay $0x5  }
0x208: {  	v4 =	vor.u32 $0x1, v2;
	v3 =	vunpack.i.u.bf16.f32 v1;
	v1 =	vunpack.i.l.bf16.f32 v1  }
0x209: {  	[tilespmem:s13+$0x790] =	vst v1  }
0x20a: {  	[tilespmem:s13+$0x810] =	vst v3  }
0x20b: {  	v1 =	vld.idx.msk [tilespmem:v2+s22+$0x0], $0xffff;
	_ =	sdelay $0x4  }
0x20c: {  	v2 =	vor.u32 $0x2, v2  }
0x20d: {  	v3 =	vunpack.i.u.bf16.f32 v1;
	v1 =	vunpack.i.l.bf16.f32 v1  }
0x20e: {  	[tilespmem:s13+$0xFFFFF7A0] =	vst v1  }
0x20f: {  	[tilespmem:s13+$0xFFFFF820] =	vst v3  }
0x210: {  	v1 =	vld.idx.msk [tilespmem:v4+s22+$0x0], $0xffff  }
0x211: {  	s15 =	sadd.s32 $0xFFFFFFC0, s14  }
0x212: {  	v3 =	vmov s15  }
0x213: {  	v3 =	vshll.u32 v3, $0x3  }
0x214: {  	v3 =	vor.u32 v0, v3;
	_ =	sdelay $0x1  }
0x215: {  	v4 =	vunpack.i.u.bf16.f32 v1;
	v1 =	vunpack.i.l.bf16.f32 v1  }
0x216: {  	[tilespmem:s13+$0xFFFFFFA0] =	vst v1  }
0x217: {  	[tilespmem:s13+$0x20] =	vst v4  }
0x218: {  	v1 =	vld.idx.msk [tilespmem:v2+s22+$0x0], $0xffff;
	_ =	sdelay $0x2  }
0x219: {  	v2 =	vor.u32 $0x1, v3;
	_ =	sdelay $0x2  }
0x21a: {  	v4 =	vunpack.i.u.bf16.f32 v1;
	v1 =	vunpack.i.l.bf16.f32 v1  }
0x21b: {  	[tilespmem:s13+$0x7A0] =	vst v1  }
0x21c: {  	[tilespmem:s13+$0x820] =	vst v4  }
0x21d: {  	v1 =	vld.idx.msk [tilespmem:v3+s22+$0x0], $0xffff;
	_ =	sdelay $0x1  }
0x21e: {  	v3 =	vor.u32 $0x2, v3;
	_ =	sdelay $0x3  }
0x21f: {  	v4 =	vunpack.i.u.bf16.f32 v1;
	v1 =	vunpack.i.l.bf16.f32 v1  }
0x220: {  	s15 =	sadd.s32 $0xFFFFFFD0, s14;
	[tilespmem:s13+$0xFFFFF7B0] =	vst v1  }
0x221: {  	v1 =	vmov s15;
	[tilespmem:s13+$0xFFFFF830] =	vst v4  }
0x222: {  	v1 =	vshll.u32 v1, $0x3;
	v2 =	vld.idx.msk [tilespmem:v2+s22+$0x0], $0xffff  }
0x223: {  	v1 =	vor.u32 v0, v1;
	_ =	sdelay $0x4  }
0x224: {  	v4 =	vunpack.i.u.bf16.f32 v2;
	v2 =	vunpack.i.l.bf16.f32 v2  }
0x225: {  	[tilespmem:s13+$0xFFFFFFB0] =	vst v2  }
0x226: {  	[tilespmem:s13+$0x30] =	vst v4  }
0x227: {  	v2 =	vld.idx.msk [tilespmem:v3+s22+$0x0], $0xffff;
	v3 =	vor.u32 $0x1, v1;
	_ =	sdelay $0x5  }
0x228: {  	v4 =	vunpack.i.u.bf16.f32 v2;
	v2 =	vunpack.i.l.bf16.f32 v2  }
0x229: {  	[tilespmem:s13+$0x7B0] =	vst v2  }
0x22a: {  	v2 =	vor.u32 $0x2, v1;
	[tilespmem:s13+$0x830] =	vst v4  }
0x22b: {  	v1 =	vld.idx.msk [tilespmem:v1+s22+$0x0], $0xffff;
	_ =	sdelay $0x3  }
0x22c: {  	s15 =	sadd.s32 $0xFFFFFFE0, s14  }
0x22d: {  	v4 =	vmov s15  }
0x22e: {  	v4 =	vshll.u32 v4, $0x3;
	v5 =	vunpack.i.u.bf16.f32 v1;
	v1 =	vunpack.i.l.bf16.f32 v1  }
0x22f: {  	[tilespmem:s13+$0xFFFFF7C0] =	vst v1;
	v1 =	vor.u32 v0, v4  }
0x230: {  	[tilespmem:s13+$0xFFFFF840] =	vst v5  }
0x231: {  	v3 =	vld.idx.msk [tilespmem:v3+s22+$0x0], $0xffff;
	_ =	sdelay $0x5  }
0x232: {  	v5 =	vor.u32 $0x1, v1;
	v4 =	vunpack.i.u.bf16.f32 v3;
	v3 =	vunpack.i.l.bf16.f32 v3  }
0x233: {  	[tilespmem:s13+$0xFFFFFFC0] =	vst v3  }
0x234: {  	[tilespmem:s13+$0x40] =	vst v4  }
0x235: {  	v2 =	vld.idx.msk [tilespmem:v2+s22+$0x0], $0xffff;
	_ =	sdelay $0x4  }
0x236: {  	v3 =	vor.u32 $0x2, v1  }
0x237: {  	v4 =	vunpack.i.u.bf16.f32 v2;
	v2 =	vunpack.i.l.bf16.f32 v2  }
0x238: {  	[tilespmem:s13+$0x7C0] =	vst v2  }
0x239: {  	[tilespmem:s13+$0x840] =	vst v4  }
0x23a: {  	v1 =	vld.idx.msk [tilespmem:v1+s22+$0x0], $0xffff  }
0x23b: {  	s15 =	sadd.s32 $0xFFFFFFF0, s14  }
0x23c: {  	v2 =	vmov s15  }
0x23d: {  	v2 =	vshll.u32 v2, $0x3  }
0x23e: {  	v2 =	vor.u32 v0, v2;
	_ =	sdelay $0x1  }
0x23f: {  	v4 =	vunpack.i.u.bf16.f32 v1;
	v1 =	vunpack.i.l.bf16.f32 v1  }
0x240: {  	[tilespmem:s13+$0xFFFFF7D0] =	vst v1  }
0x241: {  	[tilespmem:s13+$0xFFFFF850] =	vst v4  }
0x242: {  	v1 =	vld.idx.msk [tilespmem:v5+s22+$0x0], $0xffff;
	_ =	sdelay $0x2  }
0x243: {  	v4 =	vor.u32 $0x1, v2;
	_ =	sdelay $0x2  }
0x244: {  	v5 =	vunpack.i.u.bf16.f32 v1;
	v1 =	vunpack.i.l.bf16.f32 v1  }
0x245: {  	[tilespmem:s13+$0xFFFFFFD0] =	vst v1  }
0x246: {  	[tilespmem:s13+$0x50] =	vst v5  }
0x247: {  	v1 =	vld.idx.msk [tilespmem:v3+s22+$0x0], $0xffff;
	_ =	sdelay $0x1  }
0x248: {  	v3 =	vor.u32 $0x2, v2;
	_ =	sdelay $0x3  }
0x249: {  	v5 =	vunpack.i.u.bf16.f32 v1;
	v1 =	vunpack.i.l.bf16.f32 v1  }
0x24a: {  	[tilespmem:s13+$0x7D0] =	vst v1  }
0x24b: {  	v1 =	vmov s14;
	[tilespmem:s13+$0x850] =	vst v5  }
0x24c: {  	v1 =	vshll.u32 v1, $0x3;
	v2 =	vld.idx.msk [tilespmem:v2+s22+$0x0], $0xffff  }
0x24d: {  	v5 =	vor.u32 v0, v1;
	_ =	sdelay $0x4  }
0x24e: {  	v1 =	vunpack.i.u.bf16.f32 v2;
	v2 =	vunpack.i.l.bf16.f32 v2  }
0x24f: {  	[tilespmem:s13+$0xFFFFF7E0] =	vst v2  }
0x250: {  	[tilespmem:s13+$0xFFFFF860] =	vst v1  }
0x251: {  	v2 =	vor.u32 $0x1, v5;
	v1 =	vld.idx.msk [tilespmem:v4+s22+$0x0], $0xffff;
	_ =	sdelay $0x5  }
0x252: {  	v4 =	vunpack.i.u.bf16.f32 v1;
	v1 =	vunpack.i.l.bf16.f32 v1  }
0x253: {  	[tilespmem:s13+$0xFFFFFFE0] =	vst v1  }
0x254: {  	v1 =	vor.u32 $0x2, v5;
	[tilespmem:s13+$0x60] =	vst v4  }
0x255: {  	v3 =	vld.idx.msk [tilespmem:v3+s22+$0x0], $0xffff;
	_ =	sdelay $0x4  }
.Ltmp6:
0x256: {  	(pc) =	sbr.rel @p0 .LBB2_12-.Ltmp6, $4  }
0x257: {  	v4 =	vunpack.i.u.bf16.f32 v3;
	v3 =	vunpack.i.l.bf16.f32 v3  }
0x258: {  	[tilespmem:s13+$0x7E0] =	vst v3  }
0x259: {  	[tilespmem:s13+$0x860] =	vst v4  }
0x25a: {  	v3 =	vld.idx.msk [tilespmem:v5+s22+$0x0], $0xffff  }
0x25b: {  	_ =	sdelay $0x3  }
0x25c: {  	v4 =	vunpack.i.l.bf16.f32 v3  }
0x25d: {  	v3 =	vunpack.i.u.bf16.f32 v3;
	[tilespmem:s9+$0xFFFFF7F0] =	vst v4  }
0x25e: {  	[tilespmem:s9+$0xFFFFF870] =	vst v3  }
0x25f: {  	v2 =	vld.idx.msk [tilespmem:v2+s22+$0x0], $0xffff;
	_ =	sdelay $0x4  }
0x260: {  	v3 =	vunpack.i.l.bf16.f32 v2  }
0x261: {  	v2 =	vunpack.i.u.bf16.f32 v2;
	[tilespmem:s9+$0xFFFFFFF0] =	vst v3  }
0x262: {  	[tilespmem:s9+$0x70] =	vst v2  }
0x263: {  	v1 =	vld.idx.msk [tilespmem:v1+s22+$0x0], $0xffff  }
0x264: {  	s7 =	sadd.s32 s6, s10  }
0x265: {  	s10 =	sshrl.u32 s7, $0x4  }
0x266: {  	s7 =	sshll.u32 s7, $0xB;
	s10 =	smul.u32 $0x18000, s10  }
0x267: {  	s7 =	sand.u32 $0x7800, s7  }
0x268: {  	s7 =	sor.u32 s7, s10;
	v2 =	vunpack.i.l.bf16.f32 v1  }
0x269: {  	s8 =	sadd.s32 $0x1, s8;
	s10 =	sshrl.u32 s7, $0x3;
	v1 =	vunpack.i.u.bf16.f32 v1;
	[tilespmem:s9+$0x7F0] =	vst v2  }
0x26a: {  	p0 =	sne.s32 s8, $0x32;
	s16 =	sadd.s32 $0x8000, s7;
	s15 =	sadd.s32 s2, s10;
	[tilespmem:s9+$0x870] =	vst v1  }
0x26b: {  	[hbm4b:s15+s4] =	stream.linear.scatter [tilespmem:s30], [sflag:$0x6], $0x800, $0x38;
	[tilespmem:$0x19E00] =	vst v63  }
.Ltmp7:
0x26c: {  	s7 =	sadd.s32 $0x10000, s7;
	s9 =	sshrl.u32 s16, $0x3;
	(pc) =	sbr.rel @p0 .LBB2_2-.Ltmp7, $4  }
0x26d: {  	s7 =	sshrl.u32 s7, $0x3;
	s9 =	sadd.s32 s2, s9  }
0x26e: {  	[hbm4b:s9+s4] =	stream.linear.scatter [tilespmem:s31], [sflag:$0x6], $0x800, $0x38;
	[tilespmem:$0x19E00] =	vst v63  }
0x26f: {  	s7 =	sadd.s32 s2, s7  }
0x270: {  	[hbm4b:s7+s4] =	stream.linear.scatter [tilespmem:s0], [sflag:$0x6], $0x800, $0x38;
	[tilespmem:$0x19E00] =	vst v63  }
0x271: {  	_ =	swait.ge [sflag:s1], $0x800  }
0x272: {  	[sflag:s1] =	ssyncset.done $0x0  }
0x273: {  	[sflag:s1] =	ssyncadd.s32 $0xFFFFF800  }
0x274: {  	_ =	swait.ge [sflag:s1], $0x800  }
0x275: {  	[sflag:s1] =	ssyncset.done $0x0  }
0x276: {  	[sflag:s1] =	ssyncadd.s32 $0xFFFFF800  }
0x277: {  	_ =	swait.ge [sflag:s1], $0x800  }
0x278: {  	[sflag:s1] =	ssyncset.done $0x0  }
0x279: {  	[sflag:s1] =	ssyncadd.s32 $0xFFFFF800  }
0x27a: {  	_ =	swait.ge [sflag:s29], $0x800  }
0x27b: {  	[sflag:s29] =	ssyncset.done $0x0  }
0x27c: {  	[sflag:s29] =	ssyncadd.s32 $0xFFFFF800  }
0x27d: {  	_ =	swait.ge [sflag:s29], $0x800  }
0x27e: {  	[sflag:s29] =	ssyncset.done $0x0  }
0x27f: {  	[sflag:s29] =	ssyncadd.s32 $0xFFFFF800  }
0x280: {  	_ =	swait.ge [sflag:s29], $0x800  }
0x281: {  	s8 =	rddreg [dreg:$0xa]  }
0x282: {  	s7 =	rddreg [dreg:$0x8];
	s8 =	sadd.s32 $0x1, s8  }
0x283: {  	p0 =	sne.s32 s8, s7  }
.Ltmp8:
0x284: {  	_ = 	snop;
	(pc) =	sbr.rel @p0 .LBB2_1-.Ltmp8, $3  }
0x285: {  	_ =	sdelay $0x1  }
0x286: {  	[sflag:s29] =	ssyncset.done $0x0  }
0x287: {  	[sflag:s29] =	ssyncadd.s32 $0xFFFFF800  }
0x288: {  	_ =	sfence.sel $0x180000  }
0x289: {  	[bflag:$0x0] =	sbarrier.arrive $0xFFFF  }
0x28a: {  	_ =	strace $0x90000047  }
0x28b: {  	s0 =	stileid.u32;
	[bflag:$0x2] =	sbarrier.arrive $0xFFFF  }
0x28c: {  	p0 =	sne.s32 s0, $0x0;
	s0 =	rddreg [dreg:$0x3]  }
0x28d: {  	s0 =	sadd.s32 @!p0 $0x100000, s0  }
0x28e: {  	[sflag:s0] =	ssyncadd.tile.s32 @!p0 $0x1;
	_ =	shalt  }
.Lfunc_end2:
_tile_overlayer_lowered:
.L_overlay_start_2:
0x28f: {  	(tag) =	ssettag $0x2  }
0x290: {  	s0 =	rddreg [dreg:$0x0];
	s2 =	stileid.u32  }
0x291: {  	s1 =	rddreg [dreg:$0x1];
	p0 =	sne.s32 s2, $0x0  }
0x292: {  	s3 =	rddreg [dreg:$0x2];
	[bflag:$0x3] =	sbarrier.arrive $0xFFFF;
	s2 =	simm.s32 @!p0 $0x1C07  }
0x293: {  	[timem:s3], [sflag:s2] =	dma.local @!p0 [hbm:s0], s1  }
0x294: {  	s0 =	simm.s32 @!p0 $0x7  }
0x295: {  	_ =	swait.ge @!p0 [sflag:s0], s1  }
0x296: {  	s1 =	ssub.s32 @!p0 $0x0, s1;
	[sflag:s0] =	ssyncset.done @!p0 $0x0  }
0x297: {  	[sflag:s0] =	ssyncadd.s32 @!p0 s1  }
0x298: {  	[bflag:$0x3] =	sbarrier.arrive $0xFFFF  }
0x299: {  	_ =	shalt  }

</sc_bundles>
